<compile_context>
chip_gen: v7x
topology: tpu7x:2x2x1
jax: 0.10.2.dev20260603
libtpu: 0.0.44.dev20260713+nightly
codegen_flags: <defaults>
</compile_context>

<pallas_src>
import functools

import jax
import jax.numpy as jnp
from jax import lax
from jax.experimental import pallas as pl
from jax.experimental.pallas import tpu as pltpu
from jax.experimental.pallas import tpu_sc as plsc

B = 16384
VOCAB = 1000000
ED = 32
HIST = 50
NLIN = 13
HID = 256

NC, NS, L = 2, 16, 16
NW = NC * NS
BPW = B // NW
CB = 16
NCH = BPW // CB


def _sc_gather(idx, table):
    mesh = plsc.VectorSubcoreMesh(core_axis_name="c", subcore_axis_name="s")

    @functools.partial(
        pl.kernel,
        out_type=jax.ShapeDtypeStruct((B, ED), jnp.float32),
        mesh=mesh,
        scratch_types=[
            pltpu.VMEM((BPW,), jnp.int32),
            pltpu.VMEM((BPW, ED), jnp.float32),
            pltpu.SemaphoreType.DMA,
        ],
        compiler_params=pltpu.CompilerParams(use_tc_tiling_on_sc=False),
    )
    def k(idx_h, tab_h, out_h, idx_v, rows_v, sem):
        wid = lax.axis_index("s") * NC + lax.axis_index("c")
        base = wid * BPW
        pltpu.sync_copy(idx_h.at[pl.ds(base, BPW)], idx_v)
        pltpu.async_copy(tab_h.at[idx_v], rows_v, sem).wait()
        pltpu.sync_copy(rows_v, out_h.at[pl.ds(base, BPW)])

    return k(idx, table)


def _sc_hist_pool(hist_flat, E_hist):
    mesh = plsc.VectorSubcoreMesh(core_axis_name="c", subcore_axis_name="s")

    @functools.partial(
        pl.kernel,
        out_type=jax.ShapeDtypeStruct((B, ED), jnp.float32),
        mesh=mesh,
        scratch_types=[
            pltpu.VMEM((CB * HIST,), jnp.int32),
            pltpu.VMEM((CB * HIST,), jnp.int32),
            pltpu.VMEM((CB * HIST, ED), jnp.float32),
            pltpu.VMEM((CB * HIST, ED), jnp.float32),
            pltpu.VMEM((CB, ED), jnp.float32),
            pltpu.SemaphoreType.DMA,
            pltpu.SemaphoreType.DMA,
        ],
        compiler_params=pltpu.CompilerParams(use_tc_tiling_on_sc=False),
    )
    def k(hist_h, eh_h, out_h,
          hidx_a, hidx_b, hrows_a, hrows_b, acc_v, sem_a, sem_b):
        wid = lax.axis_index("s") * NC + lax.axis_index("c")
        base = wid * BPW

        def start_hist(c, hidx_v, hrows_v, sem):
            cc = jnp.minimum(c, NCH - 1)
            row0 = (base + cc * CB) * HIST
            pltpu.sync_copy(hist_h.at[pl.ds(row0, CB * HIST)], hidx_v)
            pltpu.async_copy(eh_h.at[hidx_v], hrows_v, sem)

        def wait_hist(hidx_v, hrows_v, sem):
            pltpu.make_async_copy(eh_h.at[hidx_v], hrows_v, sem).wait()

        def pool_chunk(c, hrows_v):
            def row_body(b, carry):
                a0 = jnp.zeros((L,), jnp.float32)
                a1 = jnp.zeros((L,), jnp.float32)
                for j in range(HIST):
                    a0 = a0 + hrows_v[b * HIST + j, 0:L]
                    a1 = a1 + hrows_v[b * HIST + j, L:2 * L]
                acc_v[b, 0:L] = a0
                acc_v[b, L:2 * L] = a1
                return carry

            lax.fori_loop(0, CB, row_body, 0)
            pltpu.sync_copy(acc_v, out_h.at[pl.ds(base + c * CB, CB)])

        start_hist(0, hidx_a, hrows_a, sem_a)
        start_hist(1, hidx_b, hrows_b, sem_b)

        def pair_body(i, carry):
            a = 2 * i
            wait_hist(hidx_a, hrows_a, sem_a)
            pool_chunk(a, hrows_a)
            start_hist(a + 2, hidx_a, hrows_a, sem_a)
            wait_hist(hidx_b, hrows_b, sem_b)
            pool_chunk(a + 1, hrows_b)
            start_hist(a + 3, hidx_b, hrows_b, sem_b)
            return carry

        lax.fori_loop(0, NCH // 2, pair_body, 0)
        wait_hist(hidx_a, hrows_a, sem_a)
        wait_hist(hidx_b, hrows_b, sem_b)

    return k(hist_flat, E_hist)


BT = 2048


def _tc_mlp(eu, ei, eh, dense, wd_t, bd, w1u, w1i, w1h, w1d, b1, w2_t, b2):
    grid = (B // BT,)

    def body(eu_ref, ei_ref, eh_ref, d_ref, wd_ref, bd_ref,
             w1u_ref, w1i_ref, w1h_ref, w1d_ref, b1_ref, w2_ref, b2_ref,
             o_ref):
        embd = jnp.dot(d_ref[...], wd_ref[...],
                       preferred_element_type=jnp.float32) + bd_ref[...]
        h1 = (jnp.dot(eu_ref[...], w1u_ref[...],
                      preferred_element_type=jnp.float32)
              + jnp.dot(ei_ref[...], w1i_ref[...],
                        preferred_element_type=jnp.float32)
              + jnp.dot(eh_ref[...], w1h_ref[...],
                        preferred_element_type=jnp.float32)
              + jnp.dot(embd, w1d_ref[...],
                        preferred_element_type=jnp.float32)
              + b1_ref[...])
        h1 = jnp.maximum(h1, 0.0)
        o_ref[...] = jnp.dot(h1, w2_ref[...],
                             preferred_element_type=jnp.float32) + b2_ref[...]

    batch_spec = lambda d: pl.BlockSpec((BT, d), lambda i: (i, 0))
    full = lambda a: pl.BlockSpec(a.shape, lambda i: (0,) * a.ndim)

    return pl.pallas_call(
        body,
        grid=grid,
        in_specs=[
            batch_spec(ED), batch_spec(ED), batch_spec(ED), batch_spec(NLIN),
            full(wd_t), full(bd), full(w1u), full(w1i), full(w1h), full(w1d),
            full(b1), full(w2_t), full(b2),
        ],
        out_specs=pl.BlockSpec((BT, 1), lambda i: (i, 0)),
        out_shape=jax.ShapeDtypeStruct((B, 1), jnp.float32),
    )(eu, ei, eh, dense, wd_t, bd, w1u, w1i, w1h, w1d, b1, w2_t, b2)


def kernel(user, item, hist, dense, E_user, E_item, E_hist,
           W_dense, b_dense, W1, b1, W2, b2):
    eu = _sc_gather(user.astype(jnp.int32), E_user)
    ei = _sc_gather(item.astype(jnp.int32), E_item)
    eh = _sc_hist_pool(hist.reshape(-1).astype(jnp.int32), E_hist)
    w1_t = W1.T
    return _tc_mlp(
        eu, ei, eh, dense,
        W_dense.T, b_dense.reshape(1, ED),
        w1_t[0 * ED:1 * ED], w1_t[1 * ED:2 * ED],
        w1_t[2 * ED:3 * ED], w1_t[3 * ED:4 * ED],
        b1.reshape(1, HID), W2.T, b2.reshape(1, 1))

# --- scband reference (transcript-rebuilt; emitter-appended) ---
"""Pipeline reference for scband-embedding-model-80668075753508 (READ-ONLY COPY).

The authoritative reference and input builder live on the scoring server;
editing this copy changes nothing except your own understanding.
"""

import jax, jax.numpy as jnp
import numpy as np

B = 16384
VOCAB = 1000000
ED = 32
NLIN = 13
HID = 256
OUT = 1
HIST = 50

def setup_inputs(seed: int = 0) -> dict:
    key = jax.random.key(seed)
    ks = jax.random.split(key, 12)
    user = jax.random.randint(ks[0], (B,), 0, VOCAB)
    item = jax.random.randint(ks[1], (B,), 0, VOCAB)
    hist = jax.random.randint(ks[2], (B, HIST), 0, VOCAB)
    dense = jax.random.normal(ks[3], (B, NLIN), dtype=jnp.float32)
    E_user = jax.random.normal(ks[4], (VOCAB, ED), dtype=jnp.float32) * 0.02
    E_item = jax.random.normal(ks[5], (VOCAB, ED), dtype=jnp.float32) * 0.02
    E_hist = jax.random.normal(ks[6], (VOCAB, ED), dtype=jnp.float32) * 0.02
    W_dense = jax.random.normal(ks[7], (ED, NLIN), dtype=jnp.float32) * 0.1
    b_dense = jnp.zeros((ED,), dtype=jnp.float32)
    W1 = jax.random.normal(ks[8], (HID, ED * 4), dtype=jnp.float32) * 0.05
    b1 = jnp.zeros((HID,), dtype=jnp.float32)
    W2 = jax.random.normal(ks[9], (OUT, HID), dtype=jnp.float32) * 0.05
    b2 = jnp.zeros((OUT,), dtype=jnp.float32)
    return {"user": user, "item": item, "hist": hist, "dense": dense,
            "E_user": E_user, "E_item": E_item, "E_hist": E_hist,
            "W_dense": W_dense, "b_dense": b_dense,
            "W1": W1, "b1": b1, "W2": W2, "b2": b2}

def reference(user, item, hist, dense, E_user, E_item, E_hist, W_dense, b_dense, W1, b1, W2, b2):
    emb_u = jnp.take(E_user, user, axis=0)
    emb_i = jnp.take(E_item, item, axis=0)
    emb_h = jnp.sum(jnp.take(E_hist, hist, axis=0), axis=1)  # multihot 'sum'
    emb_d = dense @ W_dense.T + b_dense
    combined = jnp.concatenate([emb_u, emb_i, emb_h, emb_d], axis=1)
    h = jax.nn.relu(combined @ W1.T + b1)
    return h @ W2.T + b2

if __name__ == "__main__":
    import jax
    _d = setup_inputs()
    print(jax.jit(kernel)(*tuple(_d.values())))

</pallas_src>

<mosaic_0001>
#map = affine_map<(d0, d1) -> (0)>
#map1 = affine_map<(d0, d1) -> (0, 0)>
module attributes {stable_mosaic.version = 14 : i64} {
  func.func @k(%arg0: i32, %arg1: i32, %arg2: memref<819200xi32, #tpu.memory_space<hbm>>, %arg3: memref<1000000x32xf32, #tpu.memory_space<hbm>>, %arg4: memref<16384x32xf32, #tpu.memory_space<hbm>>, %arg5: memref<800xi32, #tpu.memory_space<vmem>>, %arg6: memref<800xi32, #tpu.memory_space<vmem>>, %arg7: memref<800x32xf32, #tpu.memory_space<vmem>>, %arg8: memref<800x32xf32, #tpu.memory_space<vmem>>, %arg9: memref<16x32xf32, #tpu.memory_space<vmem>>, %arg10: memref<!tpu.dma_semaphore, #tpu.memory_space<semaphore_mem>>, %arg11: memref<!tpu.dma_semaphore, #tpu.memory_space<semaphore_mem>>) attributes {dimension_semantics = [#tpu.dimension_semantics<core_parallel>, #tpu.dimension_semantics<subcore_parallel>], iteration_bounds = array<i64: 2, 16>, scalar_prefetch = 0 : i64, scratch_operands = 7 : i64, tpu.core_type = #tpu.core_type<sc_vector_subcore>, window_params = [{transform_indices = #map}, {transform_indices = #map1}, {transform_indices = #map1}]} {
    %mul3A = arith.constant 2 : i32
    %mul3A_0 = arith.muli %arg1, %mul3A : i32
    %add3A = arith.addi %mul3A_0, %arg0 : i32
    %mul3A_1 = arith.constant 512 : i32
    %mul3A_2 = arith.muli %add3A, %mul3A_1 : i32
    %min3A = arith.constant 0 : i32
    %min3A_3 = arith.constant 31 : i32
    %min3A_4 = arith.minsi %min3A, %min3A_3 : i32
    %mul3A_5 = arith.constant 16 : i32
    %mul3A_6 = arith.muli %min3A_4, %mul3A_5 : i32
    %add3A_7 = arith.addi %mul3A_2, %mul3A_6 : i32
    %mul3A_8 = arith.constant 50 : i32
    %mul3A_9 = arith.muli %add3A_7, %mul3A_8 : i32
    "tpu.region"() ({
      %run_scoped3A = tpu.sem_alloc : memref<!tpu.dma_semaphore, #tpu.memory_space<semaphore_mem>>
      %dma_start3A_33 = tpu.memref_slice %arg2[%mul3A_9] : memref<819200xi32, #tpu.memory_space<hbm>> -> memref<800xi32, #tpu.memory_space<hbm>>
      %dma_start3A_34 = tpu.memref_slice %arg2[%mul3A_9] : memref<819200xi32, #tpu.memory_space<hbm>> -> memref<800xi32, #tpu.memory_space<hbm>>
      tpu.enqueue_dma source(%dma_start3A_34 : memref<800xi32, #tpu.memory_space<hbm>>) target(%arg5 : memref<800xi32, #tpu.memory_space<vmem>>) target_semaphore(%run_scoped3A : memref<!tpu.dma_semaphore, #tpu.memory_space<semaphore_mem>>)
      %dma_wait3A_35 = tpu.memref_slice %arg2[%mul3A_9] : memref<819200xi32, #tpu.memory_space<hbm>> -> memref<800xi32, #tpu.memory_space<hbm>>
      %dma_wait3A_36 = tpu.memref_slice %arg2[%mul3A_9] : memref<819200xi32, #tpu.memory_space<hbm>> -> memref<800xi32, #tpu.memory_space<hbm>>
      tpu.wait_dma2 semaphore(%run_scoped3A : memref<!tpu.dma_semaphore, #tpu.memory_space<semaphore_mem>>) src(%dma_wait3A_36 : memref<800xi32, #tpu.memory_space<hbm>>) dst(%arg5 : memref<800xi32, #tpu.memory_space<vmem>>)
      tpu.yield
    }) : () -> ()
    %dma_start3A = arith.constant 0 : i32
    %dma_start3A_10 = arith.constant 0 : i32
    %dma_start3A_11 = tpu.memref_slice %arg3[%dma_start3A, %dma_start3A_10] : memref<1000000x32xf32, #tpu.memory_space<hbm>> -> memref<1000000x32xf32, #tpu.memory_space<hbm>>
    tpu.enqueue_indirect_dma source(%dma_start3A_11 : memref<1000000x32xf32, #tpu.memory_space<hbm>>) target(%arg7 : memref<800x32xf32, #tpu.memory_space<vmem>>) offsets(%arg5 : memref<800xi32, #tpu.memory_space<vmem>>) semaphore(%arg10 : memref<!tpu.dma_semaphore, #tpu.memory_space<semaphore_mem>>)
    %min3A_12 = arith.constant 1 : i32
    %min3A_13 = arith.constant 31 : i32
    %min3A_14 = arith.minsi %min3A_12, %min3A_13 : i32
    %mul3A_15 = arith.constant 16 : i32
    %mul3A_16 = arith.muli %min3A_14, %mul3A_15 : i32
    %add3A_17 = arith.addi %mul3A_2, %mul3A_16 : i32
    %mul3A_18 = arith.constant 50 : i32
    %mul3A_19 = arith.muli %add3A_17, %mul3A_18 : i32
    "tpu.region"() ({
      %run_scoped3A = tpu.sem_alloc : memref<!tpu.dma_semaphore, #tpu.memory_space<semaphore_mem>>
      %dma_start3A_33 = tpu.memref_slice %arg2[%mul3A_19] : memref<819200xi32, #tpu.memory_space<hbm>> -> memref<800xi32, #tpu.memory_space<hbm>>
      %dma_start3A_34 = tpu.memref_slice %arg2[%mul3A_19] : memref<819200xi32, #tpu.memory_space<hbm>> -> memref<800xi32, #tpu.memory_space<hbm>>
      tpu.enqueue_dma source(%dma_start3A_34 : memref<800xi32, #tpu.memory_space<hbm>>) target(%arg6 : memref<800xi32, #tpu.memory_space<vmem>>) target_semaphore(%run_scoped3A : memref<!tpu.dma_semaphore, #tpu.memory_space<semaphore_mem>>)
      %dma_wait3A_35 = tpu.memref_slice %arg2[%mul3A_19] : memref<819200xi32, #tpu.memory_space<hbm>> -> memref<800xi32, #tpu.memory_space<hbm>>
      %dma_wait3A_36 = tpu.memref_slice %arg2[%mul3A_19] : memref<819200xi32, #tpu.memory_space<hbm>> -> memref<800xi32, #tpu.memory_space<hbm>>
      tpu.wait_dma2 semaphore(%run_scoped3A : memref<!tpu.dma_semaphore, #tpu.memory_space<semaphore_mem>>) src(%dma_wait3A_36 : memref<800xi32, #tpu.memory_space<hbm>>) dst(%arg6 : memref<800xi32, #tpu.memory_space<vmem>>)
      tpu.yield
    }) : () -> ()
    %dma_start3A_20 = arith.constant 0 : i32
    %dma_start3A_21 = arith.constant 0 : i32
    %dma_start3A_22 = tpu.memref_slice %arg3[%dma_start3A_20, %dma_start3A_21] : memref<1000000x32xf32, #tpu.memory_space<hbm>> -> memref<1000000x32xf32, #tpu.memory_space<hbm>>
    tpu.enqueue_indirect_dma source(%dma_start3A_22 : memref<1000000x32xf32, #tpu.memory_space<hbm>>) target(%arg8 : memref<800x32xf32, #tpu.memory_space<vmem>>) offsets(%arg6 : memref<800xi32, #tpu.memory_space<vmem>>) semaphore(%arg11 : memref<!tpu.dma_semaphore, #tpu.memory_space<semaphore_mem>>)
    %scan3A = arith.constant 0 : i32
    %scan3A_23 = arith.constant 0 : i32
    %scan3A_24 = arith.constant 16 : i32
    %scan3A_25 = arith.addi %scan3A_23, %scan3A_24 : i32
    %scan3A_26 = arith.constant 1 : i32
    scf.for %scan3A_33 = %scan3A_23 to %scan3A_25 step %scan3A_26  : i32 {
      %mul3A_34 = arith.constant 2 : i32
      %mul3A_35 = arith.muli %mul3A_34, %scan3A_33 : i32
      %dma_wait3A_36 = arith.constant 0 : i32
      %dma_wait3A_37 = arith.constant 0 : i32
      %dma_wait3A_38 = tpu.memref_slice %arg3[%dma_wait3A_36, %dma_wait3A_37] : memref<1000000x32xf32, #tpu.memory_space<hbm>> -> memref<1000000x32xf32, #tpu.memory_space<hbm>>
      tpu.wait_indirect_dma semaphore(%arg10 : memref<!tpu.dma_semaphore, #tpu.memory_space<semaphore_mem>>) src(%dma_wait3A_38 : memref<1000000x32xf32, #tpu.memory_space<hbm>>) dst(%arg7 : memref<800x32xf32, #tpu.memory_space<vmem>>)
      %scan3A_39 = arith.constant 0 : i32
      %scan3A_40 = arith.constant 0 : i32
      %scan3A_41 = arith.constant 16 : i32
      %scan3A_42 = arith.addi %scan3A_40, %scan3A_41 : i32
      %scan3A_43 = arith.constant 1 : i32
      scf.for %scan3A_86 = %scan3A_40 to %scan3A_42 step %scan3A_43  : i32 {
        %broadcast_in_dim3A = arith.constant 0.000000e+00 : f32
        %broadcast_in_dim3A_87 = vector.broadcast %broadcast_in_dim3A : f32 to vector<16xf32>
        %broadcast_in_dim3A_88 = arith.constant 0.000000e+00 : f32
        %broadcast_in_dim3A_89 = vector.broadcast %broadcast_in_dim3A_88 : f32 to vector<16xf32>
        %mul3A_90 = arith.constant 50 : i32
        %mul3A_91 = arith.muli %scan3A_86, %mul3A_90 : i32
        %add3A_92 = arith.constant 0 : i32
        %add3A_93 = arith.addi %mul3A_91, %add3A_92 : i32
        %get3A = arith.index_cast %add3A_93 : i32 to index
        %get3A_94 = arith.constant 0 : index
        %get3A_95 = tpu.vector_load %arg7[%get3A, %get3A_94] {strides = array<i32>} : memref<800x32xf32, #tpu.memory_space<vmem>>, vector<1x16xf32>,
        %get3A_96 = vector.shape_cast %get3A_95 : vector<1x16xf32> to vector<16xf32>
        %add3A_97 = arith.addf %broadcast_in_dim3A_87, %get3A_96 : vector<16xf32>
        %mul3A_98 = arith.constant 50 : i32
        %mul3A_99 = arith.muli %scan3A_86, %mul3A_98 : i32
        %add3A_100 = arith.constant 0 : i32
        %add3A_101 = arith.addi %mul3A_99, %add3A_100 : i32
        %get3A_102 = arith.index_cast %add3A_101 : i32 to index
        %get3A_103 = arith.constant 16 : index
        %get3A_104 = tpu.vector_load %arg7[%get3A_102, %get3A_103] {strides = array<i32>} : memref<800x32xf32, #tpu.memory_space<vmem>>, vector<1x16xf32>,
        %get3A_105 = vector.shape_cast %get3A_104 : vector<1x16xf32> to vector<16xf32>
        %add3A_106 = arith.addf %broadcast_in_dim3A_89, %get3A_105 : vector<16xf32>
        %mul3A_107 = arith.constant 50 : i32
        %mul3A_108 = arith.muli %scan3A_86, %mul3A_107 : i32
        %add3A_109 = arith.constant 1 : i32
        %add3A_110 = arith.addi %mul3A_108, %add3A_109 : i32
        %get3A_111 = arith.index_cast %add3A_110 : i32 to index
        %get3A_112 = arith.constant 0 : index
        %get3A_113 = tpu.vector_load %arg7[%get3A_111, %get3A_112] {strides = array<i32>} : memref<800x32xf32, #tpu.memory_space<vmem>>, vector<1x16xf32>,
        %get3A_114 = vector.shape_cast %get3A_113 : vector<1x16xf32> to vector<16xf32>
        %add3A_115 = arith.addf %add3A_97, %get3A_114 : vector<16xf32>
        %mul3A_116 = arith.constant 50 : i32
        %mul3A_117 = arith.muli %scan3A_86, %mul3A_116 : i32
        %add3A_118 = arith.constant 1 : i32
        %add3A_119 = arith.addi %mul3A_117, %add3A_118 : i32
        %get3A_120 = arith.index_cast %add3A_119 : i32 to index
        %get3A_121 = arith.constant 16 : index
        %get3A_122 = tpu.vector_load %arg7[%get3A_120, %get3A_121] {strides = array<i32>} : memref<800x32xf32, #tpu.memory_space<vmem>>, vector<1x16xf32>,
        %get3A_123 = vector.shape_cast %get3A_122 : vector<1x16xf32> to vector<16xf32>
        %add3A_124 = arith.addf %add3A_106, %get3A_123 : vector<16xf32>
        %mul3A_125 = arith.constant 50 : i32
        %mul3A_126 = arith.muli %scan3A_86, %mul3A_125 : i32
        %add3A_127 = arith.constant 2 : i32
        %add3A_128 = arith.addi %mul3A_126, %add3A_127 : i32
        %get3A_129 = arith.index_cast %add3A_128 : i32 to index
        %get3A_130 = arith.constant 0 : index
        %get3A_131 = tpu.vector_load %arg7[%get3A_129, %get3A_130] {strides = array<i32>} : memref<800x32xf32, #tpu.memory_space<vmem>>, vector<1x16xf32>,
        %get3A_132 = vector.shape_cast %get3A_131 : vector<1x16xf32> to vector<16xf32>
        %add3A_133 = arith.addf %add3A_115, %get3A_132 : vector<16xf32>
        %mul3A_134 = arith.constant 50 : i32
        %mul3A_135 = arith.muli %scan3A_86, %mul3A_134 : i32
        %add3A_136 = arith.constant 2 : i32
        %add3A_137 = arith.addi %mul3A_135, %add3A_136 : i32
        %get3A_138 = arith.index_cast %add3A_137 : i32 to index
        %get3A_139 = arith.constant 16 : index
        %get3A_140 = tpu.vector_load %arg7[%get3A_138, %get3A_139] {strides = array<i32>} : memref<800x32xf32, #tpu.memory_space<vmem>>, vector<1x16xf32>,
        %get3A_141 = vector.shape_cast %get3A_140 : vector<1x16xf32> to vector<16xf32>
        %add3A_142 = arith.addf %add3A_124, %get3A_141 : vector<16xf32>
        %mul3A_143 = arith.constant 50 : i32
        %mul3A_144 = arith.muli %scan3A_86, %mul3A_143 : i32
        %add3A_145 = arith.constant 3 : i32
        %add3A_146 = arith.addi %mul3A_144, %add3A_145 : i32
        %get3A_147 = arith.index_cast %add3A_146 : i32 to index
        %get3A_148 = arith.constant 0 : index
        %get3A_149 = tpu.vector_load %arg7[%get3A_147, %get3A_148] {strides = array<i32>} : memref<800x32xf32, #tpu.memory_space<vmem>>, vector<1x16xf32>,
        %get3A_150 = vector.shape_cast %get3A_149 : vector<1x16xf32> to vector<16xf32>
        %add3A_151 = arith.addf %add3A_133, %get3A_150 : vector<16xf32>
        %mul3A_152 = arith.constant 50 : i32
        %mul3A_153 = arith.muli %scan3A_86, %mul3A_152 : i32
        %add3A_154 = arith.constant 3 : i32
        %add3A_155 = arith.addi %mul3A_153, %add3A_154 : i32
        %get3A_156 = arith.index_cast %add3A_155 : i32 to index
        %get3A_157 = arith.constant 16 : index
        %get3A_158 = tpu.vector_load %arg7[%get3A_156, %get3A_157] {strides = array<i32>} : memref<800x32xf32, #tpu.memory_space<vmem>>, vector<1x16xf32>,
        %get3A_159 = vector.shape_cast %get3A_158 : vector<1x16xf32> to vector<16xf32>
        %add3A_160 = arith.addf %add3A_142, %get3A_159 : vector<16xf32>
        %mul3A_161 = arith.constant 50 : i32
        %mul3A_162 = arith.muli %scan3A_86, %mul3A_161 : i32
        %add3A_163 = arith.constant 4 : i32
        %add3A_164 = arith.addi %mul3A_162, %add3A_163 : i32
        %get3A_165 = arith.index_cast %add3A_164 : i32 to index
        %get3A_166 = arith.constant 0 : index
        %get3A_167 = tpu.vector_load %arg7[%get3A_165, %get3A_166] {strides = array<i32>} : memref<800x32xf32, #tpu.memory_space<vmem>>, vector<1x16xf32>,
        %get3A_168 = vector.shape_cast %get3A_167 : vector<1x16xf32> to vector<16xf32>
        %add3A_169 = arith.addf %add3A_151, %get3A_168 : vector<16xf32>
        %mul3A_170 = arith.constant 50 : i32
        %mul3A_171 = arith.muli %scan3A_86, %mul3A_170 : i32
        %add3A_172 = arith.constant 4 : i32
        %add3A_173 = arith.addi %mul3A_171, %add3A_172 : i32
        %get3A_174 = arith.index_cast %add3A_173 : i32 to index
        %get3A_175 = arith.constant 16 : index
        %get3A_176 = tpu.vector_load %arg7[%get3A_174, %get3A_175] {strides = array<i32>} : memref<800x32xf32, #tpu.memory_space<vmem>>, vector<1x16xf32>,
        %get3A_177 = vector.shape_cast %get3A_176 : vector<1x16xf32> to vector<16xf32>
        %add3A_178 = arith.addf %add3A_160, %get3A_177 : vector<16xf32>
        %mul3A_179 = arith.constant 50 : i32
        %mul3A_180 = arith.muli %scan3A_86, %mul3A_179 : i32
        %add3A_181 = arith.constant 5 : i32
        %add3A_182 = arith.addi %mul3A_180, %add3A_181 : i32
        %get3A_183 = arith.index_cast %add3A_182 : i32 to index
        %get3A_184 = arith.constant 0 : index
        %get3A_185 = tpu.vector_load %arg7[%get3A_183, %get3A_184] {strides = array<i32>} : memref<800x32xf32, #tpu.memory_space<vmem>>, vector<1x16xf32>,
        %get3A_186 = vector.shape_cast %get3A_185 : vector<1x16xf32> to vector<16xf32>
        %add3A_187 = arith.addf %add3A_169, %get3A_186 : vector<16xf32>
        %mul3A_188 = arith.constant 50 : i32
        %mul3A_189 = arith.muli %scan3A_86, %mul3A_188 : i32
        %add3A_190 = arith.constant 5 : i32
        %add3A_191 = arith.addi %mul3A_189, %add3A_190 : i32
        %get3A_192 = arith.index_cast %add3A_191 : i32 to index
        %get3A_193 = arith.constant 16 : index
        %get3A_194 = tpu.vector_load %arg7[%get3A_192, %get3A_193] {strides = array<i32>} : memref<800x32xf32, #tpu.memory_space<vmem>>, vector<1x16xf32>,
        %get3A_195 = vector.shape_cast %get3A_194 : vector<1x16xf32> to vector<16xf32>
        %add3A_196 = arith.addf %add3A_178, %get3A_195 : vector<16xf32>
        %mul3A_197 = arith.constant 50 : i32
        %mul3A_198 = arith.muli %scan3A_86, %mul3A_197 : i32
        %add3A_199 = arith.constant 6 : i32
        %add3A_200 = arith.addi %mul3A_198, %add3A_199 : i32
        %get3A_201 = arith.index_cast %add3A_200 : i32 to index
        %get3A_202 = arith.constant 0 : index
        %get3A_203 = tpu.vector_load %arg7[%get3A_201, %get3A_202] {strides = array<i32>} : memref<800x32xf32, #tpu.memory_space<vmem>>, vector<1x16xf32>,
        %get3A_204 = vector.shape_cast %get3A_203 : vector<1x16xf32> to vector<16xf32>
        %add3A_205 = arith.addf %add3A_187, %get3A_204 : vector<16xf32>
        %mul3A_206 = arith.constant 50 : i32
        %mul3A_207 = arith.muli %scan3A_86, %mul3A_206 : i32
        %add3A_208 = arith.constant 6 : i32
        %add3A_209 = arith.addi %mul3A_207, %add3A_208 : i32
        %get3A_210 = arith.index_cast %add3A_209 : i32 to index
        %get3A_211 = arith.constant 16 : index
        %get3A_212 = tpu.vector_load %arg7[%get3A_210, %get3A_211] {strides = array<i32>} : memref<800x32xf32, #tpu.memory_space<vmem>>, vector<1x16xf32>,
        %get3A_213 = vector.shape_cast %get3A_212 : vector<1x16xf32> to vector<16xf32>
        %add3A_214 = arith.addf %add3A_196, %get3A_213 : vector<16xf32>
        %mul3A_215 = arith.constant 50 : i32
        %mul3A_216 = arith.muli %scan3A_86, %mul3A_215 : i32
        %add3A_217 = arith.constant 7 : i32
        %add3A_218 = arith.addi %mul3A_216, %add3A_217 : i32
        %get3A_219 = arith.index_cast %add3A_218 : i32 to index
        %get3A_220 = arith.constant 0 : index
        %get3A_221 = tpu.vector_load %arg7[%get3A_219, %get3A_220] {strides = array<i32>} : memref<800x32xf32, #tpu.memory_space<vmem>>, vector<1x16xf32>,
        %get3A_222 = vector.shape_cast %get3A_221 : vector<1x16xf32> to vector<16xf32>
        %add3A_223 = arith.addf %add3A_205, %get3A_222 : vector<16xf32>
        %mul3A_224 = arith.constant 50 : i32
        %mul3A_225 = arith.muli %scan3A_86, %mul3A_224 : i32
        %add3A_226 = arith.constant 7 : i32
        %add3A_227 = arith.addi %mul3A_225, %add3A_226 : i32
        %get3A_228 = arith.index_cast %add3A_227 : i32 to index
        %get3A_229 = arith.constant 16 : index
        %get3A_230 = tpu.vector_load %arg7[%get3A_228, %get3A_229] {strides = array<i32>} : memref<800x32xf32, #tpu.memory_space<vmem>>, vector<1x16xf32>,
        %get3A_231 = vector.shape_cast %get3A_230 : vector<1x16xf32> to vector<16xf32>
        %add3A_232 = arith.addf %add3A_214, %get3A_231 : vector<16xf32>
        %mul3A_233 = arith.constant 50 : i32
        %mul3A_234 = arith.muli %scan3A_86, %mul3A_233 : i32
        %add3A_235 = arith.constant 8 : i32
        %add3A_236 = arith.addi %mul3A_234, %add3A_235 : i32
        %get3A_237 = arith.index_cast %add3A_236 : i32 to index
        %get3A_238 = arith.constant 0 : index
        %get3A_239 = tpu.vector_load %arg7[%get3A_237, %get3A_238] {strides = array<i32>} : memref<800x32xf32, #tpu.memory_space<vmem>>, vector<1x16xf32>,
        %get3A_240 = vector.shape_cast %get3A_239 : vector<1x16xf32> to vector<16xf32>
        %add3A_241 = arith.addf %add3A_223, %get3A_240 : vector<16xf32>
        %mul3A_242 = arith.constant 50 : i32
        %mul3A_243 = arith.muli %scan3A_86, %mul3A_242 : i32
        %add3A_244 = arith.constant 8 : i32
        %add3A_245 = arith.addi %mul3A_243, %add3A_244 : i32
        %get3A_246 = arith.index_cast %add3A_245 : i32 to index
        %get3A_247 = arith.constant 16 : index
        %get3A_248 = tpu.vector_load %arg7[%get3A_246, %get3A_247] {strides = array<i32>} : memref<800x32xf32, #tpu.memory_space<vmem>>, vector<1x16xf32>,
        %get3A_249 = vector.shape_cast %get3A_248 : vector<1x16xf32> to vector<16xf32>
        %add3A_250 = arith.addf %add3A_232, %get3A_249 : vector<16xf32>
        %mul3A_251 = arith.constant 50 : i32
        %mul3A_252 = arith.muli %scan3A_86, %mul3A_251 : i32
        %add3A_253 = arith.constant 9 : i32
        %add3A_254 = arith.addi %mul3A_252, %add3A_253 : i32
        %get3A_255 = arith.index_cast %add3A_254 : i32 to index
        %get3A_256 = arith.constant 0 : index
        %get3A_257 = tpu.vector_load %arg7[%get3A_255, %get3A_256] {strides = array<i32>} : memref<800x32xf32, #tpu.memory_space<vmem>>, vector<1x16xf32>,
        %get3A_258 = vector.shape_cast %get3A_257 : vector<1x16xf32> to vector<16xf32>
        %add3A_259 = arith.addf %add3A_241, %get3A_258 : vector<16xf32>
        %mul3A_260 = arith.constant 50 : i32
        %mul3A_261 = arith.muli %scan3A_86, %mul3A_260 : i32
        %add3A_262 = arith.constant 9 : i32
        %add3A_263 = arith.addi %mul3A_261, %add3A_262 : i32
        %get3A_264 = arith.index_cast %add3A_263 : i32 to index
        %get3A_265 = arith.constant 16 : index
        %get3A_266 = tpu.vector_load %arg7[%get3A_264, %get3A_265] {strides = array<i32>} : memref<800x32xf32, #tpu.memory_space<vmem>>, vector<1x16xf32>,
        %get3A_267 = vector.shape_cast %get3A_266 : vector<1x16xf32> to vector<16xf32>
        %add3A_268 = arith.addf %add3A_250, %get3A_267 : vector<16xf32>
        %mul3A_269 = arith.constant 50 : i32
        %mul3A_270 = arith.muli %scan3A_86, %mul3A_269 : i32
        %add3A_271 = arith.constant 10 : i32
        %add3A_272 = arith.addi %mul3A_270, %add3A_271 : i32
        %get3A_273 = arith.index_cast %add3A_272 : i32 to index
        %get3A_274 = arith.constant 0 : index
        %get3A_275 = tpu.vector_load %arg7[%get3A_273, %get3A_274] {strides = array<i32>} : memref<800x32xf32, #tpu.memory_space<vmem>>, vector<1x16xf32>,
        %get3A_276 = vector.shape_cast %get3A_275 : vector<1x16xf32> to vector<16xf32>
        %add3A_277 = arith.addf %add3A_259, %get3A_276 : vector<16xf32>
        %mul3A_278 = arith.constant 50 : i32
        %mul3A_279 = arith.muli %scan3A_86, %mul3A_278 : i32
        %add3A_280 = arith.constant 10 : i32
        %add3A_281 = arith.addi %mul3A_279, %add3A_280 : i32
        %get3A_282 = arith.index_cast %add3A_281 : i32 to index
        %get3A_283 = arith.constant 16 : index
        %get3A_284 = tpu.vector_load %arg7[%get3A_282, %get3A_283] {strides = array<i32>} : memref<800x32xf32, #tpu.memory_space<vmem>>, vector<1x16xf32>,
        %get3A_285 = vector.shape_cast %get3A_284 : vector<1x16xf32> to vector<16xf32>
        %add3A_286 = arith.addf %add3A_268, %get3A_285 : vector<16xf32>
        %mul3A_287 = arith.constant 50 : i32
        %mul3A_288 = arith.muli %scan3A_86, %mul3A_287 : i32
        %add3A_289 = arith.constant 11 : i32
        %add3A_290 = arith.addi %mul3A_288, %add3A_289 : i32
        %get3A_291 = arith.index_cast %add3A_290 : i32 to index
        %get3A_292 = arith.constant 0 : index
        %get3A_293 = tpu.vector_load %arg7[%get3A_291, %get3A_292] {strides = array<i32>} : memref<800x32xf32, #tpu.memory_space<vmem>>, vector<1x16xf32>,
        %get3A_294 = vector.shape_cast %get3A_293 : vector<1x16xf32> to vector<16xf32>
        %add3A_295 = arith.addf %add3A_277, %get3A_294 : vector<16xf32>
        %mul3A_296 = arith.constant 50 : i32
        %mul3A_297 = arith.muli %scan3A_86, %mul3A_296 : i32
        %add3A_298 = arith.constant 11 : i32
        %add3A_299 = arith.addi %mul3A_297, %add3A_298 : i32
        %get3A_300 = arith.index_cast %add3A_299 : i32 to index
        %get3A_301 = arith.constant 16 : index
        %get3A_302 = tpu.vector_load %arg7[%get3A_300, %get3A_301] {strides = array<i32>} : memref<800x32xf32, #tpu.memory_space<vmem>>, vector<1x16xf32>,
        %get3A_303 = vector.shape_cast %get3A_302 : vector<1x16xf32> to vector<16xf32>
        %add3A_304 = arith.addf %add3A_286, %get3A_303 : vector<16xf32>
        %mul3A_305 = arith.constant 50 : i32
        %mul3A_306 = arith.muli %scan3A_86, %mul3A_305 : i32
        %add3A_307 = arith.constant 12 : i32
        %add3A_308 = arith.addi %mul3A_306, %add3A_307 : i32
        %get3A_309 = arith.index_cast %add3A_308 : i32 to index
        %get3A_310 = arith.constant 0 : index
        %get3A_311 = tpu.vector_load %arg7[%get3A_309, %get3A_310] {strides = array<i32>} : memref<800x32xf32, #tpu.memory_space<vmem>>, vector<1x16xf32>,
        %get3A_312 = vector.shape_cast %get3A_311 : vector<1x16xf32> to vector<16xf32>
        %add3A_313 = arith.addf %add3A_295, %get3A_312 : vector<16xf32>
        %mul3A_314 = arith.constant 50 : i32
        %mul3A_315 = arith.muli %scan3A_86, %mul3A_314 : i32
        %add3A_316 = arith.constant 12 : i32
        %add3A_317 = arith.addi %mul3A_315, %add3A_316 : i32
        %get3A_318 = arith.index_cast %add3A_317 : i32 to index
        %get3A_319 = arith.constant 16 : index
        %get3A_320 = tpu.vector_load %arg7[%get3A_318, %get3A_319] {strides = array<i32>} : memref<800x32xf32, #tpu.memory_space<vmem>>, vector<1x16xf32>,
        %get3A_321 = vector.shape_cast %get3A_320 : vector<1x16xf32> to vector<16xf32>
        %add3A_322 = arith.addf %add3A_304, %get3A_321 : vector<16xf32>
        %mul3A_323 = arith.constant 50 : i32
        %mul3A_324 = arith.muli %scan3A_86, %mul3A_323 : i32
        %add3A_325 = arith.constant 13 : i32
        %add3A_326 = arith.addi %mul3A_324, %add3A_325 : i32
        %get3A_327 = arith.index_cast %add3A_326 : i32 to index
        %get3A_328 = arith.constant 0 : index
        %get3A_329 = tpu.vector_load %arg7[%get3A_327, %get3A_328] {strides = array<i32>} : memref<800x32xf32, #tpu.memory_space<vmem>>, vector<1x16xf32>,
        %get3A_330 = vector.shape_cast %get3A_329 : vector<1x16xf32> to vector<16xf32>
        %add3A_331 = arith.addf %add3A_313, %get3A_330 : vector<16xf32>
        %mul3A_332 = arith.constant 50 : i32
        %mul3A_333 = arith.muli %scan3A_86, %mul3A_332 : i32
        %add3A_334 = arith.constant 13 : i32
        %add3A_335 = arith.addi %mul3A_333, %add3A_334 : i32
        %get3A_336 = arith.index_cast %add3A_335 : i32 to index
        %get3A_337 = arith.constant 16 : index
        %get3A_338 = tpu.vector_load %arg7[%get3A_336, %get3A_337] {strides = array<i32>} : memref<800x32xf32, #tpu.memory_space<vmem>>, vector<1x16xf32>,
        %get3A_339 = vector.shape_cast %get3A_338 : vector<1x16xf32> to vector<16xf32>
        %add3A_340 = arith.addf %add3A_322, %get3A_339 : vector<16xf32>
        %mul3A_341 = arith.constant 50 : i32
        %mul3A_342 = arith.muli %scan3A_86, %mul3A_341 : i32
        %add3A_343 = arith.constant 14 : i32
        %add3A_344 = arith.addi %mul3A_342, %add3A_343 : i32
        %get3A_345 = arith.index_cast %add3A_344 : i32 to index
        %get3A_346 = arith.constant 0 : index
        %get3A_347 = tpu.vector_load %arg7[%get3A_345, %get3A_346] {strides = array<i32>} : memref<800x32xf32, #tpu.memory_space<vmem>>, vector<1x16xf32>,
        %get3A_348 = vector.shape_cast %get3A_347 : vector<1x16xf32> to vector<16xf32>
        %add3A_349 = arith.addf %add3A_331, %get3A_348 : vector<16xf32>
        %mul3A_350 = arith.constant 50 : i32
        %mul3A_351 = arith.muli %scan3A_86, %mul3A_350 : i32
        %add3A_352 = arith.constant 14 : i32
        %add3A_353 = arith.addi %mul3A_351, %add3A_352 : i32
        %get3A_354 = arith.index_cast %add3A_353 : i32 to index
        %get3A_355 = arith.constant 16 : index
        %get3A_356 = tpu.vector_load %arg7[%get3A_354, %get3A_355] {strides = array<i32>} : memref<800x32xf32, #tpu.memory_space<vmem>>, vector<1x16xf32>,
        %get3A_357 = vector.shape_cast %get3A_356 : vector<1x16xf32> to vector<16xf32>
        %add3A_358 = arith.addf %add3A_340, %get3A_357 : vector<16xf32>
        %mul3A_359 = arith.constant 50 : i32
        %mul3A_360 = arith.muli %scan3A_86, %mul3A_359 : i32
        %add3A_361 = arith.constant 15 : i32
        %add3A_362 = arith.addi %mul3A_360, %add3A_361 : i32
        %get3A_363 = arith.index_cast %add3A_362 : i32 to index
        %get3A_364 = arith.constant 0 : index
        %get3A_365 = tpu.vector_load %arg7[%get3A_363, %get3A_364] {strides = array<i32>} : memref<800x32xf32, #tpu.memory_space<vmem>>, vector<1x16xf32>,
        %get3A_366 = vector.shape_cast %get3A_365 : vector<1x16xf32> to vector<16xf32>
        %add3A_367 = arith.addf %add3A_349, %get3A_366 : vector<16xf32>
        %mul3A_368 = arith.constant 50 : i32
        %mul3A_369 = arith.muli %scan3A_86, %mul3A_368 : i32
        %add3A_370 = arith.constant 15 : i32
        %add3A_371 = arith.addi %mul3A_369, %add3A_370 : i32
        %get3A_372 = arith.index_cast %add3A_371 : i32 to index
        %get3A_373 = arith.constant 16 : index
        %get3A_374 = tpu.vector_load %arg7[%get3A_372, %get3A_373] {strides = array<i32>} : memref<800x32xf32, #tpu.memory_space<vmem>>, vector<1x16xf32>,
        %get3A_375 = vector.shape_cast %get3A_374 : vector<1x16xf32> to vector<16xf32>
        %add3A_376 = arith.addf %add3A_358, %get3A_375 : vector<16xf32>
        %mul3A_377 = arith.constant 50 : i32
        %mul3A_378 = arith.muli %scan3A_86, %mul3A_377 : i32
        %add3A_379 = arith.constant 16 : i32
        %add3A_380 = arith.addi %mul3A_378, %add3A_379 : i32
        %get3A_381 = arith.index_cast %add3A_380 : i32 to index
        %get3A_382 = arith.constant 0 : index
        %get3A_383 = tpu.vector_load %arg7[%get3A_381, %get3A_382] {strides = array<i32>} : memref<800x32xf32, #tpu.memory_space<vmem>>, vector<1x16xf32>,
        %get3A_384 = vector.shape_cast %get3A_383 : vector<1x16xf32> to vector<16xf32>
        %add3A_385 = arith.addf %add3A_367, %get3A_384 : vector<16xf32>
        %mul3A_386 = arith.constant 50 : i32
        %mul3A_387 = arith.muli %scan3A_86, %mul3A_386 : i32
        %add3A_388 = arith.constant 16 : i32
        %add3A_389 = arith.addi %mul3A_387, %add3A_388 : i32
        %get3A_390 = arith.index_cast %add3A_389 : i32 to index
        %get3A_391 = arith.constant 16 : index
        %get3A_392 = tpu.vector_load %arg7[%get3A_390, %get3A_391] {strides = array<i32>} : memref<800x32xf32, #tpu.memory_space<vmem>>, vector<1x16xf32>,
        %get3A_393 = vector.shape_cast %get3A_392 : vector<1x16xf32> to vector<16xf32>
        %add3A_394 = arith.addf %add3A_376, %get3A_393 : vector<16xf32>
        %mul3A_395 = arith.constant 50 : i32
        %mul3A_396 = arith.muli %scan3A_86, %mul3A_395 : i32
        %add3A_397 = arith.constant 17 : i32
        %add3A_398 = arith.addi %mul3A_396, %add3A_397 : i32
        %get3A_399 = arith.index_cast %add3A_398 : i32 to index
        %get3A_400 = arith.constant 0 : index
        %get3A_401 = tpu.vector_load %arg7[%get3A_399, %get3A_400] {strides = array<i32>} : memref<800x32xf32, #tpu.memory_space<vmem>>, vector<1x16xf32>,
        %get3A_402 = vector.shape_cast %get3A_401 : vector<1x16xf32> to vector<16xf32>
        %add3A_403 = arith.addf %add3A_385, %get3A_402 : vector<16xf32>
        %mul3A_404 = arith.constant 50 : i32
        %mul3A_405 = arith.muli %scan3A_86, %mul3A_404 : i32
        %add3A_406 = arith.constant 17 : i32
        %add3A_407 = arith.addi %mul3A_405, %add3A_406 : i32
        %get3A_408 = arith.index_cast %add3A_407 : i32 to index
        %get3A_409 = arith.constant 16 : index
        %get3A_410 = tpu.vector_load %arg7[%get3A_408, %get3A_409] {strides = array<i32>} : memref<800x32xf32, #tpu.memory_space<vmem>>, vector<1x16xf32>,
        %get3A_411 = vector.shape_cast %get3A_410 : vector<1x16xf32> to vector<16xf32>
        %add3A_412 = arith.addf %add3A_394, %get3A_411 : vector<16xf32>
        %mul3A_413 = arith.constant 50 : i32
        %mul3A_414 = arith.muli %scan3A_86, %mul3A_413 : i32
        %add3A_415 = arith.constant 18 : i32
        %add3A_416 = arith.addi %mul3A_414, %add3A_415 : i32
        %get3A_417 = arith.index_cast %add3A_416 : i32 to index
        %get3A_418 = arith.constant 0 : index
        %get3A_419 = tpu.vector_load %arg7[%get3A_417, %get3A_418] {strides = array<i32>} : memref<800x32xf32, #tpu.memory_space<vmem>>, vector<1x16xf32>,
        %get3A_420 = vector.shape_cast %get3A_419 : vector<1x16xf32> to vector<16xf32>
        %add3A_421 = arith.addf %add3A_403, %get3A_420 : vector<16xf32>
        %mul3A_422 = arith.constant 50 : i32
        %mul3A_423 = arith.muli %scan3A_86, %mul3A_422 : i32
        %add3A_424 = arith.constant 18 : i32
        %add3A_425 = arith.addi %mul3A_423, %add3A_424 : i32
        %get3A_426 = arith.index_cast %add3A_425 : i32 to index
        %get3A_427 = arith.constant 16 : index
        %get3A_428 = tpu.vector_load %arg7[%get3A_426, %get3A_427] {strides = array<i32>} : memref<800x32xf32, #tpu.memory_space<vmem>>, vector<1x16xf32>,
        %get3A_429 = vector.shape_cast %get3A_428 : vector<1x16xf32> to vector<16xf32>
        %add3A_430 = arith.addf %add3A_412, %get3A_429 : vector<16xf32>
        %mul3A_431 = arith.constant 50 : i32
        %mul3A_432 = arith.muli %scan3A_86, %mul3A_431 : i32
        %add3A_433 = arith.constant 19 : i32
        %add3A_434 = arith.addi %mul3A_432, %add3A_433 : i32
        %get3A_435 = arith.index_cast %add3A_434 : i32 to index
        %get3A_436 = arith.constant 0 : index
        %get3A_437 = tpu.vector_load %arg7[%get3A_435, %get3A_436] {strides = array<i32>} : memref<800x32xf32, #tpu.memory_space<vmem>>, vector<1x16xf32>,
        %get3A_438 = vector.shape_cast %get3A_437 : vector<1x16xf32> to vector<16xf32>
        %add3A_439 = arith.addf %add3A_421, %get3A_438 : vector<16xf32>
        %mul3A_440 = arith.constant 50 : i32
        %mul3A_441 = arith.muli %scan3A_86, %mul3A_440 : i32
        %add3A_442 = arith.constant 19 : i32
        %add3A_443 = arith.addi %mul3A_441, %add3A_442 : i32
        %get3A_444 = arith.index_cast %add3A_443 : i32 to index
        %get3A_445 = arith.constant 16 : index
        %get3A_446 = tpu.vector_load %arg7[%get3A_444, %get3A_445] {strides = array<i32>} : memref<800x32xf32, #tpu.memory_space<vmem>>, vector<1x16xf32>,
        %get3A_447 = vector.shape_cast %get3A_446 : vector<1x16xf32> to vector<16xf32>
        %add3A_448 = arith.addf %add3A_430, %get3A_447 : vector<16xf32>
        %mul3A_449 = arith.constant 50 : i32
        %mul3A_450 = arith.muli %scan3A_86, %mul3A_449 : i32
        %add3A_451 = arith.constant 20 : i32
        %add3A_452 = arith.addi %mul3A_450, %add3A_451 : i32
        %get3A_453 = arith.index_cast %add3A_452 : i32 to index
        %get3A_454 = arith.constant 0 : index
        %get3A_455 = tpu.vector_load %arg7[%get3A_453, %get3A_454] {strides = array<i32>} : memref<800x32xf32, #tpu.memory_space<vmem>>, vector<1x16xf32>,
        %get3A_456 = vector.shape_cast %get3A_455 : vector<1x16xf32> to vector<16xf32>
        %add3A_457 = arith.addf %add3A_439, %get3A_456 : vector<16xf32>
        %mul3A_458 = arith.constant 50 : i32
        %mul3A_459 = arith.muli %scan3A_86, %mul3A_458 : i32
        %add3A_460 = arith.constant 20 : i32
        %add3A_461 = arith.addi %mul3A_459, %add3A_460 : i32
        %get3A_462 = arith.index_cast %add3A_461 : i32 to index
        %get3A_463 = arith.constant 16 : index
        %get3A_464 = tpu.vector_load %arg7[%get3A_462, %get3A_463] {strides = array<i32>} : memref<800x32xf32, #tpu.memory_space<vmem>>, vector<1x16xf32>,
        %get3A_465 = vector.shape_cast %get3A_464 : vector<1x16xf32> to vector<16xf32>
        %add3A_466 = arith.addf %add3A_448, %get3A_465 : vector<16xf32>
        %mul3A_467 = arith.constant 50 : i32
        %mul3A_468 = arith.muli %scan3A_86, %mul3A_467 : i32
        %add3A_469 = arith.constant 21 : i32
        %add3A_470 = arith.addi %mul3A_468, %add3A_469 : i32
        %get3A_471 = arith.index_cast %add3A_470 : i32 to index
        %get3A_472 = arith.constant 0 : index
        %get3A_473 = tpu.vector_load %arg7[%get3A_471, %get3A_472] {strides = array<i32>} : memref<800x32xf32, #tpu.memory_space<vmem>>, vector<1x16xf32>,
        %get3A_474 = vector.shape_cast %get3A_473 : vector<1x16xf32> to vector<16xf32>
        %add3A_475 = arith.addf %add3A_457, %get3A_474 : vector<16xf32>
        %mul3A_476 = arith.constant 50 : i32
        %mul3A_477 = arith.muli %scan3A_86, %mul3A_476 : i32
        %add3A_478 = arith.constant 21 : i32
        %add3A_479 = arith.addi %mul3A_477, %add3A_478 : i32
        %get3A_480 = arith.index_cast %add3A_479 : i32 to index
        %get3A_481 = arith.constant 16 : index
        %get3A_482 = tpu.vector_load %arg7[%get3A_480, %get3A_481] {strides = array<i32>} : memref<800x32xf32, #tpu.memory_space<vmem>>, vector<1x16xf32>,
        %get3A_483 = vector.shape_cast %get3A_482 : vector<1x16xf32> to vector<16xf32>
        %add3A_484 = arith.addf %add3A_466, %get3A_483 : vector<16xf32>
        %mul3A_485 = arith.constant 50 : i32
        %mul3A_486 = arith.muli %scan3A_86, %mul3A_485 : i32
        %add3A_487 = arith.constant 22 : i32
        %add3A_488 = arith.addi %mul3A_486, %add3A_487 : i32
        %get3A_489 = arith.index_cast %add3A_488 : i32 to index
        %get3A_490 = arith.constant 0 : index
        %get3A_491 = tpu.vector_load %arg7[%get3A_489, %get3A_490] {strides = array<i32>} : memref<800x32xf32, #tpu.memory_space<vmem>>, vector<1x16xf32>,
        %get3A_492 = vector.shape_cast %get3A_491 : vector<1x16xf32> to vector<16xf32>
        %add3A_493 = arith.addf %add3A_475, %get3A_492 : vector<16xf32>
        %mul3A_494 = arith.constant 50 : i32
        %mul3A_495 = arith.muli %scan3A_86, %mul3A_494 : i32
        %add3A_496 = arith.constant 22 : i32
        %add3A_497 = arith.addi %mul3A_495, %add3A_496 : i32
        %get3A_498 = arith.index_cast %add3A_497 : i32 to index
        %get3A_499 = arith.constant 16 : index
        %get3A_500 = tpu.vector_load %arg7[%get3A_498, %get3A_499] {strides = array<i32>} : memref<800x32xf32, #tpu.memory_space<vmem>>, vector<1x16xf32>,
        %get3A_501 = vector.shape_cast %get3A_500 : vector<1x16xf32> to vector<16xf32>
        %add3A_502 = arith.addf %add3A_484, %get3A_501 : vector<16xf32>
        %mul3A_503 = arith.constant 50 : i32
        %mul3A_504 = arith.muli %scan3A_86, %mul3A_503 : i32
        %add3A_505 = arith.constant 23 : i32
        %add3A_506 = arith.addi %mul3A_504, %add3A_505 : i32
        %get3A_507 = arith.index_cast %add3A_506 : i32 to index
        %get3A_508 = arith.constant 0 : index
        %get3A_509 = tpu.vector_load %arg7[%get3A_507, %get3A_508] {strides = array<i32>} : memref<800x32xf32, #tpu.memory_space<vmem>>, vector<1x16xf32>,
        %get3A_510 = vector.shape_cast %get3A_509 : vector<1x16xf32> to vector<16xf32>
        %add3A_511 = arith.addf %add3A_493, %get3A_510 : vector<16xf32>
        %mul3A_512 = arith.constant 50 : i32
        %mul3A_513 = arith.muli %scan3A_86, %mul3A_512 : i32
        %add3A_514 = arith.constant 23 : i32
        %add3A_515 = arith.addi %mul3A_513, %add3A_514 : i32
        %get3A_516 = arith.index_cast %add3A_515 : i32 to index
        %get3A_517 = arith.constant 16 : index
        %get3A_518 = tpu.vector_load %arg7[%get3A_516, %get3A_517] {strides = array<i32>} : memref<800x32xf32, #tpu.memory_space<vmem>>, vector<1x16xf32>,
        %get3A_519 = vector.shape_cast %get3A_518 : vector<1x16xf32> to vector<16xf32>
        %add3A_520 = arith.addf %add3A_502, %get3A_519 : vector<16xf32>
        %mul3A_521 = arith.constant 50 : i32
        %mul3A_522 = arith.muli %scan3A_86, %mul3A_521 : i32
        %add3A_523 = arith.constant 24 : i32
        %add3A_524 = arith.addi %mul3A_522, %add3A_523 : i32
        %get3A_525 = arith.index_cast %add3A_524 : i32 to index
        %get3A_526 = arith.constant 0 : index
        %get3A_527 = tpu.vector_load %arg7[%get3A_525, %get3A_526] {strides = array<i32>} : memref<800x32xf32, #tpu.memory_space<vmem>>, vector<1x16xf32>,
        %get3A_528 = vector.shape_cast %get3A_527 : vector<1x16xf32> to vector<16xf32>
        %add3A_529 = arith.addf %add3A_511, %get3A_528 : vector<16xf32>
        %mul3A_530 = arith.constant 50 : i32
        %mul3A_531 = arith.muli %scan3A_86, %mul3A_530 : i32
        %add3A_532 = arith.constant 24 : i32
        %add3A_533 = arith.addi %mul3A_531, %add3A_532 : i32
        %get3A_534 = arith.index_cast %add3A_533 : i32 to index
        %get3A_535 = arith.constant 16 : index
        %get3A_536 = tpu.vector_load %arg7[%get3A_534, %get3A_535] {strides = array<i32>} : memref<800x32xf32, #tpu.memory_space<vmem>>, vector<1x16xf32>,
        %get3A_537 = vector.shape_cast %get3A_536 : vector<1x16xf32> to vector<16xf32>
        %add3A_538 = arith.addf %add3A_520, %get3A_537 : vector<16xf32>
        %mul3A_539 = arith.constant 50 : i32
        %mul3A_540 = arith.muli %scan3A_86, %mul3A_539 : i32
        %add3A_541 = arith.constant 25 : i32
        %add3A_542 = arith.addi %mul3A_540, %add3A_541 : i32
        %get3A_543 = arith.index_cast %add3A_542 : i32 to index
        %get3A_544 = arith.constant 0 : index
        %get3A_545 = tpu.vector_load %arg7[%get3A_543, %get3A_544] {strides = array<i32>} : memref<800x32xf32, #tpu.memory_space<vmem>>, vector<1x16xf32>,
        %get3A_546 = vector.shape_cast %get3A_545 : vector<1x16xf32> to vector<16xf32>
        %add3A_547 = arith.addf %add3A_529, %get3A_546 : vector<16xf32>
        %mul3A_548 = arith.constant 50 : i32
        %mul3A_549 = arith.muli %scan3A_86, %mul3A_548 : i32
        %add3A_550 = arith.constant 25 : i32
        %add3A_551 = arith.addi %mul3A_549, %add3A_550 : i32
        %get3A_552 = arith.index_cast %add3A_551 : i32 to index
        %get3A_553 = arith.constant 16 : index
        %get3A_554 = tpu.vector_load %arg7[%get3A_552, %get3A_553] {strides = array<i32>} : memref<800x32xf32, #tpu.memory_space<vmem>>, vector<1x16xf32>,
        %get3A_555 = vector.shape_cast %get3A_554 : vector<1x16xf32> to vector<16xf32>
        %add3A_556 = arith.addf %add3A_538, %get3A_555 : vector<16xf32>
        %mul3A_557 = arith.constant 50 : i32
        %mul3A_558 = arith.muli %scan3A_86, %mul3A_557 : i32
        %add3A_559 = arith.constant 26 : i32
        %add3A_560 = arith.addi %mul3A_558, %add3A_559 : i32
        %get3A_561 = arith.index_cast %add3A_560 : i32 to index
        %get3A_562 = arith.constant 0 : index
        %get3A_563 = tpu.vector_load %arg7[%get3A_561, %get3A_562] {strides = array<i32>} : memref<800x32xf32, #tpu.memory_space<vmem>>, vector<1x16xf32>,
        %get3A_564 = vector.shape_cast %get3A_563 : vector<1x16xf32> to vector<16xf32>
        %add3A_565 = arith.addf %add3A_547, %get3A_564 : vector<16xf32>
        %mul3A_566 = arith.constant 50 : i32
        %mul3A_567 = arith.muli %scan3A_86, %mul3A_566 : i32
        %add3A_568 = arith.constant 26 : i32
        %add3A_569 = arith.addi %mul3A_567, %add3A_568 : i32
        %get3A_570 = arith.index_cast %add3A_569 : i32 to index
        %get3A_571 = arith.constant 16 : index
        %get3A_572 = tpu.vector_load %arg7[%get3A_570, %get3A_571] {strides = array<i32>} : memref<800x32xf32, #tpu.memory_space<vmem>>, vector<1x16xf32>,
        %get3A_573 = vector.shape_cast %get3A_572 : vector<1x16xf32> to vector<16xf32>
        %add3A_574 = arith.addf %add3A_556, %get3A_573 : vector<16xf32>
        %mul3A_575 = arith.constant 50 : i32
        %mul3A_576 = arith.muli %scan3A_86, %mul3A_575 : i32
        %add3A_577 = arith.constant 27 : i32
        %add3A_578 = arith.addi %mul3A_576, %add3A_577 : i32
        %get3A_579 = arith.index_cast %add3A_578 : i32 to index
        %get3A_580 = arith.constant 0 : index
        %get3A_581 = tpu.vector_load %arg7[%get3A_579, %get3A_580] {strides = array<i32>} : memref<800x32xf32, #tpu.memory_space<vmem>>, vector<1x16xf32>,
        %get3A_582 = vector.shape_cast %get3A_581 : vector<1x16xf32> to vector<16xf32>
        %add3A_583 = arith.addf %add3A_565, %get3A_582 : vector<16xf32>
        %mul3A_584 = arith.constant 50 : i32
        %mul3A_585 = arith.muli %scan3A_86, %mul3A_584 : i32
        %add3A_586 = arith.constant 27 : i32
        %add3A_587 = arith.addi %mul3A_585, %add3A_586 : i32
        %get3A_588 = arith.index_cast %add3A_587 : i32 to index
        %get3A_589 = arith.constant 16 : index
        %get3A_590 = tpu.vector_load %arg7[%get3A_588, %get3A_589] {strides = array<i32>} : memref<800x32xf32, #tpu.memory_space<vmem>>, vector<1x16xf32>,
        %get3A_591 = vector.shape_cast %get3A_590 : vector<1x16xf32> to vector<16xf32>
        %add3A_592 = arith.addf %add3A_574, %get3A_591 : vector<16xf32>
        %mul3A_593 = arith.constant 50 : i32
        %mul3A_594 = arith.muli %scan3A_86, %mul3A_593 : i32
        %add3A_595 = arith.constant 28 : i32
        %add3A_596 = arith.addi %mul3A_594, %add3A_595 : i32
        %get3A_597 = arith.index_cast %add3A_596 : i32 to index
        %get3A_598 = arith.constant 0 : index
        %get3A_599 = tpu.vector_load %arg7[%get3A_597, %get3A_598] {strides = array<i32>} : memref<800x32xf32, #tpu.memory_space<vmem>>, vector<1x16xf32>,
        %get3A_600 = vector.shape_cast %get3A_599 : vector<1x16xf32> to vector<16xf32>
        %add3A_601 = arith.addf %add3A_583, %get3A_600 : vector<16xf32>
        %mul3A_602 = arith.constant 50 : i32
        %mul3A_603 = arith.muli %scan3A_86, %mul3A_602 : i32
        %add3A_604 = arith.constant 28 : i32
        %add3A_605 = arith.addi %mul3A_603, %add3A_604 : i32
        %get3A_606 = arith.index_cast %add3A_605 : i32 to index
        %get3A_607 = arith.constant 16 : index
        %get3A_608 = tpu.vector_load %arg7[%get3A_606, %get3A_607] {strides = array<i32>} : memref<800x32xf32, #tpu.memory_space<vmem>>, vector<1x16xf32>,
        %get3A_609 = vector.shape_cast %get3A_608 : vector<1x16xf32> to vector<16xf32>
        %add3A_610 = arith.addf %add3A_592, %get3A_609 : vector<16xf32>
        %mul3A_611 = arith.constant 50 : i32
        %mul3A_612 = arith.muli %scan3A_86, %mul3A_611 : i32
        %add3A_613 = arith.constant 29 : i32
        %add3A_614 = arith.addi %mul3A_612, %add3A_613 : i32
        %get3A_615 = arith.index_cast %add3A_614 : i32 to index
        %get3A_616 = arith.constant 0 : index
        %get3A_617 = tpu.vector_load %arg7[%get3A_615, %get3A_616] {strides = array<i32>} : memref<800x32xf32, #tpu.memory_space<vmem>>, vector<1x16xf32>,
        %get3A_618 = vector.shape_cast %get3A_617 : vector<1x16xf32> to vector<16xf32>
        %add3A_619 = arith.addf %add3A_601, %get3A_618 : vector<16xf32>
        %mul3A_620 = arith.constant 50 : i32
        %mul3A_621 = arith.muli %scan3A_86, %mul3A_620 : i32
        %add3A_622 = arith.constant 29 : i32
        %add3A_623 = arith.addi %mul3A_621, %add3A_622 : i32
        %get3A_624 = arith.index_cast %add3A_623 : i32 to index
        %get3A_625 = arith.constant 16 : index
        %get3A_626 = tpu.vector_load %arg7[%get3A_624, %get3A_625] {strides = array<i32>} : memref<800x32xf32, #tpu.memory_space<vmem>>, vector<1x16xf32>,
        %get3A_627 = vector.shape_cast %get3A_626 : vector<1x16xf32> to vector<16xf32>
        %add3A_628 = arith.addf %add3A_610, %get3A_627 : vector<16xf32>
        %mul3A_629 = arith.constant 50 : i32
        %mul3A_630 = arith.muli %scan3A_86, %mul3A_629 : i32
        %add3A_631 = arith.constant 30 : i32
        %add3A_632 = arith.addi %mul3A_630, %add3A_631 : i32
        %get3A_633 = arith.index_cast %add3A_632 : i32 to index
        %get3A_634 = arith.constant 0 : index
        %get3A_635 = tpu.vector_load %arg7[%get3A_633, %get3A_634] {strides = array<i32>} : memref<800x32xf32, #tpu.memory_space<vmem>>, vector<1x16xf32>,
        %get3A_636 = vector.shape_cast %get3A_635 : vector<1x16xf32> to vector<16xf32>
        %add3A_637 = arith.addf %add3A_619, %get3A_636 : vector<16xf32>
        %mul3A_638 = arith.constant 50 : i32
        %mul3A_639 = arith.muli %scan3A_86, %mul3A_638 : i32
        %add3A_640 = arith.constant 30 : i32
        %add3A_641 = arith.addi %mul3A_639, %add3A_640 : i32
        %get3A_642 = arith.index_cast %add3A_641 : i32 to index
        %get3A_643 = arith.constant 16 : index
        %get3A_644 = tpu.vector_load %arg7[%get3A_642, %get3A_643] {strides = array<i32>} : memref<800x32xf32, #tpu.memory_space<vmem>>, vector<1x16xf32>,
        %get3A_645 = vector.shape_cast %get3A_644 : vector<1x16xf32> to vector<16xf32>
        %add3A_646 = arith.addf %add3A_628, %get3A_645 : vector<16xf32>
        %mul3A_647 = arith.constant 50 : i32
        %mul3A_648 = arith.muli %scan3A_86, %mul3A_647 : i32
        %add3A_649 = arith.constant 31 : i32
        %add3A_650 = arith.addi %mul3A_648, %add3A_649 : i32
        %get3A_651 = arith.index_cast %add3A_650 : i32 to index
        %get3A_652 = arith.constant 0 : index
        %get3A_653 = tpu.vector_load %arg7[%get3A_651, %get3A_652] {strides = array<i32>} : memref<800x32xf32, #tpu.memory_space<vmem>>, vector<1x16xf32>,
        %get3A_654 = vector.shape_cast %get3A_653 : vector<1x16xf32> to vector<16xf32>
        %add3A_655 = arith.addf %add3A_637, %get3A_654 : vector<16xf32>
        %mul3A_656 = arith.constant 50 : i32
        %mul3A_657 = arith.muli %scan3A_86, %mul3A_656 : i32
        %add3A_658 = arith.constant 31 : i32
        %add3A_659 = arith.addi %mul3A_657, %add3A_658 : i32
        %get3A_660 = arith.index_cast %add3A_659 : i32 to index
        %get3A_661 = arith.constant 16 : index
        %get3A_662 = tpu.vector_load %arg7[%get3A_660, %get3A_661] {strides = array<i32>} : memref<800x32xf32, #tpu.memory_space<vmem>>, vector<1x16xf32>,
        %get3A_663 = vector.shape_cast %get3A_662 : vector<1x16xf32> to vector<16xf32>
        %add3A_664 = arith.addf %add3A_646, %get3A_663 : vector<16xf32>
        %mul3A_665 = arith.constant 50 : i32
        %mul3A_666 = arith.muli %scan3A_86, %mul3A_665 : i32
        %add3A_667 = arith.constant 32 : i32
        %add3A_668 = arith.addi %mul3A_666, %add3A_667 : i32
        %get3A_669 = arith.index_cast %add3A_668 : i32 to index
        %get3A_670 = arith.constant 0 : index
        %get3A_671 = tpu.vector_load %arg7[%get3A_669, %get3A_670] {strides = array<i32>} : memref<800x32xf32, #tpu.memory_space<vmem>>, vector<1x16xf32>,
        %get3A_672 = vector.shape_cast %get3A_671 : vector<1x16xf32> to vector<16xf32>
        %add3A_673 = arith.addf %add3A_655, %get3A_672 : vector<16xf32>
        %mul3A_674 = arith.constant 50 : i32
        %mul3A_675 = arith.muli %scan3A_86, %mul3A_674 : i32
        %add3A_676 = arith.constant 32 : i32
        %add3A_677 = arith.addi %mul3A_675, %add3A_676 : i32
        %get3A_678 = arith.index_cast %add3A_677 : i32 to index
        %get3A_679 = arith.constant 16 : index
        %get3A_680 = tpu.vector_load %arg7[%get3A_678, %get3A_679] {strides = array<i32>} : memref<800x32xf32, #tpu.memory_space<vmem>>, vector<1x16xf32>,
        %get3A_681 = vector.shape_cast %get3A_680 : vector<1x16xf32> to vector<16xf32>
        %add3A_682 = arith.addf %add3A_664, %get3A_681 : vector<16xf32>
        %mul3A_683 = arith.constant 50 : i32
        %mul3A_684 = arith.muli %scan3A_86, %mul3A_683 : i32
        %add3A_685 = arith.constant 33 : i32
        %add3A_686 = arith.addi %mul3A_684, %add3A_685 : i32
        %get3A_687 = arith.index_cast %add3A_686 : i32 to index
        %get3A_688 = arith.constant 0 : index
        %get3A_689 = tpu.vector_load %arg7[%get3A_687, %get3A_688] {strides = array<i32>} : memref<800x32xf32, #tpu.memory_space<vmem>>, vector<1x16xf32>,
        %get3A_690 = vector.shape_cast %get3A_689 : vector<1x16xf32> to vector<16xf32>
        %add3A_691 = arith.addf %add3A_673, %get3A_690 : vector<16xf32>
        %mul3A_692 = arith.constant 50 : i32
        %mul3A_693 = arith.muli %scan3A_86, %mul3A_692 : i32
        %add3A_694 = arith.constant 33 : i32
        %add3A_695 = arith.addi %mul3A_693, %add3A_694 : i32
        %get3A_696 = arith.index_cast %add3A_695 : i32 to index
        %get3A_697 = arith.constant 16 : index
        %get3A_698 = tpu.vector_load %arg7[%get3A_696, %get3A_697] {strides = array<i32>} : memref<800x32xf32, #tpu.memory_space<vmem>>, vector<1x16xf32>,
        %get3A_699 = vector.shape_cast %get3A_698 : vector<1x16xf32> to vector<16xf32>
        %add3A_700 = arith.addf %add3A_682, %get3A_699 : vector<16xf32>
        %mul3A_701 = arith.constant 50 : i32
        %mul3A_702 = arith.muli %scan3A_86, %mul3A_701 : i32
        %add3A_703 = arith.constant 34 : i32
        %add3A_704 = arith.addi %mul3A_702, %add3A_703 : i32
        %get3A_705 = arith.index_cast %add3A_704 : i32 to index
        %get3A_706 = arith.constant 0 : index
        %get3A_707 = tpu.vector_load %arg7[%get3A_705, %get3A_706] {strides = array<i32>} : memref<800x32xf32, #tpu.memory_space<vmem>>, vector<1x16xf32>,
        %get3A_708 = vector.shape_cast %get3A_707 : vector<1x16xf32> to vector<16xf32>
        %add3A_709 = arith.addf %add3A_691, %get3A_708 : vector<16xf32>
        %mul3A_710 = arith.constant 50 : i32
        %mul3A_711 = arith.muli %scan3A_86, %mul3A_710 : i32
        %add3A_712 = arith.constant 34 : i32
        %add3A_713 = arith.addi %mul3A_711, %add3A_712 : i32
        %get3A_714 = arith.index_cast %add3A_713 : i32 to index
        %get3A_715 = arith.constant 16 : index
        %get3A_716 = tpu.vector_load %arg7[%get3A_714, %get3A_715] {strides = array<i32>} : memref<800x32xf32, #tpu.memory_space<vmem>>, vector<1x16xf32>,
        %get3A_717 = vector.shape_cast %get3A_716 : vector<1x16xf32> to vector<16xf32>
        %add3A_718 = arith.addf %add3A_700, %get3A_717 : vector<16xf32>
        %mul3A_719 = arith.constant 50 : i32
        %mul3A_720 = arith.muli %scan3A_86, %mul3A_719 : i32
        %add3A_721 = arith.constant 35 : i32
        %add3A_722 = arith.addi %mul3A_720, %add3A_721 : i32
        %get3A_723 = arith.index_cast %add3A_722 : i32 to index
        %get3A_724 = arith.constant 0 : index
        %get3A_725 = tpu.vector_load %arg7[%get3A_723, %get3A_724] {strides = array<i32>} : memref<800x32xf32, #tpu.memory_space<vmem>>, vector<1x16xf32>,
        %get3A_726 = vector.shape_cast %get3A_725 : vector<1x16xf32> to vector<16xf32>
        %add3A_727 = arith.addf %add3A_709, %get3A_726 : vector<16xf32>
        %mul3A_728 = arith.constant 50 : i32
        %mul3A_729 = arith.muli %scan3A_86, %mul3A_728 : i32
        %add3A_730 = arith.constant 35 : i32
        %add3A_731 = arith.addi %mul3A_729, %add3A_730 : i32
        %get3A_732 = arith.index_cast %add3A_731 : i32 to index
        %get3A_733 = arith.constant 16 : index
        %get3A_734 = tpu.vector_load %arg7[%get3A_732, %get3A_733] {strides = array<i32>} : memref<800x32xf32, #tpu.memory_space<vmem>>, vector<1x16xf32>,
        %get3A_735 = vector.shape_cast %get3A_734 : vector<1x16xf32> to vector<16xf32>
        %add3A_736 = arith.addf %add3A_718, %get3A_735 : vector<16xf32>
        %mul3A_737 = arith.constant 50 : i32
        %mul3A_738 = arith.muli %scan3A_86, %mul3A_737 : i32
        %add3A_739 = arith.constant 36 : i32
        %add3A_740 = arith.addi %mul3A_738, %add3A_739 : i32
        %get3A_741 = arith.index_cast %add3A_740 : i32 to index
        %get3A_742 = arith.constant 0 : index
        %get3A_743 = tpu.vector_load %arg7[%get3A_741, %get3A_742] {strides = array<i32>} : memref<800x32xf32, #tpu.memory_space<vmem>>, vector<1x16xf32>,
        %get3A_744 = vector.shape_cast %get3A_743 : vector<1x16xf32> to vector<16xf32>
        %add3A_745 = arith.addf %add3A_727, %get3A_744 : vector<16xf32>
        %mul3A_746 = arith.constant 50 : i32
        %mul3A_747 = arith.muli %scan3A_86, %mul3A_746 : i32
        %add3A_748 = arith.constant 36 : i32
        %add3A_749 = arith.addi %mul3A_747, %add3A_748 : i32
        %get3A_750 = arith.index_cast %add3A_749 : i32 to index
        %get3A_751 = arith.constant 16 : index
        %get3A_752 = tpu.vector_load %arg7[%get3A_750, %get3A_751] {strides = array<i32>} : memref<800x32xf32, #tpu.memory_space<vmem>>, vector<1x16xf32>,
        %get3A_753 = vector.shape_cast %get3A_752 : vector<1x16xf32> to vector<16xf32>
        %add3A_754 = arith.addf %add3A_736, %get3A_753 : vector<16xf32>
        %mul3A_755 = arith.constant 50 : i32
        %mul3A_756 = arith.muli %scan3A_86, %mul3A_755 : i32
        %add3A_757 = arith.constant 37 : i32
        %add3A_758 = arith.addi %mul3A_756, %add3A_757 : i32
        %get3A_759 = arith.index_cast %add3A_758 : i32 to index
        %get3A_760 = arith.constant 0 : index
        %get3A_761 = tpu.vector_load %arg7[%get3A_759, %get3A_760] {strides = array<i32>} : memref<800x32xf32, #tpu.memory_space<vmem>>, vector<1x16xf32>,
        %get3A_762 = vector.shape_cast %get3A_761 : vector<1x16xf32> to vector<16xf32>
        %add3A_763 = arith.addf %add3A_745, %get3A_762 : vector<16xf32>
        %mul3A_764 = arith.constant 50 : i32
        %mul3A_765 = arith.muli %scan3A_86, %mul3A_764 : i32
        %add3A_766 = arith.constant 37 : i32
        %add3A_767 = arith.addi %mul3A_765, %add3A_766 : i32
        %get3A_768 = arith.index_cast %add3A_767 : i32 to index
        %get3A_769 = arith.constant 16 : index
        %get3A_770 = tpu.vector_load %arg7[%get3A_768, %get3A_769] {strides = array<i32>} : memref<800x32xf32, #tpu.memory_space<vmem>>, vector<1x16xf32>,
        %get3A_771 = vector.shape_cast %get3A_770 : vector<1x16xf32> to vector<16xf32>
        %add3A_772 = arith.addf %add3A_754, %get3A_771 : vector<16xf32>
        %mul3A_773 = arith.constant 50 : i32
        %mul3A_774 = arith.muli %scan3A_86, %mul3A_773 : i32
        %add3A_775 = arith.constant 38 : i32
        %add3A_776 = arith.addi %mul3A_774, %add3A_775 : i32
        %get3A_777 = arith.index_cast %add3A_776 : i32 to index
        %get3A_778 = arith.constant 0 : index
        %get3A_779 = tpu.vector_load %arg7[%get3A_777, %get3A_778] {strides = array<i32>} : memref<800x32xf32, #tpu.memory_space<vmem>>, vector<1x16xf32>,
        %get3A_780 = vector.shape_cast %get3A_779 : vector<1x16xf32> to vector<16xf32>
        %add3A_781 = arith.addf %add3A_763, %get3A_780 : vector<16xf32>
        %mul3A_782 = arith.constant 50 : i32
        %mul3A_783 = arith.muli %scan3A_86, %mul3A_782 : i32
        %add3A_784 = arith.constant 38 : i32
        %add3A_785 = arith.addi %mul3A_783, %add3A_784 : i32
        %get3A_786 = arith.index_cast %add3A_785 : i32 to index
        %get3A_787 = arith.constant 16 : index
        %get3A_788 = tpu.vector_load %arg7[%get3A_786, %get3A_787] {strides = array<i32>} : memref<800x32xf32, #tpu.memory_space<vmem>>, vector<1x16xf32>,
        %get3A_789 = vector.shape_cast %get3A_788 : vector<1x16xf32> to vector<16xf32>
        %add3A_790 = arith.addf %add3A_772, %get3A_789 : vector<16xf32>
        %mul3A_791 = arith.constant 50 : i32
        %mul3A_792 = arith.muli %scan3A_86, %mul3A_791 : i32
        %add3A_793 = arith.constant 39 : i32
        %add3A_794 = arith.addi %mul3A_792, %add3A_793 : i32
        %get3A_795 = arith.index_cast %add3A_794 : i32 to index
        %get3A_796 = arith.constant 0 : index
        %get3A_797 = tpu.vector_load %arg7[%get3A_795, %get3A_796] {strides = array<i32>} : memref<800x32xf32, #tpu.memory_space<vmem>>, vector<1x16xf32>,
        %get3A_798 = vector.shape_cast %get3A_797 : vector<1x16xf32> to vector<16xf32>
        %add3A_799 = arith.addf %add3A_781, %get3A_798 : vector<16xf32>
        %mul3A_800 = arith.constant 50 : i32
        %mul3A_801 = arith.muli %scan3A_86, %mul3A_800 : i32
        %add3A_802 = arith.constant 39 : i32
        %add3A_803 = arith.addi %mul3A_801, %add3A_802 : i32
        %get3A_804 = arith.index_cast %add3A_803 : i32 to index
        %get3A_805 = arith.constant 16 : index
        %get3A_806 = tpu.vector_load %arg7[%get3A_804, %get3A_805] {strides = array<i32>} : memref<800x32xf32, #tpu.memory_space<vmem>>, vector<1x16xf32>,
        %get3A_807 = vector.shape_cast %get3A_806 : vector<1x16xf32> to vector<16xf32>
        %add3A_808 = arith.addf %add3A_790, %get3A_807 : vector<16xf32>
        %mul3A_809 = arith.constant 50 : i32
        %mul3A_810 = arith.muli %scan3A_86, %mul3A_809 : i32
        %add3A_811 = arith.constant 40 : i32
        %add3A_812 = arith.addi %mul3A_810, %add3A_811 : i32
        %get3A_813 = arith.index_cast %add3A_812 : i32 to index
        %get3A_814 = arith.constant 0 : index
        %get3A_815 = tpu.vector_load %arg7[%get3A_813, %get3A_814] {strides = array<i32>} : memref<800x32xf32, #tpu.memory_space<vmem>>, vector<1x16xf32>,
        %get3A_816 = vector.shape_cast %get3A_815 : vector<1x16xf32> to vector<16xf32>
        %add3A_817 = arith.addf %add3A_799, %get3A_816 : vector<16xf32>
        %mul3A_818 = arith.constant 50 : i32
        %mul3A_819 = arith.muli %scan3A_86, %mul3A_818 : i32
        %add3A_820 = arith.constant 40 : i32
        %add3A_821 = arith.addi %mul3A_819, %add3A_820 : i32
        %get3A_822 = arith.index_cast %add3A_821 : i32 to index
        %get3A_823 = arith.constant 16 : index
        %get3A_824 = tpu.vector_load %arg7[%get3A_822, %get3A_823] {strides = array<i32>} : memref<800x32xf32, #tpu.memory_space<vmem>>, vector<1x16xf32>,
        %get3A_825 = vector.shape_cast %get3A_824 : vector<1x16xf32> to vector<16xf32>
        %add3A_826 = arith.addf %add3A_808, %get3A_825 : vector<16xf32>
        %mul3A_827 = arith.constant 50 : i32
        %mul3A_828 = arith.muli %scan3A_86, %mul3A_827 : i32
        %add3A_829 = arith.constant 41 : i32
        %add3A_830 = arith.addi %mul3A_828, %add3A_829 : i32
        %get3A_831 = arith.index_cast %add3A_830 : i32 to index
        %get3A_832 = arith.constant 0 : index
        %get3A_833 = tpu.vector_load %arg7[%get3A_831, %get3A_832] {strides = array<i32>} : memref<800x32xf32, #tpu.memory_space<vmem>>, vector<1x16xf32>,
        %get3A_834 = vector.shape_cast %get3A_833 : vector<1x16xf32> to vector<16xf32>
        %add3A_835 = arith.addf %add3A_817, %get3A_834 : vector<16xf32>
        %mul3A_836 = arith.constant 50 : i32
        %mul3A_837 = arith.muli %scan3A_86, %mul3A_836 : i32
        %add3A_838 = arith.constant 41 : i32
        %add3A_839 = arith.addi %mul3A_837, %add3A_838 : i32
        %get3A_840 = arith.index_cast %add3A_839 : i32 to index
        %get3A_841 = arith.constant 16 : index
        %get3A_842 = tpu.vector_load %arg7[%get3A_840, %get3A_841] {strides = array<i32>} : memref<800x32xf32, #tpu.memory_space<vmem>>, vector<1x16xf32>,
        %get3A_843 = vector.shape_cast %get3A_842 : vector<1x16xf32> to vector<16xf32>
        %add3A_844 = arith.addf %add3A_826, %get3A_843 : vector<16xf32>
        %mul3A_845 = arith.constant 50 : i32
        %mul3A_846 = arith.muli %scan3A_86, %mul3A_845 : i32
        %add3A_847 = arith.constant 42 : i32
        %add3A_848 = arith.addi %mul3A_846, %add3A_847 : i32
        %get3A_849 = arith.index_cast %add3A_848 : i32 to index
        %get3A_850 = arith.constant 0 : index
        %get3A_851 = tpu.vector_load %arg7[%get3A_849, %get3A_850] {strides = array<i32>} : memref<800x32xf32, #tpu.memory_space<vmem>>, vector<1x16xf32>,
        %get3A_852 = vector.shape_cast %get3A_851 : vector<1x16xf32> to vector<16xf32>
        %add3A_853 = arith.addf %add3A_835, %get3A_852 : vector<16xf32>
        %mul3A_854 = arith.constant 50 : i32
        %mul3A_855 = arith.muli %scan3A_86, %mul3A_854 : i32
        %add3A_856 = arith.constant 42 : i32
        %add3A_857 = arith.addi %mul3A_855, %add3A_856 : i32
        %get3A_858 = arith.index_cast %add3A_857 : i32 to index
        %get3A_859 = arith.constant 16 : index
        %get3A_860 = tpu.vector_load %arg7[%get3A_858, %get3A_859] {strides = array<i32>} : memref<800x32xf32, #tpu.memory_space<vmem>>, vector<1x16xf32>,
        %get3A_861 = vector.shape_cast %get3A_860 : vector<1x16xf32> to vector<16xf32>
        %add3A_862 = arith.addf %add3A_844, %get3A_861 : vector<16xf32>
        %mul3A_863 = arith.constant 50 : i32
        %mul3A_864 = arith.muli %scan3A_86, %mul3A_863 : i32
        %add3A_865 = arith.constant 43 : i32
        %add3A_866 = arith.addi %mul3A_864, %add3A_865 : i32
        %get3A_867 = arith.index_cast %add3A_866 : i32 to index
        %get3A_868 = arith.constant 0 : index
        %get3A_869 = tpu.vector_load %arg7[%get3A_867, %get3A_868] {strides = array<i32>} : memref<800x32xf32, #tpu.memory_space<vmem>>, vector<1x16xf32>,
        %get3A_870 = vector.shape_cast %get3A_869 : vector<1x16xf32> to vector<16xf32>
        %add3A_871 = arith.addf %add3A_853, %get3A_870 : vector<16xf32>
        %mul3A_872 = arith.constant 50 : i32
        %mul3A_873 = arith.muli %scan3A_86, %mul3A_872 : i32
        %add3A_874 = arith.constant 43 : i32
        %add3A_875 = arith.addi %mul3A_873, %add3A_874 : i32
        %get3A_876 = arith.index_cast %add3A_875 : i32 to index
        %get3A_877 = arith.constant 16 : index
        %get3A_878 = tpu.vector_load %arg7[%get3A_876, %get3A_877] {strides = array<i32>} : memref<800x32xf32, #tpu.memory_space<vmem>>, vector<1x16xf32>,
        %get3A_879 = vector.shape_cast %get3A_878 : vector<1x16xf32> to vector<16xf32>
        %add3A_880 = arith.addf %add3A_862, %get3A_879 : vector<16xf32>
        %mul3A_881 = arith.constant 50 : i32
        %mul3A_882 = arith.muli %scan3A_86, %mul3A_881 : i32
        %add3A_883 = arith.constant 44 : i32
        %add3A_884 = arith.addi %mul3A_882, %add3A_883 : i32
        %get3A_885 = arith.index_cast %add3A_884 : i32 to index
        %get3A_886 = arith.constant 0 : index
        %get3A_887 = tpu.vector_load %arg7[%get3A_885, %get3A_886] {strides = array<i32>} : memref<800x32xf32, #tpu.memory_space<vmem>>, vector<1x16xf32>,
        %get3A_888 = vector.shape_cast %get3A_887 : vector<1x16xf32> to vector<16xf32>
        %add3A_889 = arith.addf %add3A_871, %get3A_888 : vector<16xf32>
        %mul3A_890 = arith.constant 50 : i32
        %mul3A_891 = arith.muli %scan3A_86, %mul3A_890 : i32
        %add3A_892 = arith.constant 44 : i32
        %add3A_893 = arith.addi %mul3A_891, %add3A_892 : i32
        %get3A_894 = arith.index_cast %add3A_893 : i32 to index
        %get3A_895 = arith.constant 16 : index
        %get3A_896 = tpu.vector_load %arg7[%get3A_894, %get3A_895] {strides = array<i32>} : memref<800x32xf32, #tpu.memory_space<vmem>>, vector<1x16xf32>,
        %get3A_897 = vector.shape_cast %get3A_896 : vector<1x16xf32> to vector<16xf32>
        %add3A_898 = arith.addf %add3A_880, %get3A_897 : vector<16xf32>
        %mul3A_899 = arith.constant 50 : i32
        %mul3A_900 = arith.muli %scan3A_86, %mul3A_899 : i32
        %add3A_901 = arith.constant 45 : i32
        %add3A_902 = arith.addi %mul3A_900, %add3A_901 : i32
        %get3A_903 = arith.index_cast %add3A_902 : i32 to index
        %get3A_904 = arith.constant 0 : index
        %get3A_905 = tpu.vector_load %arg7[%get3A_903, %get3A_904] {strides = array<i32>} : memref<800x32xf32, #tpu.memory_space<vmem>>, vector<1x16xf32>,
        %get3A_906 = vector.shape_cast %get3A_905 : vector<1x16xf32> to vector<16xf32>
        %add3A_907 = arith.addf %add3A_889, %get3A_906 : vector<16xf32>
        %mul3A_908 = arith.constant 50 : i32
        %mul3A_909 = arith.muli %scan3A_86, %mul3A_908 : i32
        %add3A_910 = arith.constant 45 : i32
        %add3A_911 = arith.addi %mul3A_909, %add3A_910 : i32
        %get3A_912 = arith.index_cast %add3A_911 : i32 to index
        %get3A_913 = arith.constant 16 : index
        %get3A_914 = tpu.vector_load %arg7[%get3A_912, %get3A_913] {strides = array<i32>} : memref<800x32xf32, #tpu.memory_space<vmem>>, vector<1x16xf32>,
        %get3A_915 = vector.shape_cast %get3A_914 : vector<1x16xf32> to vector<16xf32>
        %add3A_916 = arith.addf %add3A_898, %get3A_915 : vector<16xf32>
        %mul3A_917 = arith.constant 50 : i32
        %mul3A_918 = arith.muli %scan3A_86, %mul3A_917 : i32
        %add3A_919 = arith.constant 46 : i32
        %add3A_920 = arith.addi %mul3A_918, %add3A_919 : i32
        %get3A_921 = arith.index_cast %add3A_920 : i32 to index
        %get3A_922 = arith.constant 0 : index
        %get3A_923 = tpu.vector_load %arg7[%get3A_921, %get3A_922] {strides = array<i32>} : memref<800x32xf32, #tpu.memory_space<vmem>>, vector<1x16xf32>,
        %get3A_924 = vector.shape_cast %get3A_923 : vector<1x16xf32> to vector<16xf32>
        %add3A_925 = arith.addf %add3A_907, %get3A_924 : vector<16xf32>
        %mul3A_926 = arith.constant 50 : i32
        %mul3A_927 = arith.muli %scan3A_86, %mul3A_926 : i32
        %add3A_928 = arith.constant 46 : i32
        %add3A_929 = arith.addi %mul3A_927, %add3A_928 : i32
        %get3A_930 = arith.index_cast %add3A_929 : i32 to index
        %get3A_931 = arith.constant 16 : index
        %get3A_932 = tpu.vector_load %arg7[%get3A_930, %get3A_931] {strides = array<i32>} : memref<800x32xf32, #tpu.memory_space<vmem>>, vector<1x16xf32>,
        %get3A_933 = vector.shape_cast %get3A_932 : vector<1x16xf32> to vector<16xf32>
        %add3A_934 = arith.addf %add3A_916, %get3A_933 : vector<16xf32>
        %mul3A_935 = arith.constant 50 : i32
        %mul3A_936 = arith.muli %scan3A_86, %mul3A_935 : i32
        %add3A_937 = arith.constant 47 : i32
        %add3A_938 = arith.addi %mul3A_936, %add3A_937 : i32
        %get3A_939 = arith.index_cast %add3A_938 : i32 to index
        %get3A_940 = arith.constant 0 : index
        %get3A_941 = tpu.vector_load %arg7[%get3A_939, %get3A_940] {strides = array<i32>} : memref<800x32xf32, #tpu.memory_space<vmem>>, vector<1x16xf32>,
        %get3A_942 = vector.shape_cast %get3A_941 : vector<1x16xf32> to vector<16xf32>
        %add3A_943 = arith.addf %add3A_925, %get3A_942 : vector<16xf32>
        %mul3A_944 = arith.constant 50 : i32
        %mul3A_945 = arith.muli %scan3A_86, %mul3A_944 : i32
        %add3A_946 = arith.constant 47 : i32
        %add3A_947 = arith.addi %mul3A_945, %add3A_946 : i32
        %get3A_948 = arith.index_cast %add3A_947 : i32 to index
        %get3A_949 = arith.constant 16 : index
        %get3A_950 = tpu.vector_load %arg7[%get3A_948, %get3A_949] {strides = array<i32>} : memref<800x32xf32, #tpu.memory_space<vmem>>, vector<1x16xf32>,
        %get3A_951 = vector.shape_cast %get3A_950 : vector<1x16xf32> to vector<16xf32>
        %add3A_952 = arith.addf %add3A_934, %get3A_951 : vector<16xf32>
        %mul3A_953 = arith.constant 50 : i32
        %mul3A_954 = arith.muli %scan3A_86, %mul3A_953 : i32
        %add3A_955 = arith.constant 48 : i32
        %add3A_956 = arith.addi %mul3A_954, %add3A_955 : i32
        %get3A_957 = arith.index_cast %add3A_956 : i32 to index
        %get3A_958 = arith.constant 0 : index
        %get3A_959 = tpu.vector_load %arg7[%get3A_957, %get3A_958] {strides = array<i32>} : memref<800x32xf32, #tpu.memory_space<vmem>>, vector<1x16xf32>,
        %get3A_960 = vector.shape_cast %get3A_959 : vector<1x16xf32> to vector<16xf32>
        %add3A_961 = arith.addf %add3A_943, %get3A_960 : vector<16xf32>
        %mul3A_962 = arith.constant 50 : i32
        %mul3A_963 = arith.muli %scan3A_86, %mul3A_962 : i32
        %add3A_964 = arith.constant 48 : i32
        %add3A_965 = arith.addi %mul3A_963, %add3A_964 : i32
        %get3A_966 = arith.index_cast %add3A_965 : i32 to index
        %get3A_967 = arith.constant 16 : index
        %get3A_968 = tpu.vector_load %arg7[%get3A_966, %get3A_967] {strides = array<i32>} : memref<800x32xf32, #tpu.memory_space<vmem>>, vector<1x16xf32>,
        %get3A_969 = vector.shape_cast %get3A_968 : vector<1x16xf32> to vector<16xf32>
        %add3A_970 = arith.addf %add3A_952, %get3A_969 : vector<16xf32>
        %mul3A_971 = arith.constant 50 : i32
        %mul3A_972 = arith.muli %scan3A_86, %mul3A_971 : i32
        %add3A_973 = arith.constant 49 : i32
        %add3A_974 = arith.addi %mul3A_972, %add3A_973 : i32
        %get3A_975 = arith.index_cast %add3A_974 : i32 to index
        %get3A_976 = arith.constant 0 : index
        %get3A_977 = tpu.vector_load %arg7[%get3A_975, %get3A_976] {strides = array<i32>} : memref<800x32xf32, #tpu.memory_space<vmem>>, vector<1x16xf32>,
        %get3A_978 = vector.shape_cast %get3A_977 : vector<1x16xf32> to vector<16xf32>
        %add3A_979 = arith.addf %add3A_961, %get3A_978 : vector<16xf32>
        %mul3A_980 = arith.constant 50 : i32
        %mul3A_981 = arith.muli %scan3A_86, %mul3A_980 : i32
        %add3A_982 = arith.constant 49 : i32
        %add3A_983 = arith.addi %mul3A_981, %add3A_982 : i32
        %get3A_984 = arith.index_cast %add3A_983 : i32 to index
        %get3A_985 = arith.constant 16 : index
        %get3A_986 = tpu.vector_load %arg7[%get3A_984, %get3A_985] {strides = array<i32>} : memref<800x32xf32, #tpu.memory_space<vmem>>, vector<1x16xf32>,
        %get3A_987 = vector.shape_cast %get3A_986 : vector<1x16xf32> to vector<16xf32>
        %add3A_988 = arith.addf %add3A_970, %get3A_987 : vector<16xf32>
        %swap3A = arith.index_cast %scan3A_86 : i32 to index
        %swap3A_989 = arith.constant 0 : index
        %swap3A_990 = tpu.vector_load %arg9[%swap3A, %swap3A_989] {strides = array<i32>} : memref<16x32xf32, #tpu.memory_space<vmem>>, vector<1x16xf32>,
        %swap3A_991 = vector.shape_cast %swap3A_990 : vector<1x16xf32> to vector<16xf32>
        %swap3A_992 = vector.shape_cast %add3A_979 : vector<16xf32> to vector<1x16xf32>
        tpu.vector_store %arg9[%swap3A, %swap3A_989], %swap3A_992 {strides = array<i32>} : memref<16x32xf32, #tpu.memory_space<vmem>>, vector<1x16xf32>,
        %swap3A_993 = arith.index_cast %scan3A_86 : i32 to index
        %swap3A_994 = arith.constant 16 : index
        %swap3A_995 = tpu.vector_load %arg9[%swap3A_993, %swap3A_994] {strides = array<i32>} : memref<16x32xf32, #tpu.memory_space<vmem>>, vector<1x16xf32>,
        %swap3A_996 = vector.shape_cast %swap3A_995 : vector<1x16xf32> to vector<16xf32>
        %swap3A_997 = vector.shape_cast %add3A_988 : vector<16xf32> to vector<1x16xf32>
        tpu.vector_store %arg9[%swap3A_993, %swap3A_994], %swap3A_997 {strides = array<i32>} : memref<16x32xf32, #tpu.memory_space<vmem>>, vector<1x16xf32>,
      }
      %scan3A_44 = arith.constant 16 : i32
      %mul3A_45 = arith.constant 16 : i32
      %mul3A_46 = arith.muli %mul3A_35, %mul3A_45 : i32
      %add3A_47 = arith.addi %mul3A_2, %mul3A_46 : i32
      "tpu.region"() ({
        %run_scoped3A = tpu.sem_alloc : memref<!tpu.dma_semaphore, #tpu.memory_space<semaphore_mem>>
        %dma_start3A_86 = arith.constant 0 : i32
        %dma_start3A_87 = tpu.memref_slice %arg4[%add3A_47, %dma_start3A_86] : memref<16384x32xf32, #tpu.memory_space<hbm>> -> memref<16x32xf32, #tpu.memory_space<hbm>>
        %dma_start3A_88 = arith.constant 0 : i32
        %dma_start3A_89 = tpu.memref_slice %arg4[%add3A_47, %dma_start3A_88] : memref<16384x32xf32, #tpu.memory_space<hbm>> -> memref<16x32xf32, #tpu.memory_space<hbm>>
        tpu.enqueue_dma source(%arg9 : memref<16x32xf32, #tpu.memory_space<vmem>>) target(%dma_start3A_89 : memref<16x32xf32, #tpu.memory_space<hbm>>) target_semaphore(%run_scoped3A : memref<!tpu.dma_semaphore, #tpu.memory_space<semaphore_mem>>)
        %dma_wait3A_90 = arith.constant 0 : i32
        %dma_wait3A_91 = tpu.memref_slice %arg4[%add3A_47, %dma_wait3A_90] : memref<16384x32xf32, #tpu.memory_space<hbm>> -> memref<16x32xf32, #tpu.memory_space<hbm>>
        %dma_wait3A_92 = arith.constant 0 : i32
        %dma_wait3A_93 = tpu.memref_slice %arg4[%add3A_47, %dma_wait3A_92] : memref<16384x32xf32, #tpu.memory_space<hbm>> -> memref<16x32xf32, #tpu.memory_space<hbm>>
        tpu.wait_dma2 semaphore(%run_scoped3A : memref<!tpu.dma_semaphore, #tpu.memory_space<semaphore_mem>>) src(%arg9 : memref<16x32xf32, #tpu.memory_space<vmem>>) dst(%dma_wait3A_93 : memref<16x32xf32, #tpu.memory_space<hbm>>)
        tpu.yield
      }) : () -> ()
      %add3A_48 = arith.constant 2 : i32
      %add3A_49 = arith.addi %mul3A_35, %add3A_48 : i32
      %min3A_50 = arith.constant 31 : i32
      %min3A_51 = arith.minsi %add3A_49, %min3A_50 : i32
      %mul3A_52 = arith.constant 16 : i32
      %mul3A_53 = arith.muli %min3A_51, %mul3A_52 : i32
      %add3A_54 = arith.addi %mul3A_2, %mul3A_53 : i32
      %mul3A_55 = arith.constant 50 : i32
      %mul3A_56 = arith.muli %add3A_54, %mul3A_55 : i32
      "tpu.region"() ({
        %run_scoped3A = tpu.sem_alloc : memref<!tpu.dma_semaphore, #tpu.memory_space<semaphore_mem>>
        %dma_start3A_86 = tpu.memref_slice %arg2[%mul3A_56] : memref<819200xi32, #tpu.memory_space<hbm>> -> memref<800xi32, #tpu.memory_space<hbm>>
        %dma_start3A_87 = tpu.memref_slice %arg2[%mul3A_56] : memref<819200xi32, #tpu.memory_space<hbm>> -> memref<800xi32, #tpu.memory_space<hbm>>
        tpu.enqueue_dma source(%dma_start3A_87 : memref<800xi32, #tpu.memory_space<hbm>>) target(%arg5 : memref<800xi32, #tpu.memory_space<vmem>>) target_semaphore(%run_scoped3A : memref<!tpu.dma_semaphore, #tpu.memory_space<semaphore_mem>>)
        %dma_wait3A_88 = tpu.memref_slice %arg2[%mul3A_56] : memref<819200xi32, #tpu.memory_space<hbm>> -> memref<800xi32, #tpu.memory_space<hbm>>
        %dma_wait3A_89 = tpu.memref_slice %arg2[%mul3A_56] : memref<819200xi32, #tpu.memory_space<hbm>> -> memref<800xi32, #tpu.memory_space<hbm>>
        tpu.wait_dma2 semaphore(%run_scoped3A : memref<!tpu.dma_semaphore, #tpu.memory_space<semaphore_mem>>) src(%dma_wait3A_89 : memref<800xi32, #tpu.memory_space<hbm>>) dst(%arg5 : memref<800xi32, #tpu.memory_space<vmem>>)
        tpu.yield
      }) : () -> ()
      %dma_start3A_57 = arith.constant 0 : i32
      %dma_start3A_58 = arith.constant 0 : i32
      %dma_start3A_59 = tpu.memref_slice %arg3[%dma_start3A_57, %dma_start3A_58] : memref<1000000x32xf32, #tpu.memory_space<hbm>> -> memref<1000000x32xf32, #tpu.memory_space<hbm>>
      tpu.enqueue_indirect_dma source(%dma_start3A_59 : memref<1000000x32xf32, #tpu.memory_space<hbm>>) target(%arg7 : memref<800x32xf32, #tpu.memory_space<vmem>>) offsets(%arg5 : memref<800xi32, #tpu.memory_space<vmem>>) semaphore(%arg10 : memref<!tpu.dma_semaphore, #tpu.memory_space<semaphore_mem>>)
      %dma_wait3A_60 = arith.constant 0 : i32
      %dma_wait3A_61 = arith.constant 0 : i32
      %dma_wait3A_62 = tpu.memref_slice %arg3[%dma_wait3A_60, %dma_wait3A_61] : memref<1000000x32xf32, #tpu.memory_space<hbm>> -> memref<1000000x32xf32, #tpu.memory_space<hbm>>
      tpu.wait_indirect_dma semaphore(%arg11 : memref<!tpu.dma_semaphore, #tpu.memory_space<semaphore_mem>>) src(%dma_wait3A_62 : memref<1000000x32xf32, #tpu.memory_space<hbm>>) dst(%arg8 : memref<800x32xf32, #tpu.memory_space<vmem>>)
      %add3A_63 = arith.constant 1 : i32
      %add3A_64 = arith.addi %mul3A_35, %add3A_63 : i32
      %scan3A_65 = arith.constant 0 : i32
      %scan3A_66 = arith.constant 0 : i32
      %scan3A_67 = arith.constant 16 : i32
      %scan3A_68 = arith.addi %scan3A_66, %scan3A_67 : i32
      %scan3A_69 = arith.constant 1 : i32
      scf.for %scan3A_86 = %scan3A_66 to %scan3A_68 step %scan3A_69  : i32 {
        %broadcast_in_dim3A = arith.constant 0.000000e+00 : f32
        %broadcast_in_dim3A_87 = vector.broadcast %broadcast_in_dim3A : f32 to vector<16xf32>
        %broadcast_in_dim3A_88 = arith.constant 0.000000e+00 : f32
        %broadcast_in_dim3A_89 = vector.broadcast %broadcast_in_dim3A_88 : f32 to vector<16xf32>
        %mul3A_90 = arith.constant 50 : i32
        %mul3A_91 = arith.muli %scan3A_86, %mul3A_90 : i32
        %add3A_92 = arith.constant 0 : i32
        %add3A_93 = arith.addi %mul3A_91, %add3A_92 : i32
        %get3A = arith.index_cast %add3A_93 : i32 to index
        %get3A_94 = arith.constant 0 : index
        %get3A_95 = tpu.vector_load %arg8[%get3A, %get3A_94] {strides = array<i32>} : memref<800x32xf32, #tpu.memory_space<vmem>>, vector<1x16xf32>,
        %get3A_96 = vector.shape_cast %get3A_95 : vector<1x16xf32> to vector<16xf32>
        %add3A_97 = arith.addf %broadcast_in_dim3A_87, %get3A_96 : vector<16xf32>
        %mul3A_98 = arith.constant 50 : i32
        %mul3A_99 = arith.muli %scan3A_86, %mul3A_98 : i32
        %add3A_100 = arith.constant 0 : i32
        %add3A_101 = arith.addi %mul3A_99, %add3A_100 : i32
        %get3A_102 = arith.index_cast %add3A_101 : i32 to index
        %get3A_103 = arith.constant 16 : index
        %get3A_104 = tpu.vector_load %arg8[%get3A_102, %get3A_103] {strides = array<i32>} : memref<800x32xf32, #tpu.memory_space<vmem>>, vector<1x16xf32>,
        %get3A_105 = vector.shape_cast %get3A_104 : vector<1x16xf32> to vector<16xf32>
        %add3A_106 = arith.addf %broadcast_in_dim3A_89, %get3A_105 : vector<16xf32>
        %mul3A_107 = arith.constant 50 : i32
        %mul3A_108 = arith.muli %scan3A_86, %mul3A_107 : i32
        %add3A_109 = arith.constant 1 : i32
        %add3A_110 = arith.addi %mul3A_108, %add3A_109 : i32
        %get3A_111 = arith.index_cast %add3A_110 : i32 to index
        %get3A_112 = arith.constant 0 : index
        %get3A_113 = tpu.vector_load %arg8[%get3A_111, %get3A_112] {strides = array<i32>} : memref<800x32xf32, #tpu.memory_space<vmem>>, vector<1x16xf32>,
        %get3A_114 = vector.shape_cast %get3A_113 : vector<1x16xf32> to vector<16xf32>
        %add3A_115 = arith.addf %add3A_97, %get3A_114 : vector<16xf32>
        %mul3A_116 = arith.constant 50 : i32
        %mul3A_117 = arith.muli %scan3A_86, %mul3A_116 : i32
        %add3A_118 = arith.constant 1 : i32
        %add3A_119 = arith.addi %mul3A_117, %add3A_118 : i32
        %get3A_120 = arith.index_cast %add3A_119 : i32 to index
        %get3A_121 = arith.constant 16 : index
        %get3A_122 = tpu.vector_load %arg8[%get3A_120, %get3A_121] {strides = array<i32>} : memref<800x32xf32, #tpu.memory_space<vmem>>, vector<1x16xf32>,
        %get3A_123 = vector.shape_cast %get3A_122 : vector<1x16xf32> to vector<16xf32>
        %add3A_124 = arith.addf %add3A_106, %get3A_123 : vector<16xf32>
        %mul3A_125 = arith.constant 50 : i32
        %mul3A_126 = arith.muli %scan3A_86, %mul3A_125 : i32
        %add3A_127 = arith.constant 2 : i32
        %add3A_128 = arith.addi %mul3A_126, %add3A_127 : i32
        %get3A_129 = arith.index_cast %add3A_128 : i32 to index
        %get3A_130 = arith.constant 0 : index
        %get3A_131 = tpu.vector_load %arg8[%get3A_129, %get3A_130] {strides = array<i32>} : memref<800x32xf32, #tpu.memory_space<vmem>>, vector<1x16xf32>,
        %get3A_132 = vector.shape_cast %get3A_131 : vector<1x16xf32> to vector<16xf32>
        %add3A_133 = arith.addf %add3A_115, %get3A_132 : vector<16xf32>
        %mul3A_134 = arith.constant 50 : i32
        %mul3A_135 = arith.muli %scan3A_86, %mul3A_134 : i32
        %add3A_136 = arith.constant 2 : i32
        %add3A_137 = arith.addi %mul3A_135, %add3A_136 : i32
        %get3A_138 = arith.index_cast %add3A_137 : i32 to index
        %get3A_139 = arith.constant 16 : index
        %get3A_140 = tpu.vector_load %arg8[%get3A_138, %get3A_139] {strides = array<i32>} : memref<800x32xf32, #tpu.memory_space<vmem>>, vector<1x16xf32>,
        %get3A_141 = vector.shape_cast %get3A_140 : vector<1x16xf32> to vector<16xf32>
        %add3A_142 = arith.addf %add3A_124, %get3A_141 : vector<16xf32>
        %mul3A_143 = arith.constant 50 : i32
        %mul3A_144 = arith.muli %scan3A_86, %mul3A_143 : i32
        %add3A_145 = arith.constant 3 : i32
        %add3A_146 = arith.addi %mul3A_144, %add3A_145 : i32
        %get3A_147 = arith.index_cast %add3A_146 : i32 to index
        %get3A_148 = arith.constant 0 : index
        %get3A_149 = tpu.vector_load %arg8[%get3A_147, %get3A_148] {strides = array<i32>} : memref<800x32xf32, #tpu.memory_space<vmem>>, vector<1x16xf32>,
        %get3A_150 = vector.shape_cast %get3A_149 : vector<1x16xf32> to vector<16xf32>
        %add3A_151 = arith.addf %add3A_133, %get3A_150 : vector<16xf32>
        %mul3A_152 = arith.constant 50 : i32
        %mul3A_153 = arith.muli %scan3A_86, %mul3A_152 : i32
        %add3A_154 = arith.constant 3 : i32
        %add3A_155 = arith.addi %mul3A_153, %add3A_154 : i32
        %get3A_156 = arith.index_cast %add3A_155 : i32 to index
        %get3A_157 = arith.constant 16 : index
        %get3A_158 = tpu.vector_load %arg8[%get3A_156, %get3A_157] {strides = array<i32>} : memref<800x32xf32, #tpu.memory_space<vmem>>, vector<1x16xf32>,
        %get3A_159 = vector.shape_cast %get3A_158 : vector<1x16xf32> to vector<16xf32>
        %add3A_160 = arith.addf %add3A_142, %get3A_159 : vector<16xf32>
        %mul3A_161 = arith.constant 50 : i32
        %mul3A_162 = arith.muli %scan3A_86, %mul3A_161 : i32
        %add3A_163 = arith.constant 4 : i32
        %add3A_164 = arith.addi %mul3A_162, %add3A_163 : i32
        %get3A_165 = arith.index_cast %add3A_164 : i32 to index
        %get3A_166 = arith.constant 0 : index
        %get3A_167 = tpu.vector_load %arg8[%get3A_165, %get3A_166] {strides = array<i32>} : memref<800x32xf32, #tpu.memory_space<vmem>>, vector<1x16xf32>,
        %get3A_168 = vector.shape_cast %get3A_167 : vector<1x16xf32> to vector<16xf32>
        %add3A_169 = arith.addf %add3A_151, %get3A_168 : vector<16xf32>
        %mul3A_170 = arith.constant 50 : i32
        %mul3A_171 = arith.muli %scan3A_86, %mul3A_170 : i32
        %add3A_172 = arith.constant 4 : i32
        %add3A_173 = arith.addi %mul3A_171, %add3A_172 : i32
        %get3A_174 = arith.index_cast %add3A_173 : i32 to index
        %get3A_175 = arith.constant 16 : index
        %get3A_176 = tpu.vector_load %arg8[%get3A_174, %get3A_175] {strides = array<i32>} : memref<800x32xf32, #tpu.memory_space<vmem>>, vector<1x16xf32>,
        %get3A_177 = vector.shape_cast %get3A_176 : vector<1x16xf32> to vector<16xf32>
        %add3A_178 = arith.addf %add3A_160, %get3A_177 : vector<16xf32>
        %mul3A_179 = arith.constant 50 : i32
        %mul3A_180 = arith.muli %scan3A_86, %mul3A_179 : i32
        %add3A_181 = arith.constant 5 : i32
        %add3A_182 = arith.addi %mul3A_180, %add3A_181 : i32
        %get3A_183 = arith.index_cast %add3A_182 : i32 to index
        %get3A_184 = arith.constant 0 : index
        %get3A_185 = tpu.vector_load %arg8[%get3A_183, %get3A_184] {strides = array<i32>} : memref<800x32xf32, #tpu.memory_space<vmem>>, vector<1x16xf32>,
        %get3A_186 = vector.shape_cast %get3A_185 : vector<1x16xf32> to vector<16xf32>
        %add3A_187 = arith.addf %add3A_169, %get3A_186 : vector<16xf32>
        %mul3A_188 = arith.constant 50 : i32
        %mul3A_189 = arith.muli %scan3A_86, %mul3A_188 : i32
        %add3A_190 = arith.constant 5 : i32
        %add3A_191 = arith.addi %mul3A_189, %add3A_190 : i32
        %get3A_192 = arith.index_cast %add3A_191 : i32 to index
        %get3A_193 = arith.constant 16 : index
        %get3A_194 = tpu.vector_load %arg8[%get3A_192, %get3A_193] {strides = array<i32>} : memref<800x32xf32, #tpu.memory_space<vmem>>, vector<1x16xf32>,
        %get3A_195 = vector.shape_cast %get3A_194 : vector<1x16xf32> to vector<16xf32>
        %add3A_196 = arith.addf %add3A_178, %get3A_195 : vector<16xf32>
        %mul3A_197 = arith.constant 50 : i32
        %mul3A_198 = arith.muli %scan3A_86, %mul3A_197 : i32
        %add3A_199 = arith.constant 6 : i32
        %add3A_200 = arith.addi %mul3A_198, %add3A_199 : i32
        %get3A_201 = arith.index_cast %add3A_200 : i32 to index
        %get3A_202 = arith.constant 0 : index
        %get3A_203 = tpu.vector_load %arg8[%get3A_201, %get3A_202] {strides = array<i32>} : memref<800x32xf32, #tpu.memory_space<vmem>>, vector<1x16xf32>,
        %get3A_204 = vector.shape_cast %get3A_203 : vector<1x16xf32> to vector<16xf32>
        %add3A_205 = arith.addf %add3A_187, %get3A_204 : vector<16xf32>
        %mul3A_206 = arith.constant 50 : i32
        %mul3A_207 = arith.muli %scan3A_86, %mul3A_206 : i32
        %add3A_208 = arith.constant 6 : i32
        %add3A_209 = arith.addi %mul3A_207, %add3A_208 : i32
        %get3A_210 = arith.index_cast %add3A_209 : i32 to index
        %get3A_211 = arith.constant 16 : index
        %get3A_212 = tpu.vector_load %arg8[%get3A_210, %get3A_211] {strides = array<i32>} : memref<800x32xf32, #tpu.memory_space<vmem>>, vector<1x16xf32>,
        %get3A_213 = vector.shape_cast %get3A_212 : vector<1x16xf32> to vector<16xf32>
        %add3A_214 = arith.addf %add3A_196, %get3A_213 : vector<16xf32>
        %mul3A_215 = arith.constant 50 : i32
        %mul3A_216 = arith.muli %scan3A_86, %mul3A_215 : i32
        %add3A_217 = arith.constant 7 : i32
        %add3A_218 = arith.addi %mul3A_216, %add3A_217 : i32
        %get3A_219 = arith.index_cast %add3A_218 : i32 to index
        %get3A_220 = arith.constant 0 : index
        %get3A_221 = tpu.vector_load %arg8[%get3A_219, %get3A_220] {strides = array<i32>} : memref<800x32xf32, #tpu.memory_space<vmem>>, vector<1x16xf32>,
        %get3A_222 = vector.shape_cast %get3A_221 : vector<1x16xf32> to vector<16xf32>
        %add3A_223 = arith.addf %add3A_205, %get3A_222 : vector<16xf32>
        %mul3A_224 = arith.constant 50 : i32
        %mul3A_225 = arith.muli %scan3A_86, %mul3A_224 : i32
        %add3A_226 = arith.constant 7 : i32
        %add3A_227 = arith.addi %mul3A_225, %add3A_226 : i32
        %get3A_228 = arith.index_cast %add3A_227 : i32 to index
        %get3A_229 = arith.constant 16 : index
        %get3A_230 = tpu.vector_load %arg8[%get3A_228, %get3A_229] {strides = array<i32>} : memref<800x32xf32, #tpu.memory_space<vmem>>, vector<1x16xf32>,
        %get3A_231 = vector.shape_cast %get3A_230 : vector<1x16xf32> to vector<16xf32>
        %add3A_232 = arith.addf %add3A_214, %get3A_231 : vector<16xf32>
        %mul3A_233 = arith.constant 50 : i32
        %mul3A_234 = arith.muli %scan3A_86, %mul3A_233 : i32
        %add3A_235 = arith.constant 8 : i32
        %add3A_236 = arith.addi %mul3A_234, %add3A_235 : i32
        %get3A_237 = arith.index_cast %add3A_236 : i32 to index
        %get3A_238 = arith.constant 0 : index
        %get3A_239 = tpu.vector_load %arg8[%get3A_237, %get3A_238] {strides = array<i32>} : memref<800x32xf32, #tpu.memory_space<vmem>>, vector<1x16xf32>,
        %get3A_240 = vector.shape_cast %get3A_239 : vector<1x16xf32> to vector<16xf32>
        %add3A_241 = arith.addf %add3A_223, %get3A_240 : vector<16xf32>
        %mul3A_242 = arith.constant 50 : i32
        %mul3A_243 = arith.muli %scan3A_86, %mul3A_242 : i32
        %add3A_244 = arith.constant 8 : i32
        %add3A_245 = arith.addi %mul3A_243, %add3A_244 : i32
        %get3A_246 = arith.index_cast %add3A_245 : i32 to index
        %get3A_247 = arith.constant 16 : index
        %get3A_248 = tpu.vector_load %arg8[%get3A_246, %get3A_247] {strides = array<i32>} : memref<800x32xf32, #tpu.memory_space<vmem>>, vector<1x16xf32>,
        %get3A_249 = vector.shape_cast %get3A_248 : vector<1x16xf32> to vector<16xf32>
        %add3A_250 = arith.addf %add3A_232, %get3A_249 : vector<16xf32>
        %mul3A_251 = arith.constant 50 : i32
        %mul3A_252 = arith.muli %scan3A_86, %mul3A_251 : i32
        %add3A_253 = arith.constant 9 : i32
        %add3A_254 = arith.addi %mul3A_252, %add3A_253 : i32
        %get3A_255 = arith.index_cast %add3A_254 : i32 to index
        %get3A_256 = arith.constant 0 : index
        %get3A_257 = tpu.vector_load %arg8[%get3A_255, %get3A_256] {strides = array<i32>} : memref<800x32xf32, #tpu.memory_space<vmem>>, vector<1x16xf32>,
        %get3A_258 = vector.shape_cast %get3A_257 : vector<1x16xf32> to vector<16xf32>
        %add3A_259 = arith.addf %add3A_241, %get3A_258 : vector<16xf32>
        %mul3A_260 = arith.constant 50 : i32
        %mul3A_261 = arith.muli %scan3A_86, %mul3A_260 : i32
        %add3A_262 = arith.constant 9 : i32
        %add3A_263 = arith.addi %mul3A_261, %add3A_262 : i32
        %get3A_264 = arith.index_cast %add3A_263 : i32 to index
        %get3A_265 = arith.constant 16 : index
        %get3A_266 = tpu.vector_load %arg8[%get3A_264, %get3A_265] {strides = array<i32>} : memref<800x32xf32, #tpu.memory_space<vmem>>, vector<1x16xf32>,
        %get3A_267 = vector.shape_cast %get3A_266 : vector<1x16xf32> to vector<16xf32>
        %add3A_268 = arith.addf %add3A_250, %get3A_267 : vector<16xf32>
        %mul3A_269 = arith.constant 50 : i32
        %mul3A_270 = arith.muli %scan3A_86, %mul3A_269 : i32
        %add3A_271 = arith.constant 10 : i32
        %add3A_272 = arith.addi %mul3A_270, %add3A_271 : i32
        %get3A_273 = arith.index_cast %add3A_272 : i32 to index
        %get3A_274 = arith.constant 0 : index
        %get3A_275 = tpu.vector_load %arg8[%get3A_273, %get3A_274] {strides = array<i32>} : memref<800x32xf32, #tpu.memory_space<vmem>>, vector<1x16xf32>,
        %get3A_276 = vector.shape_cast %get3A_275 : vector<1x16xf32> to vector<16xf32>
        %add3A_277 = arith.addf %add3A_259, %get3A_276 : vector<16xf32>
        %mul3A_278 = arith.constant 50 : i32
        %mul3A_279 = arith.muli %scan3A_86, %mul3A_278 : i32
        %add3A_280 = arith.constant 10 : i32
        %add3A_281 = arith.addi %mul3A_279, %add3A_280 : i32
        %get3A_282 = arith.index_cast %add3A_281 : i32 to index
        %get3A_283 = arith.constant 16 : index
        %get3A_284 = tpu.vector_load %arg8[%get3A_282, %get3A_283] {strides = array<i32>} : memref<800x32xf32, #tpu.memory_space<vmem>>, vector<1x16xf32>,
        %get3A_285 = vector.shape_cast %get3A_284 : vector<1x16xf32> to vector<16xf32>
        %add3A_286 = arith.addf %add3A_268, %get3A_285 : vector<16xf32>
        %mul3A_287 = arith.constant 50 : i32
        %mul3A_288 = arith.muli %scan3A_86, %mul3A_287 : i32
        %add3A_289 = arith.constant 11 : i32
        %add3A_290 = arith.addi %mul3A_288, %add3A_289 : i32
        %get3A_291 = arith.index_cast %add3A_290 : i32 to index
        %get3A_292 = arith.constant 0 : index
        %get3A_293 = tpu.vector_load %arg8[%get3A_291, %get3A_292] {strides = array<i32>} : memref<800x32xf32, #tpu.memory_space<vmem>>, vector<1x16xf32>,
        %get3A_294 = vector.shape_cast %get3A_293 : vector<1x16xf32> to vector<16xf32>
        %add3A_295 = arith.addf %add3A_277, %get3A_294 : vector<16xf32>
        %mul3A_296 = arith.constant 50 : i32
        %mul3A_297 = arith.muli %scan3A_86, %mul3A_296 : i32
        %add3A_298 = arith.constant 11 : i32
        %add3A_299 = arith.addi %mul3A_297, %add3A_298 : i32
        %get3A_300 = arith.index_cast %add3A_299 : i32 to index
        %get3A_301 = arith.constant 16 : index
        %get3A_302 = tpu.vector_load %arg8[%get3A_300, %get3A_301] {strides = array<i32>} : memref<800x32xf32, #tpu.memory_space<vmem>>, vector<1x16xf32>,
        %get3A_303 = vector.shape_cast %get3A_302 : vector<1x16xf32> to vector<16xf32>
        %add3A_304 = arith.addf %add3A_286, %get3A_303 : vector<16xf32>
        %mul3A_305 = arith.constant 50 : i32
        %mul3A_306 = arith.muli %scan3A_86, %mul3A_305 : i32
        %add3A_307 = arith.constant 12 : i32
        %add3A_308 = arith.addi %mul3A_306, %add3A_307 : i32
        %get3A_309 = arith.index_cast %add3A_308 : i32 to index
        %get3A_310 = arith.constant 0 : index
        %get3A_311 = tpu.vector_load %arg8[%get3A_309, %get3A_310] {strides = array<i32>} : memref<800x32xf32, #tpu.memory_space<vmem>>, vector<1x16xf32>,
        %get3A_312 = vector.shape_cast %get3A_311 : vector<1x16xf32> to vector<16xf32>
        %add3A_313 = arith.addf %add3A_295, %get3A_312 : vector<16xf32>
        %mul3A_314 = arith.constant 50 : i32
        %mul3A_315 = arith.muli %scan3A_86, %mul3A_314 : i32
        %add3A_316 = arith.constant 12 : i32
        %add3A_317 = arith.addi %mul3A_315, %add3A_316 : i32
        %get3A_318 = arith.index_cast %add3A_317 : i32 to index
        %get3A_319 = arith.constant 16 : index
        %get3A_320 = tpu.vector_load %arg8[%get3A_318, %get3A_319] {strides = array<i32>} : memref<800x32xf32, #tpu.memory_space<vmem>>, vector<1x16xf32>,
        %get3A_321 = vector.shape_cast %get3A_320 : vector<1x16xf32> to vector<16xf32>
        %add3A_322 = arith.addf %add3A_304, %get3A_321 : vector<16xf32>
        %mul3A_323 = arith.constant 50 : i32
        %mul3A_324 = arith.muli %scan3A_86, %mul3A_323 : i32
        %add3A_325 = arith.constant 13 : i32
        %add3A_326 = arith.addi %mul3A_324, %add3A_325 : i32
        %get3A_327 = arith.index_cast %add3A_326 : i32 to index
        %get3A_328 = arith.constant 0 : index
        %get3A_329 = tpu.vector_load %arg8[%get3A_327, %get3A_328] {strides = array<i32>} : memref<800x32xf32, #tpu.memory_space<vmem>>, vector<1x16xf32>,
        %get3A_330 = vector.shape_cast %get3A_329 : vector<1x16xf32> to vector<16xf32>
        %add3A_331 = arith.addf %add3A_313, %get3A_330 : vector<16xf32>
        %mul3A_332 = arith.constant 50 : i32
        %mul3A_333 = arith.muli %scan3A_86, %mul3A_332 : i32
        %add3A_334 = arith.constant 13 : i32
        %add3A_335 = arith.addi %mul3A_333, %add3A_334 : i32
        %get3A_336 = arith.index_cast %add3A_335 : i32 to index
        %get3A_337 = arith.constant 16 : index
        %get3A_338 = tpu.vector_load %arg8[%get3A_336, %get3A_337] {strides = array<i32>} : memref<800x32xf32, #tpu.memory_space<vmem>>, vector<1x16xf32>,
        %get3A_339 = vector.shape_cast %get3A_338 : vector<1x16xf32> to vector<16xf32>
        %add3A_340 = arith.addf %add3A_322, %get3A_339 : vector<16xf32>
        %mul3A_341 = arith.constant 50 : i32
        %mul3A_342 = arith.muli %scan3A_86, %mul3A_341 : i32
        %add3A_343 = arith.constant 14 : i32
        %add3A_344 = arith.addi %mul3A_342, %add3A_343 : i32
        %get3A_345 = arith.index_cast %add3A_344 : i32 to index
        %get3A_346 = arith.constant 0 : index
        %get3A_347 = tpu.vector_load %arg8[%get3A_345, %get3A_346] {strides = array<i32>} : memref<800x32xf32, #tpu.memory_space<vmem>>, vector<1x16xf32>,
        %get3A_348 = vector.shape_cast %get3A_347 : vector<1x16xf32> to vector<16xf32>
        %add3A_349 = arith.addf %add3A_331, %get3A_348 : vector<16xf32>
        %mul3A_350 = arith.constant 50 : i32
        %mul3A_351 = arith.muli %scan3A_86, %mul3A_350 : i32
        %add3A_352 = arith.constant 14 : i32
        %add3A_353 = arith.addi %mul3A_351, %add3A_352 : i32
        %get3A_354 = arith.index_cast %add3A_353 : i32 to index
        %get3A_355 = arith.constant 16 : index
        %get3A_356 = tpu.vector_load %arg8[%get3A_354, %get3A_355] {strides = array<i32>} : memref<800x32xf32, #tpu.memory_space<vmem>>, vector<1x16xf32>,
        %get3A_357 = vector.shape_cast %get3A_356 : vector<1x16xf32> to vector<16xf32>
        %add3A_358 = arith.addf %add3A_340, %get3A_357 : vector<16xf32>
        %mul3A_359 = arith.constant 50 : i32
        %mul3A_360 = arith.muli %scan3A_86, %mul3A_359 : i32
        %add3A_361 = arith.constant 15 : i32
        %add3A_362 = arith.addi %mul3A_360, %add3A_361 : i32
        %get3A_363 = arith.index_cast %add3A_362 : i32 to index
        %get3A_364 = arith.constant 0 : index
        %get3A_365 = tpu.vector_load %arg8[%get3A_363, %get3A_364] {strides = array<i32>} : memref<800x32xf32, #tpu.memory_space<vmem>>, vector<1x16xf32>,
        %get3A_366 = vector.shape_cast %get3A_365 : vector<1x16xf32> to vector<16xf32>
        %add3A_367 = arith.addf %add3A_349, %get3A_366 : vector<16xf32>
        %mul3A_368 = arith.constant 50 : i32
        %mul3A_369 = arith.muli %scan3A_86, %mul3A_368 : i32
        %add3A_370 = arith.constant 15 : i32
        %add3A_371 = arith.addi %mul3A_369, %add3A_370 : i32
        %get3A_372 = arith.index_cast %add3A_371 : i32 to index
        %get3A_373 = arith.constant 16 : index
        %get3A_374 = tpu.vector_load %arg8[%get3A_372, %get3A_373] {strides = array<i32>} : memref<800x32xf32, #tpu.memory_space<vmem>>, vector<1x16xf32>,
        %get3A_375 = vector.shape_cast %get3A_374 : vector<1x16xf32> to vector<16xf32>
        %add3A_376 = arith.addf %add3A_358, %get3A_375 : vector<16xf32>
        %mul3A_377 = arith.constant 50 : i32
        %mul3A_378 = arith.muli %scan3A_86, %mul3A_377 : i32
        %add3A_379 = arith.constant 16 : i32
        %add3A_380 = arith.addi %mul3A_378, %add3A_379 : i32
        %get3A_381 = arith.index_cast %add3A_380 : i32 to index
        %get3A_382 = arith.constant 0 : index
        %get3A_383 = tpu.vector_load %arg8[%get3A_381, %get3A_382] {strides = array<i32>} : memref<800x32xf32, #tpu.memory_space<vmem>>, vector<1x16xf32>,
        %get3A_384 = vector.shape_cast %get3A_383 : vector<1x16xf32> to vector<16xf32>
        %add3A_385 = arith.addf %add3A_367, %get3A_384 : vector<16xf32>
        %mul3A_386 = arith.constant 50 : i32
        %mul3A_387 = arith.muli %scan3A_86, %mul3A_386 : i32
        %add3A_388 = arith.constant 16 : i32
        %add3A_389 = arith.addi %mul3A_387, %add3A_388 : i32
        %get3A_390 = arith.index_cast %add3A_389 : i32 to index
        %get3A_391 = arith.constant 16 : index
        %get3A_392 = tpu.vector_load %arg8[%get3A_390, %get3A_391] {strides = array<i32>} : memref<800x32xf32, #tpu.memory_space<vmem>>, vector<1x16xf32>,
        %get3A_393 = vector.shape_cast %get3A_392 : vector<1x16xf32> to vector<16xf32>
        %add3A_394 = arith.addf %add3A_376, %get3A_393 : vector<16xf32>
        %mul3A_395 = arith.constant 50 : i32
        %mul3A_396 = arith.muli %scan3A_86, %mul3A_395 : i32
        %add3A_397 = arith.constant 17 : i32
        %add3A_398 = arith.addi %mul3A_396, %add3A_397 : i32
        %get3A_399 = arith.index_cast %add3A_398 : i32 to index
        %get3A_400 = arith.constant 0 : index
        %get3A_401 = tpu.vector_load %arg8[%get3A_399, %get3A_400] {strides = array<i32>} : memref<800x32xf32, #tpu.memory_space<vmem>>, vector<1x16xf32>,
        %get3A_402 = vector.shape_cast %get3A_401 : vector<1x16xf32> to vector<16xf32>
        %add3A_403 = arith.addf %add3A_385, %get3A_402 : vector<16xf32>
        %mul3A_404 = arith.constant 50 : i32
        %mul3A_405 = arith.muli %scan3A_86, %mul3A_404 : i32
        %add3A_406 = arith.constant 17 : i32
        %add3A_407 = arith.addi %mul3A_405, %add3A_406 : i32
        %get3A_408 = arith.index_cast %add3A_407 : i32 to index
        %get3A_409 = arith.constant 16 : index
        %get3A_410 = tpu.vector_load %arg8[%get3A_408, %get3A_409] {strides = array<i32>} : memref<800x32xf32, #tpu.memory_space<vmem>>, vector<1x16xf32>,
        %get3A_411 = vector.shape_cast %get3A_410 : vector<1x16xf32> to vector<16xf32>
        %add3A_412 = arith.addf %add3A_394, %get3A_411 : vector<16xf32>
        %mul3A_413 = arith.constant 50 : i32
        %mul3A_414 = arith.muli %scan3A_86, %mul3A_413 : i32
        %add3A_415 = arith.constant 18 : i32
        %add3A_416 = arith.addi %mul3A_414, %add3A_415 : i32
        %get3A_417 = arith.index_cast %add3A_416 : i32 to index
        %get3A_418 = arith.constant 0 : index
        %get3A_419 = tpu.vector_load %arg8[%get3A_417, %get3A_418] {strides = array<i32>} : memref<800x32xf32, #tpu.memory_space<vmem>>, vector<1x16xf32>,
        %get3A_420 = vector.shape_cast %get3A_419 : vector<1x16xf32> to vector<16xf32>
        %add3A_421 = arith.addf %add3A_403, %get3A_420 : vector<16xf32>
        %mul3A_422 = arith.constant 50 : i32
        %mul3A_423 = arith.muli %scan3A_86, %mul3A_422 : i32
        %add3A_424 = arith.constant 18 : i32
        %add3A_425 = arith.addi %mul3A_423, %add3A_424 : i32
        %get3A_426 = arith.index_cast %add3A_425 : i32 to index
        %get3A_427 = arith.constant 16 : index
        %get3A_428 = tpu.vector_load %arg8[%get3A_426, %get3A_427] {strides = array<i32>} : memref<800x32xf32, #tpu.memory_space<vmem>>, vector<1x16xf32>,
        %get3A_429 = vector.shape_cast %get3A_428 : vector<1x16xf32> to vector<16xf32>
        %add3A_430 = arith.addf %add3A_412, %get3A_429 : vector<16xf32>
        %mul3A_431 = arith.constant 50 : i32
        %mul3A_432 = arith.muli %scan3A_86, %mul3A_431 : i32
        %add3A_433 = arith.constant 19 : i32
        %add3A_434 = arith.addi %mul3A_432, %add3A_433 : i32
        %get3A_435 = arith.index_cast %add3A_434 : i32 to index
        %get3A_436 = arith.constant 0 : index
        %get3A_437 = tpu.vector_load %arg8[%get3A_435, %get3A_436] {strides = array<i32>} : memref<800x32xf32, #tpu.memory_space<vmem>>, vector<1x16xf32>,
        %get3A_438 = vector.shape_cast %get3A_437 : vector<1x16xf32> to vector<16xf32>
        %add3A_439 = arith.addf %add3A_421, %get3A_438 : vector<16xf32>
        %mul3A_440 = arith.constant 50 : i32
        %mul3A_441 = arith.muli %scan3A_86, %mul3A_440 : i32
        %add3A_442 = arith.constant 19 : i32
        %add3A_443 = arith.addi %mul3A_441, %add3A_442 : i32
        %get3A_444 = arith.index_cast %add3A_443 : i32 to index
        %get3A_445 = arith.constant 16 : index
        %get3A_446 = tpu.vector_load %arg8[%get3A_444, %get3A_445] {strides = array<i32>} : memref<800x32xf32, #tpu.memory_space<vmem>>, vector<1x16xf32>,
        %get3A_447 = vector.shape_cast %get3A_446 : vector<1x16xf32> to vector<16xf32>
        %add3A_448 = arith.addf %add3A_430, %get3A_447 : vector<16xf32>
        %mul3A_449 = arith.constant 50 : i32
        %mul3A_450 = arith.muli %scan3A_86, %mul3A_449 : i32
        %add3A_451 = arith.constant 20 : i32
        %add3A_452 = arith.addi %mul3A_450, %add3A_451 : i32
        %get3A_453 = arith.index_cast %add3A_452 : i32 to index
        %get3A_454 = arith.constant 0 : index
        %get3A_455 = tpu.vector_load %arg8[%get3A_453, %get3A_454] {strides = array<i32>} : memref<800x32xf32, #tpu.memory_space<vmem>>, vector<1x16xf32>,
        %get3A_456 = vector.shape_cast %get3A_455 : vector<1x16xf32> to vector<16xf32>
        %add3A_457 = arith.addf %add3A_439, %get3A_456 : vector<16xf32>
        %mul3A_458 = arith.constant 50 : i32
        %mul3A_459 = arith.muli %scan3A_86, %mul3A_458 : i32
        %add3A_460 = arith.constant 20 : i32
        %add3A_461 = arith.addi %mul3A_459, %add3A_460 : i32
        %get3A_462 = arith.index_cast %add3A_461 : i32 to index
        %get3A_463 = arith.constant 16 : index
        %get3A_464 = tpu.vector_load %arg8[%get3A_462, %get3A_463] {strides = array<i32>} : memref<800x32xf32, #tpu.memory_space<vmem>>, vector<1x16xf32>,
        %get3A_465 = vector.shape_cast %get3A_464 : vector<1x16xf32> to vector<16xf32>
        %add3A_466 = arith.addf %add3A_448, %get3A_465 : vector<16xf32>
        %mul3A_467 = arith.constant 50 : i32
        %mul3A_468 = arith.muli %scan3A_86, %mul3A_467 : i32
        %add3A_469 = arith.constant 21 : i32
        %add3A_470 = arith.addi %mul3A_468, %add3A_469 : i32
        %get3A_471 = arith.index_cast %add3A_470 : i32 to index
        %get3A_472 = arith.constant 0 : index
        %get3A_473 = tpu.vector_load %arg8[%get3A_471, %get3A_472] {strides = array<i32>} : memref<800x32xf32, #tpu.memory_space<vmem>>, vector<1x16xf32>,
        %get3A_474 = vector.shape_cast %get3A_473 : vector<1x16xf32> to vector<16xf32>
        %add3A_475 = arith.addf %add3A_457, %get3A_474 : vector<16xf32>
        %mul3A_476 = arith.constant 50 : i32
        %mul3A_477 = arith.muli %scan3A_86, %mul3A_476 : i32
        %add3A_478 = arith.constant 21 : i32
        %add3A_479 = arith.addi %mul3A_477, %add3A_478 : i32
        %get3A_480 = arith.index_cast %add3A_479 : i32 to index
        %get3A_481 = arith.constant 16 : index
        %get3A_482 = tpu.vector_load %arg8[%get3A_480, %get3A_481] {strides = array<i32>} : memref<800x32xf32, #tpu.memory_space<vmem>>, vector<1x16xf32>,
        %get3A_483 = vector.shape_cast %get3A_482 : vector<1x16xf32> to vector<16xf32>
        %add3A_484 = arith.addf %add3A_466, %get3A_483 : vector<16xf32>
        %mul3A_485 = arith.constant 50 : i32
        %mul3A_486 = arith.muli %scan3A_86, %mul3A_485 : i32
        %add3A_487 = arith.constant 22 : i32
        %add3A_488 = arith.addi %mul3A_486, %add3A_487 : i32
        %get3A_489 = arith.index_cast %add3A_488 : i32 to index
        %get3A_490 = arith.constant 0 : index
        %get3A_491 = tpu.vector_load %arg8[%get3A_489, %get3A_490] {strides = array<i32>} : memref<800x32xf32, #tpu.memory_space<vmem>>, vector<1x16xf32>,
        %get3A_492 = vector.shape_cast %get3A_491 : vector<1x16xf32> to vector<16xf32>
        %add3A_493 = arith.addf %add3A_475, %get3A_492 : vector<16xf32>
        %mul3A_494 = arith.constant 50 : i32
        %mul3A_495 = arith.muli %scan3A_86, %mul3A_494 : i32
        %add3A_496 = arith.constant 22 : i32
        %add3A_497 = arith.addi %mul3A_495, %add3A_496 : i32
        %get3A_498 = arith.index_cast %add3A_497 : i32 to index
        %get3A_499 = arith.constant 16 : index
        %get3A_500 = tpu.vector_load %arg8[%get3A_498, %get3A_499] {strides = array<i32>} : memref<800x32xf32, #tpu.memory_space<vmem>>, vector<1x16xf32>,
        %get3A_501 = vector.shape_cast %get3A_500 : vector<1x16xf32> to vector<16xf32>
        %add3A_502 = arith.addf %add3A_484, %get3A_501 : vector<16xf32>
        %mul3A_503 = arith.constant 50 : i32
        %mul3A_504 = arith.muli %scan3A_86, %mul3A_503 : i32
        %add3A_505 = arith.constant 23 : i32
        %add3A_506 = arith.addi %mul3A_504, %add3A_505 : i32
        %get3A_507 = arith.index_cast %add3A_506 : i32 to index
        %get3A_508 = arith.constant 0 : index
        %get3A_509 = tpu.vector_load %arg8[%get3A_507, %get3A_508] {strides = array<i32>} : memref<800x32xf32, #tpu.memory_space<vmem>>, vector<1x16xf32>,
        %get3A_510 = vector.shape_cast %get3A_509 : vector<1x16xf32> to vector<16xf32>
        %add3A_511 = arith.addf %add3A_493, %get3A_510 : vector<16xf32>
        %mul3A_512 = arith.constant 50 : i32
        %mul3A_513 = arith.muli %scan3A_86, %mul3A_512 : i32
        %add3A_514 = arith.constant 23 : i32
        %add3A_515 = arith.addi %mul3A_513, %add3A_514 : i32
        %get3A_516 = arith.index_cast %add3A_515 : i32 to index
        %get3A_517 = arith.constant 16 : index
        %get3A_518 = tpu.vector_load %arg8[%get3A_516, %get3A_517] {strides = array<i32>} : memref<800x32xf32, #tpu.memory_space<vmem>>, vector<1x16xf32>,
        %get3A_519 = vector.shape_cast %get3A_518 : vector<1x16xf32> to vector<16xf32>
        %add3A_520 = arith.addf %add3A_502, %get3A_519 : vector<16xf32>
        %mul3A_521 = arith.constant 50 : i32
        %mul3A_522 = arith.muli %scan3A_86, %mul3A_521 : i32
        %add3A_523 = arith.constant 24 : i32
        %add3A_524 = arith.addi %mul3A_522, %add3A_523 : i32
        %get3A_525 = arith.index_cast %add3A_524 : i32 to index
        %get3A_526 = arith.constant 0 : index
        %get3A_527 = tpu.vector_load %arg8[%get3A_525, %get3A_526] {strides = array<i32>} : memref<800x32xf32, #tpu.memory_space<vmem>>, vector<1x16xf32>,
        %get3A_528 = vector.shape_cast %get3A_527 : vector<1x16xf32> to vector<16xf32>
        %add3A_529 = arith.addf %add3A_511, %get3A_528 : vector<16xf32>
        %mul3A_530 = arith.constant 50 : i32
        %mul3A_531 = arith.muli %scan3A_86, %mul3A_530 : i32
        %add3A_532 = arith.constant 24 : i32
        %add3A_533 = arith.addi %mul3A_531, %add3A_532 : i32
        %get3A_534 = arith.index_cast %add3A_533 : i32 to index
        %get3A_535 = arith.constant 16 : index
        %get3A_536 = tpu.vector_load %arg8[%get3A_534, %get3A_535] {strides = array<i32>} : memref<800x32xf32, #tpu.memory_space<vmem>>, vector<1x16xf32>,
        %get3A_537 = vector.shape_cast %get3A_536 : vector<1x16xf32> to vector<16xf32>
        %add3A_538 = arith.addf %add3A_520, %get3A_537 : vector<16xf32>
        %mul3A_539 = arith.constant 50 : i32
        %mul3A_540 = arith.muli %scan3A_86, %mul3A_539 : i32
        %add3A_541 = arith.constant 25 : i32
        %add3A_542 = arith.addi %mul3A_540, %add3A_541 : i32
        %get3A_543 = arith.index_cast %add3A_542 : i32 to index
        %get3A_544 = arith.constant 0 : index
        %get3A_545 = tpu.vector_load %arg8[%get3A_543, %get3A_544] {strides = array<i32>} : memref<800x32xf32, #tpu.memory_space<vmem>>, vector<1x16xf32>,
        %get3A_546 = vector.shape_cast %get3A_545 : vector<1x16xf32> to vector<16xf32>
        %add3A_547 = arith.addf %add3A_529, %get3A_546 : vector<16xf32>
        %mul3A_548 = arith.constant 50 : i32
        %mul3A_549 = arith.muli %scan3A_86, %mul3A_548 : i32
        %add3A_550 = arith.constant 25 : i32
        %add3A_551 = arith.addi %mul3A_549, %add3A_550 : i32
        %get3A_552 = arith.index_cast %add3A_551 : i32 to index
        %get3A_553 = arith.constant 16 : index
        %get3A_554 = tpu.vector_load %arg8[%get3A_552, %get3A_553] {strides = array<i32>} : memref<800x32xf32, #tpu.memory_space<vmem>>, vector<1x16xf32>,
        %get3A_555 = vector.shape_cast %get3A_554 : vector<1x16xf32> to vector<16xf32>
        %add3A_556 = arith.addf %add3A_538, %get3A_555 : vector<16xf32>
        %mul3A_557 = arith.constant 50 : i32
        %mul3A_558 = arith.muli %scan3A_86, %mul3A_557 : i32
        %add3A_559 = arith.constant 26 : i32
        %add3A_560 = arith.addi %mul3A_558, %add3A_559 : i32
        %get3A_561 = arith.index_cast %add3A_560 : i32 to index
        %get3A_562 = arith.constant 0 : index
        %get3A_563 = tpu.vector_load %arg8[%get3A_561, %get3A_562] {strides = array<i32>} : memref<800x32xf32, #tpu.memory_space<vmem>>, vector<1x16xf32>,
        %get3A_564 = vector.shape_cast %get3A_563 : vector<1x16xf32> to vector<16xf32>
        %add3A_565 = arith.addf %add3A_547, %get3A_564 : vector<16xf32>
        %mul3A_566 = arith.constant 50 : i32
        %mul3A_567 = arith.muli %scan3A_86, %mul3A_566 : i32
        %add3A_568 = arith.constant 26 : i32
        %add3A_569 = arith.addi %mul3A_567, %add3A_568 : i32
        %get3A_570 = arith.index_cast %add3A_569 : i32 to index
        %get3A_571 = arith.constant 16 : index
        %get3A_572 = tpu.vector_load %arg8[%get3A_570, %get3A_571] {strides = array<i32>} : memref<800x32xf32, #tpu.memory_space<vmem>>, vector<1x16xf32>,
        %get3A_573 = vector.shape_cast %get3A_572 : vector<1x16xf32> to vector<16xf32>
        %add3A_574 = arith.addf %add3A_556, %get3A_573 : vector<16xf32>
        %mul3A_575 = arith.constant 50 : i32
        %mul3A_576 = arith.muli %scan3A_86, %mul3A_575 : i32
        %add3A_577 = arith.constant 27 : i32
        %add3A_578 = arith.addi %mul3A_576, %add3A_577 : i32
        %get3A_579 = arith.index_cast %add3A_578 : i32 to index
        %get3A_580 = arith.constant 0 : index
        %get3A_581 = tpu.vector_load %arg8[%get3A_579, %get3A_580] {strides = array<i32>} : memref<800x32xf32, #tpu.memory_space<vmem>>, vector<1x16xf32>,
        %get3A_582 = vector.shape_cast %get3A_581 : vector<1x16xf32> to vector<16xf32>
        %add3A_583 = arith.addf %add3A_565, %get3A_582 : vector<16xf32>
        %mul3A_584 = arith.constant 50 : i32
        %mul3A_585 = arith.muli %scan3A_86, %mul3A_584 : i32
        %add3A_586 = arith.constant 27 : i32
        %add3A_587 = arith.addi %mul3A_585, %add3A_586 : i32
        %get3A_588 = arith.index_cast %add3A_587 : i32 to index
        %get3A_589 = arith.constant 16 : index
        %get3A_590 = tpu.vector_load %arg8[%get3A_588, %get3A_589] {strides = array<i32>} : memref<800x32xf32, #tpu.memory_space<vmem>>, vector<1x16xf32>,
        %get3A_591 = vector.shape_cast %get3A_590 : vector<1x16xf32> to vector<16xf32>
        %add3A_592 = arith.addf %add3A_574, %get3A_591 : vector<16xf32>
        %mul3A_593 = arith.constant 50 : i32
        %mul3A_594 = arith.muli %scan3A_86, %mul3A_593 : i32
        %add3A_595 = arith.constant 28 : i32
        %add3A_596 = arith.addi %mul3A_594, %add3A_595 : i32
        %get3A_597 = arith.index_cast %add3A_596 : i32 to index
        %get3A_598 = arith.constant 0 : index
        %get3A_599 = tpu.vector_load %arg8[%get3A_597, %get3A_598] {strides = array<i32>} : memref<800x32xf32, #tpu.memory_space<vmem>>, vector<1x16xf32>,
        %get3A_600 = vector.shape_cast %get3A_599 : vector<1x16xf32> to vector<16xf32>
        %add3A_601 = arith.addf %add3A_583, %get3A_600 : vector<16xf32>
        %mul3A_602 = arith.constant 50 : i32
        %mul3A_603 = arith.muli %scan3A_86, %mul3A_602 : i32
        %add3A_604 = arith.constant 28 : i32
        %add3A_605 = arith.addi %mul3A_603, %add3A_604 : i32
        %get3A_606 = arith.index_cast %add3A_605 : i32 to index
        %get3A_607 = arith.constant 16 : index
        %get3A_608 = tpu.vector_load %arg8[%get3A_606, %get3A_607] {strides = array<i32>} : memref<800x32xf32, #tpu.memory_space<vmem>>, vector<1x16xf32>,
        %get3A_609 = vector.shape_cast %get3A_608 : vector<1x16xf32> to vector<16xf32>
        %add3A_610 = arith.addf %add3A_592, %get3A_609 : vector<16xf32>
        %mul3A_611 = arith.constant 50 : i32
        %mul3A_612 = arith.muli %scan3A_86, %mul3A_611 : i32
        %add3A_613 = arith.constant 29 : i32
        %add3A_614 = arith.addi %mul3A_612, %add3A_613 : i32
        %get3A_615 = arith.index_cast %add3A_614 : i32 to index
        %get3A_616 = arith.constant 0 : index
        %get3A_617 = tpu.vector_load %arg8[%get3A_615, %get3A_616] {strides = array<i32>} : memref<800x32xf32, #tpu.memory_space<vmem>>, vector<1x16xf32>,
        %get3A_618 = vector.shape_cast %get3A_617 : vector<1x16xf32> to vector<16xf32>
        %add3A_619 = arith.addf %add3A_601, %get3A_618 : vector<16xf32>
        %mul3A_620 = arith.constant 50 : i32
        %mul3A_621 = arith.muli %scan3A_86, %mul3A_620 : i32
        %add3A_622 = arith.constant 29 : i32
        %add3A_623 = arith.addi %mul3A_621, %add3A_622 : i32
        %get3A_624 = arith.index_cast %add3A_623 : i32 to index
        %get3A_625 = arith.constant 16 : index
        %get3A_626 = tpu.vector_load %arg8[%get3A_624, %get3A_625] {strides = array<i32>} : memref<800x32xf32, #tpu.memory_space<vmem>>, vector<1x16xf32>,
        %get3A_627 = vector.shape_cast %get3A_626 : vector<1x16xf32> to vector<16xf32>
        %add3A_628 = arith.addf %add3A_610, %get3A_627 : vector<16xf32>
        %mul3A_629 = arith.constant 50 : i32
        %mul3A_630 = arith.muli %scan3A_86, %mul3A_629 : i32
        %add3A_631 = arith.constant 30 : i32
        %add3A_632 = arith.addi %mul3A_630, %add3A_631 : i32
        %get3A_633 = arith.index_cast %add3A_632 : i32 to index
        %get3A_634 = arith.constant 0 : index
        %get3A_635 = tpu.vector_load %arg8[%get3A_633, %get3A_634] {strides = array<i32>} : memref<800x32xf32, #tpu.memory_space<vmem>>, vector<1x16xf32>,
        %get3A_636 = vector.shape_cast %get3A_635 : vector<1x16xf32> to vector<16xf32>
        %add3A_637 = arith.addf %add3A_619, %get3A_636 : vector<16xf32>
        %mul3A_638 = arith.constant 50 : i32
        %mul3A_639 = arith.muli %scan3A_86, %mul3A_638 : i32
        %add3A_640 = arith.constant 30 : i32
        %add3A_641 = arith.addi %mul3A_639, %add3A_640 : i32
        %get3A_642 = arith.index_cast %add3A_641 : i32 to index
        %get3A_643 = arith.constant 16 : index
        %get3A_644 = tpu.vector_load %arg8[%get3A_642, %get3A_643] {strides = array<i32>} : memref<800x32xf32, #tpu.memory_space<vmem>>, vector<1x16xf32>,
        %get3A_645 = vector.shape_cast %get3A_644 : vector<1x16xf32> to vector<16xf32>
        %add3A_646 = arith.addf %add3A_628, %get3A_645 : vector<16xf32>
        %mul3A_647 = arith.constant 50 : i32
        %mul3A_648 = arith.muli %scan3A_86, %mul3A_647 : i32
        %add3A_649 = arith.constant 31 : i32
        %add3A_650 = arith.addi %mul3A_648, %add3A_649 : i32
        %get3A_651 = arith.index_cast %add3A_650 : i32 to index
        %get3A_652 = arith.constant 0 : index
        %get3A_653 = tpu.vector_load %arg8[%get3A_651, %get3A_652] {strides = array<i32>} : memref<800x32xf32, #tpu.memory_space<vmem>>, vector<1x16xf32>,
        %get3A_654 = vector.shape_cast %get3A_653 : vector<1x16xf32> to vector<16xf32>
        %add3A_655 = arith.addf %add3A_637, %get3A_654 : vector<16xf32>
        %mul3A_656 = arith.constant 50 : i32
        %mul3A_657 = arith.muli %scan3A_86, %mul3A_656 : i32
        %add3A_658 = arith.constant 31 : i32
        %add3A_659 = arith.addi %mul3A_657, %add3A_658 : i32
        %get3A_660 = arith.index_cast %add3A_659 : i32 to index
        %get3A_661 = arith.constant 16 : index
        %get3A_662 = tpu.vector_load %arg8[%get3A_660, %get3A_661] {strides = array<i32>} : memref<800x32xf32, #tpu.memory_space<vmem>>, vector<1x16xf32>,
        %get3A_663 = vector.shape_cast %get3A_662 : vector<1x16xf32> to vector<16xf32>
        %add3A_664 = arith.addf %add3A_646, %get3A_663 : vector<16xf32>
        %mul3A_665 = arith.constant 50 : i32
        %mul3A_666 = arith.muli %scan3A_86, %mul3A_665 : i32
        %add3A_667 = arith.constant 32 : i32
        %add3A_668 = arith.addi %mul3A_666, %add3A_667 : i32
        %get3A_669 = arith.index_cast %add3A_668 : i32 to index
        %get3A_670 = arith.constant 0 : index
        %get3A_671 = tpu.vector_load %arg8[%get3A_669, %get3A_670] {strides = array<i32>} : memref<800x32xf32, #tpu.memory_space<vmem>>, vector<1x16xf32>,
        %get3A_672 = vector.shape_cast %get3A_671 : vector<1x16xf32> to vector<16xf32>
        %add3A_673 = arith.addf %add3A_655, %get3A_672 : vector<16xf32>
        %mul3A_674 = arith.constant 50 : i32
        %mul3A_675 = arith.muli %scan3A_86, %mul3A_674 : i32
        %add3A_676 = arith.constant 32 : i32
        %add3A_677 = arith.addi %mul3A_675, %add3A_676 : i32
        %get3A_678 = arith.index_cast %add3A_677 : i32 to index
        %get3A_679 = arith.constant 16 : index
        %get3A_680 = tpu.vector_load %arg8[%get3A_678, %get3A_679] {strides = array<i32>} : memref<800x32xf32, #tpu.memory_space<vmem>>, vector<1x16xf32>,
        %get3A_681 = vector.shape_cast %get3A_680 : vector<1x16xf32> to vector<16xf32>
        %add3A_682 = arith.addf %add3A_664, %get3A_681 : vector<16xf32>
        %mul3A_683 = arith.constant 50 : i32
        %mul3A_684 = arith.muli %scan3A_86, %mul3A_683 : i32
        %add3A_685 = arith.constant 33 : i32
        %add3A_686 = arith.addi %mul3A_684, %add3A_685 : i32
        %get3A_687 = arith.index_cast %add3A_686 : i32 to index
        %get3A_688 = arith.constant 0 : index
        %get3A_689 = tpu.vector_load %arg8[%get3A_687, %get3A_688] {strides = array<i32>} : memref<800x32xf32, #tpu.memory_space<vmem>>, vector<1x16xf32>,
        %get3A_690 = vector.shape_cast %get3A_689 : vector<1x16xf32> to vector<16xf32>
        %add3A_691 = arith.addf %add3A_673, %get3A_690 : vector<16xf32>
        %mul3A_692 = arith.constant 50 : i32
        %mul3A_693 = arith.muli %scan3A_86, %mul3A_692 : i32
        %add3A_694 = arith.constant 33 : i32
        %add3A_695 = arith.addi %mul3A_693, %add3A_694 : i32
        %get3A_696 = arith.index_cast %add3A_695 : i32 to index
        %get3A_697 = arith.constant 16 : index
        %get3A_698 = tpu.vector_load %arg8[%get3A_696, %get3A_697] {strides = array<i32>} : memref<800x32xf32, #tpu.memory_space<vmem>>, vector<1x16xf32>,
        %get3A_699 = vector.shape_cast %get3A_698 : vector<1x16xf32> to vector<16xf32>
        %add3A_700 = arith.addf %add3A_682, %get3A_699 : vector<16xf32>
        %mul3A_701 = arith.constant 50 : i32
        %mul3A_702 = arith.muli %scan3A_86, %mul3A_701 : i32
        %add3A_703 = arith.constant 34 : i32
        %add3A_704 = arith.addi %mul3A_702, %add3A_703 : i32
        %get3A_705 = arith.index_cast %add3A_704 : i32 to index
        %get3A_706 = arith.constant 0 : index
        %get3A_707 = tpu.vector_load %arg8[%get3A_705, %get3A_706] {strides = array<i32>} : memref<800x32xf32, #tpu.memory_space<vmem>>, vector<1x16xf32>,
        %get3A_708 = vector.shape_cast %get3A_707 : vector<1x16xf32> to vector<16xf32>
        %add3A_709 = arith.addf %add3A_691, %get3A_708 : vector<16xf32>
        %mul3A_710 = arith.constant 50 : i32
        %mul3A_711 = arith.muli %scan3A_86, %mul3A_710 : i32
        %add3A_712 = arith.constant 34 : i32
        %add3A_713 = arith.addi %mul3A_711, %add3A_712 : i32
        %get3A_714 = arith.index_cast %add3A_713 : i32 to index
        %get3A_715 = arith.constant 16 : index
        %get3A_716 = tpu.vector_load %arg8[%get3A_714, %get3A_715] {strides = array<i32>} : memref<800x32xf32, #tpu.memory_space<vmem>>, vector<1x16xf32>,
        %get3A_717 = vector.shape_cast %get3A_716 : vector<1x16xf32> to vector<16xf32>
        %add3A_718 = arith.addf %add3A_700, %get3A_717 : vector<16xf32>
        %mul3A_719 = arith.constant 50 : i32
        %mul3A_720 = arith.muli %scan3A_86, %mul3A_719 : i32
        %add3A_721 = arith.constant 35 : i32
        %add3A_722 = arith.addi %mul3A_720, %add3A_721 : i32
        %get3A_723 = arith.index_cast %add3A_722 : i32 to index
        %get3A_724 = arith.constant 0 : index
        %get3A_725 = tpu.vector_load %arg8[%get3A_723, %get3A_724] {strides = array<i32>} : memref<800x32xf32, #tpu.memory_space<vmem>>, vector<1x16xf32>,
        %get3A_726 = vector.shape_cast %get3A_725 : vector<1x16xf32> to vector<16xf32>
        %add3A_727 = arith.addf %add3A_709, %get3A_726 : vector<16xf32>
        %mul3A_728 = arith.constant 50 : i32
        %mul3A_729 = arith.muli %scan3A_86, %mul3A_728 : i32
        %add3A_730 = arith.constant 35 : i32
        %add3A_731 = arith.addi %mul3A_729, %add3A_730 : i32
        %get3A_732 = arith.index_cast %add3A_731 : i32 to index
        %get3A_733 = arith.constant 16 : index
        %get3A_734 = tpu.vector_load %arg8[%get3A_732, %get3A_733] {strides = array<i32>} : memref<800x32xf32, #tpu.memory_space<vmem>>, vector<1x16xf32>,
        %get3A_735 = vector.shape_cast %get3A_734 : vector<1x16xf32> to vector<16xf32>
        %add3A_736 = arith.addf %add3A_718, %get3A_735 : vector<16xf32>
        %mul3A_737 = arith.constant 50 : i32
        %mul3A_738 = arith.muli %scan3A_86, %mul3A_737 : i32
        %add3A_739 = arith.constant 36 : i32
        %add3A_740 = arith.addi %mul3A_738, %add3A_739 : i32
        %get3A_741 = arith.index_cast %add3A_740 : i32 to index
        %get3A_742 = arith.constant 0 : index
        %get3A_743 = tpu.vector_load %arg8[%get3A_741, %get3A_742] {strides = array<i32>} : memref<800x32xf32, #tpu.memory_space<vmem>>, vector<1x16xf32>,
        %get3A_744 = vector.shape_cast %get3A_743 : vector<1x16xf32> to vector<16xf32>
        %add3A_745 = arith.addf %add3A_727, %get3A_744 : vector<16xf32>
        %mul3A_746 = arith.constant 50 : i32
        %mul3A_747 = arith.muli %scan3A_86, %mul3A_746 : i32
        %add3A_748 = arith.constant 36 : i32
        %add3A_749 = arith.addi %mul3A_747, %add3A_748 : i32
        %get3A_750 = arith.index_cast %add3A_749 : i32 to index
        %get3A_751 = arith.constant 16 : index
        %get3A_752 = tpu.vector_load %arg8[%get3A_750, %get3A_751] {strides = array<i32>} : memref<800x32xf32, #tpu.memory_space<vmem>>, vector<1x16xf32>,
        %get3A_753 = vector.shape_cast %get3A_752 : vector<1x16xf32> to vector<16xf32>
        %add3A_754 = arith.addf %add3A_736, %get3A_753 : vector<16xf32>
        %mul3A_755 = arith.constant 50 : i32
        %mul3A_756 = arith.muli %scan3A_86, %mul3A_755 : i32
        %add3A_757 = arith.constant 37 : i32
        %add3A_758 = arith.addi %mul3A_756, %add3A_757 : i32
        %get3A_759 = arith.index_cast %add3A_758 : i32 to index
        %get3A_760 = arith.constant 0 : index
        %get3A_761 = tpu.vector_load %arg8[%get3A_759, %get3A_760] {strides = array<i32>} : memref<800x32xf32, #tpu.memory_space<vmem>>, vector<1x16xf32>,
        %get3A_762 = vector.shape_cast %get3A_761 : vector<1x16xf32> to vector<16xf32>
        %add3A_763 = arith.addf %add3A_745, %get3A_762 : vector<16xf32>
        %mul3A_764 = arith.constant 50 : i32
        %mul3A_765 = arith.muli %scan3A_86, %mul3A_764 : i32
        %add3A_766 = arith.constant 37 : i32
        %add3A_767 = arith.addi %mul3A_765, %add3A_766 : i32
        %get3A_768 = arith.index_cast %add3A_767 : i32 to index
        %get3A_769 = arith.constant 16 : index
        %get3A_770 = tpu.vector_load %arg8[%get3A_768, %get3A_769] {strides = array<i32>} : memref<800x32xf32, #tpu.memory_space<vmem>>, vector<1x16xf32>,
        %get3A_771 = vector.shape_cast %get3A_770 : vector<1x16xf32> to vector<16xf32>
        %add3A_772 = arith.addf %add3A_754, %get3A_771 : vector<16xf32>
        %mul3A_773 = arith.constant 50 : i32
        %mul3A_774 = arith.muli %scan3A_86, %mul3A_773 : i32
        %add3A_775 = arith.constant 38 : i32
        %add3A_776 = arith.addi %mul3A_774, %add3A_775 : i32
        %get3A_777 = arith.index_cast %add3A_776 : i32 to index
        %get3A_778 = arith.constant 0 : index
        %get3A_779 = tpu.vector_load %arg8[%get3A_777, %get3A_778] {strides = array<i32>} : memref<800x32xf32, #tpu.memory_space<vmem>>, vector<1x16xf32>,
        %get3A_780 = vector.shape_cast %get3A_779 : vector<1x16xf32> to vector<16xf32>
        %add3A_781 = arith.addf %add3A_763, %get3A_780 : vector<16xf32>
        %mul3A_782 = arith.constant 50 : i32
        %mul3A_783 = arith.muli %scan3A_86, %mul3A_782 : i32
        %add3A_784 = arith.constant 38 : i32
        %add3A_785 = arith.addi %mul3A_783, %add3A_784 : i32
        %get3A_786 = arith.index_cast %add3A_785 : i32 to index
        %get3A_787 = arith.constant 16 : index
        %get3A_788 = tpu.vector_load %arg8[%get3A_786, %get3A_787] {strides = array<i32>} : memref<800x32xf32, #tpu.memory_space<vmem>>, vector<1x16xf32>,
        %get3A_789 = vector.shape_cast %get3A_788 : vector<1x16xf32> to vector<16xf32>
        %add3A_790 = arith.addf %add3A_772, %get3A_789 : vector<16xf32>
        %mul3A_791 = arith.constant 50 : i32
        %mul3A_792 = arith.muli %scan3A_86, %mul3A_791 : i32
        %add3A_793 = arith.constant 39 : i32
        %add3A_794 = arith.addi %mul3A_792, %add3A_793 : i32
        %get3A_795 = arith.index_cast %add3A_794 : i32 to index
        %get3A_796 = arith.constant 0 : index
        %get3A_797 = tpu.vector_load %arg8[%get3A_795, %get3A_796] {strides = array<i32>} : memref<800x32xf32, #tpu.memory_space<vmem>>, vector<1x16xf32>,
        %get3A_798 = vector.shape_cast %get3A_797 : vector<1x16xf32> to vector<16xf32>
        %add3A_799 = arith.addf %add3A_781, %get3A_798 : vector<16xf32>
        %mul3A_800 = arith.constant 50 : i32
        %mul3A_801 = arith.muli %scan3A_86, %mul3A_800 : i32
        %add3A_802 = arith.constant 39 : i32
        %add3A_803 = arith.addi %mul3A_801, %add3A_802 : i32
        %get3A_804 = arith.index_cast %add3A_803 : i32 to index
        %get3A_805 = arith.constant 16 : index
        %get3A_806 = tpu.vector_load %arg8[%get3A_804, %get3A_805] {strides = array<i32>} : memref<800x32xf32, #tpu.memory_space<vmem>>, vector<1x16xf32>,
        %get3A_807 = vector.shape_cast %get3A_806 : vector<1x16xf32> to vector<16xf32>
        %add3A_808 = arith.addf %add3A_790, %get3A_807 : vector<16xf32>
        %mul3A_809 = arith.constant 50 : i32
        %mul3A_810 = arith.muli %scan3A_86, %mul3A_809 : i32
        %add3A_811 = arith.constant 40 : i32
        %add3A_812 = arith.addi %mul3A_810, %add3A_811 : i32
        %get3A_813 = arith.index_cast %add3A_812 : i32 to index
        %get3A_814 = arith.constant 0 : index
        %get3A_815 = tpu.vector_load %arg8[%get3A_813, %get3A_814] {strides = array<i32>} : memref<800x32xf32, #tpu.memory_space<vmem>>, vector<1x16xf32>,
        %get3A_816 = vector.shape_cast %get3A_815 : vector<1x16xf32> to vector<16xf32>
        %add3A_817 = arith.addf %add3A_799, %get3A_816 : vector<16xf32>
        %mul3A_818 = arith.constant 50 : i32
        %mul3A_819 = arith.muli %scan3A_86, %mul3A_818 : i32
        %add3A_820 = arith.constant 40 : i32
        %add3A_821 = arith.addi %mul3A_819, %add3A_820 : i32
        %get3A_822 = arith.index_cast %add3A_821 : i32 to index
        %get3A_823 = arith.constant 16 : index
        %get3A_824 = tpu.vector_load %arg8[%get3A_822, %get3A_823] {strides = array<i32>} : memref<800x32xf32, #tpu.memory_space<vmem>>, vector<1x16xf32>,
        %get3A_825 = vector.shape_cast %get3A_824 : vector<1x16xf32> to vector<16xf32>
        %add3A_826 = arith.addf %add3A_808, %get3A_825 : vector<16xf32>
        %mul3A_827 = arith.constant 50 : i32
        %mul3A_828 = arith.muli %scan3A_86, %mul3A_827 : i32
        %add3A_829 = arith.constant 41 : i32
        %add3A_830 = arith.addi %mul3A_828, %add3A_829 : i32
        %get3A_831 = arith.index_cast %add3A_830 : i32 to index
        %get3A_832 = arith.constant 0 : index
        %get3A_833 = tpu.vector_load %arg8[%get3A_831, %get3A_832] {strides = array<i32>} : memref<800x32xf32, #tpu.memory_space<vmem>>, vector<1x16xf32>,
        %get3A_834 = vector.shape_cast %get3A_833 : vector<1x16xf32> to vector<16xf32>
        %add3A_835 = arith.addf %add3A_817, %get3A_834 : vector<16xf32>
        %mul3A_836 = arith.constant 50 : i32
        %mul3A_837 = arith.muli %scan3A_86, %mul3A_836 : i32
        %add3A_838 = arith.constant 41 : i32
        %add3A_839 = arith.addi %mul3A_837, %add3A_838 : i32
        %get3A_840 = arith.index_cast %add3A_839 : i32 to index
        %get3A_841 = arith.constant 16 : index
        %get3A_842 = tpu.vector_load %arg8[%get3A_840, %get3A_841] {strides = array<i32>} : memref<800x32xf32, #tpu.memory_space<vmem>>, vector<1x16xf32>,
        %get3A_843 = vector.shape_cast %get3A_842 : vector<1x16xf32> to vector<16xf32>
        %add3A_844 = arith.addf %add3A_826, %get3A_843 : vector<16xf32>
        %mul3A_845 = arith.constant 50 : i32
        %mul3A_846 = arith.muli %scan3A_86, %mul3A_845 : i32
        %add3A_847 = arith.constant 42 : i32
        %add3A_848 = arith.addi %mul3A_846, %add3A_847 : i32
        %get3A_849 = arith.index_cast %add3A_848 : i32 to index
        %get3A_850 = arith.constant 0 : index
        %get3A_851 = tpu.vector_load %arg8[%get3A_849, %get3A_850] {strides = array<i32>} : memref<800x32xf32, #tpu.memory_space<vmem>>, vector<1x16xf32>,
        %get3A_852 = vector.shape_cast %get3A_851 : vector<1x16xf32> to vector<16xf32>
        %add3A_853 = arith.addf %add3A_835, %get3A_852 : vector<16xf32>
        %mul3A_854 = arith.constant 50 : i32
        %mul3A_855 = arith.muli %scan3A_86, %mul3A_854 : i32
        %add3A_856 = arith.constant 42 : i32
        %add3A_857 = arith.addi %mul3A_855, %add3A_856 : i32
        %get3A_858 = arith.index_cast %add3A_857 : i32 to index
        %get3A_859 = arith.constant 16 : index
        %get3A_860 = tpu.vector_load %arg8[%get3A_858, %get3A_859] {strides = array<i32>} : memref<800x32xf32, #tpu.memory_space<vmem>>, vector<1x16xf32>,
        %get3A_861 = vector.shape_cast %get3A_860 : vector<1x16xf32> to vector<16xf32>
        %add3A_862 = arith.addf %add3A_844, %get3A_861 : vector<16xf32>
        %mul3A_863 = arith.constant 50 : i32
        %mul3A_864 = arith.muli %scan3A_86, %mul3A_863 : i32
        %add3A_865 = arith.constant 43 : i32
        %add3A_866 = arith.addi %mul3A_864, %add3A_865 : i32
        %get3A_867 = arith.index_cast %add3A_866 : i32 to index
        %get3A_868 = arith.constant 0 : index
        %get3A_869 = tpu.vector_load %arg8[%get3A_867, %get3A_868] {strides = array<i32>} : memref<800x32xf32, #tpu.memory_space<vmem>>, vector<1x16xf32>,
        %get3A_870 = vector.shape_cast %get3A_869 : vector<1x16xf32> to vector<16xf32>
        %add3A_871 = arith.addf %add3A_853, %get3A_870 : vector<16xf32>
        %mul3A_872 = arith.constant 50 : i32
        %mul3A_873 = arith.muli %scan3A_86, %mul3A_872 : i32
        %add3A_874 = arith.constant 43 : i32
        %add3A_875 = arith.addi %mul3A_873, %add3A_874 : i32
        %get3A_876 = arith.index_cast %add3A_875 : i32 to index
        %get3A_877 = arith.constant 16 : index
        %get3A_878 = tpu.vector_load %arg8[%get3A_876, %get3A_877] {strides = array<i32>} : memref<800x32xf32, #tpu.memory_space<vmem>>, vector<1x16xf32>,
        %get3A_879 = vector.shape_cast %get3A_878 : vector<1x16xf32> to vector<16xf32>
        %add3A_880 = arith.addf %add3A_862, %get3A_879 : vector<16xf32>
        %mul3A_881 = arith.constant 50 : i32
        %mul3A_882 = arith.muli %scan3A_86, %mul3A_881 : i32
        %add3A_883 = arith.constant 44 : i32
        %add3A_884 = arith.addi %mul3A_882, %add3A_883 : i32
        %get3A_885 = arith.index_cast %add3A_884 : i32 to index
        %get3A_886 = arith.constant 0 : index
        %get3A_887 = tpu.vector_load %arg8[%get3A_885, %get3A_886] {strides = array<i32>} : memref<800x32xf32, #tpu.memory_space<vmem>>, vector<1x16xf32>,
        %get3A_888 = vector.shape_cast %get3A_887 : vector<1x16xf32> to vector<16xf32>
        %add3A_889 = arith.addf %add3A_871, %get3A_888 : vector<16xf32>
        %mul3A_890 = arith.constant 50 : i32
        %mul3A_891 = arith.muli %scan3A_86, %mul3A_890 : i32
        %add3A_892 = arith.constant 44 : i32
        %add3A_893 = arith.addi %mul3A_891, %add3A_892 : i32
        %get3A_894 = arith.index_cast %add3A_893 : i32 to index
        %get3A_895 = arith.constant 16 : index
        %get3A_896 = tpu.vector_load %arg8[%get3A_894, %get3A_895] {strides = array<i32>} : memref<800x32xf32, #tpu.memory_space<vmem>>, vector<1x16xf32>,
        %get3A_897 = vector.shape_cast %get3A_896 : vector<1x16xf32> to vector<16xf32>
        %add3A_898 = arith.addf %add3A_880, %get3A_897 : vector<16xf32>
        %mul3A_899 = arith.constant 50 : i32
        %mul3A_900 = arith.muli %scan3A_86, %mul3A_899 : i32
        %add3A_901 = arith.constant 45 : i32
        %add3A_902 = arith.addi %mul3A_900, %add3A_901 : i32
        %get3A_903 = arith.index_cast %add3A_902 : i32 to index
        %get3A_904 = arith.constant 0 : index
        %get3A_905 = tpu.vector_load %arg8[%get3A_903, %get3A_904] {strides = array<i32>} : memref<800x32xf32, #tpu.memory_space<vmem>>, vector<1x16xf32>,
        %get3A_906 = vector.shape_cast %get3A_905 : vector<1x16xf32> to vector<16xf32>
        %add3A_907 = arith.addf %add3A_889, %get3A_906 : vector<16xf32>
        %mul3A_908 = arith.constant 50 : i32
        %mul3A_909 = arith.muli %scan3A_86, %mul3A_908 : i32
        %add3A_910 = arith.constant 45 : i32
        %add3A_911 = arith.addi %mul3A_909, %add3A_910 : i32
        %get3A_912 = arith.index_cast %add3A_911 : i32 to index
        %get3A_913 = arith.constant 16 : index
        %get3A_914 = tpu.vector_load %arg8[%get3A_912, %get3A_913] {strides = array<i32>} : memref<800x32xf32, #tpu.memory_space<vmem>>, vector<1x16xf32>,
        %get3A_915 = vector.shape_cast %get3A_914 : vector<1x16xf32> to vector<16xf32>
        %add3A_916 = arith.addf %add3A_898, %get3A_915 : vector<16xf32>
        %mul3A_917 = arith.constant 50 : i32
        %mul3A_918 = arith.muli %scan3A_86, %mul3A_917 : i32
        %add3A_919 = arith.constant 46 : i32
        %add3A_920 = arith.addi %mul3A_918, %add3A_919 : i32
        %get3A_921 = arith.index_cast %add3A_920 : i32 to index
        %get3A_922 = arith.constant 0 : index
        %get3A_923 = tpu.vector_load %arg8[%get3A_921, %get3A_922] {strides = array<i32>} : memref<800x32xf32, #tpu.memory_space<vmem>>, vector<1x16xf32>,
        %get3A_924 = vector.shape_cast %get3A_923 : vector<1x16xf32> to vector<16xf32>
        %add3A_925 = arith.addf %add3A_907, %get3A_924 : vector<16xf32>
        %mul3A_926 = arith.constant 50 : i32
        %mul3A_927 = arith.muli %scan3A_86, %mul3A_926 : i32
        %add3A_928 = arith.constant 46 : i32
        %add3A_929 = arith.addi %mul3A_927, %add3A_928 : i32
        %get3A_930 = arith.index_cast %add3A_929 : i32 to index
        %get3A_931 = arith.constant 16 : index
        %get3A_932 = tpu.vector_load %arg8[%get3A_930, %get3A_931] {strides = array<i32>} : memref<800x32xf32, #tpu.memory_space<vmem>>, vector<1x16xf32>,
        %get3A_933 = vector.shape_cast %get3A_932 : vector<1x16xf32> to vector<16xf32>
        %add3A_934 = arith.addf %add3A_916, %get3A_933 : vector<16xf32>
        %mul3A_935 = arith.constant 50 : i32
        %mul3A_936 = arith.muli %scan3A_86, %mul3A_935 : i32
        %add3A_937 = arith.constant 47 : i32
        %add3A_938 = arith.addi %mul3A_936, %add3A_937 : i32
        %get3A_939 = arith.index_cast %add3A_938 : i32 to index
        %get3A_940 = arith.constant 0 : index
        %get3A_941 = tpu.vector_load %arg8[%get3A_939, %get3A_940] {strides = array<i32>} : memref<800x32xf32, #tpu.memory_space<vmem>>, vector<1x16xf32>,
        %get3A_942 = vector.shape_cast %get3A_941 : vector<1x16xf32> to vector<16xf32>
        %add3A_943 = arith.addf %add3A_925, %get3A_942 : vector<16xf32>
        %mul3A_944 = arith.constant 50 : i32
        %mul3A_945 = arith.muli %scan3A_86, %mul3A_944 : i32
        %add3A_946 = arith.constant 47 : i32
        %add3A_947 = arith.addi %mul3A_945, %add3A_946 : i32
        %get3A_948 = arith.index_cast %add3A_947 : i32 to index
        %get3A_949 = arith.constant 16 : index
        %get3A_950 = tpu.vector_load %arg8[%get3A_948, %get3A_949] {strides = array<i32>} : memref<800x32xf32, #tpu.memory_space<vmem>>, vector<1x16xf32>,
        %get3A_951 = vector.shape_cast %get3A_950 : vector<1x16xf32> to vector<16xf32>
        %add3A_952 = arith.addf %add3A_934, %get3A_951 : vector<16xf32>
        %mul3A_953 = arith.constant 50 : i32
        %mul3A_954 = arith.muli %scan3A_86, %mul3A_953 : i32
        %add3A_955 = arith.constant 48 : i32
        %add3A_956 = arith.addi %mul3A_954, %add3A_955 : i32
        %get3A_957 = arith.index_cast %add3A_956 : i32 to index
        %get3A_958 = arith.constant 0 : index
        %get3A_959 = tpu.vector_load %arg8[%get3A_957, %get3A_958] {strides = array<i32>} : memref<800x32xf32, #tpu.memory_space<vmem>>, vector<1x16xf32>,
        %get3A_960 = vector.shape_cast %get3A_959 : vector<1x16xf32> to vector<16xf32>
        %add3A_961 = arith.addf %add3A_943, %get3A_960 : vector<16xf32>
        %mul3A_962 = arith.constant 50 : i32
        %mul3A_963 = arith.muli %scan3A_86, %mul3A_962 : i32
        %add3A_964 = arith.constant 48 : i32
        %add3A_965 = arith.addi %mul3A_963, %add3A_964 : i32
        %get3A_966 = arith.index_cast %add3A_965 : i32 to index
        %get3A_967 = arith.constant 16 : index
        %get3A_968 = tpu.vector_load %arg8[%get3A_966, %get3A_967] {strides = array<i32>} : memref<800x32xf32, #tpu.memory_space<vmem>>, vector<1x16xf32>,
        %get3A_969 = vector.shape_cast %get3A_968 : vector<1x16xf32> to vector<16xf32>
        %add3A_970 = arith.addf %add3A_952, %get3A_969 : vector<16xf32>
        %mul3A_971 = arith.constant 50 : i32
        %mul3A_972 = arith.muli %scan3A_86, %mul3A_971 : i32
        %add3A_973 = arith.constant 49 : i32
        %add3A_974 = arith.addi %mul3A_972, %add3A_973 : i32
        %get3A_975 = arith.index_cast %add3A_974 : i32 to index
        %get3A_976 = arith.constant 0 : index
        %get3A_977 = tpu.vector_load %arg8[%get3A_975, %get3A_976] {strides = array<i32>} : memref<800x32xf32, #tpu.memory_space<vmem>>, vector<1x16xf32>,
        %get3A_978 = vector.shape_cast %get3A_977 : vector<1x16xf32> to vector<16xf32>
        %add3A_979 = arith.addf %add3A_961, %get3A_978 : vector<16xf32>
        %mul3A_980 = arith.constant 50 : i32
        %mul3A_981 = arith.muli %scan3A_86, %mul3A_980 : i32
        %add3A_982 = arith.constant 49 : i32
        %add3A_983 = arith.addi %mul3A_981, %add3A_982 : i32
        %get3A_984 = arith.index_cast %add3A_983 : i32 to index
        %get3A_985 = arith.constant 16 : index
        %get3A_986 = tpu.vector_load %arg8[%get3A_984, %get3A_985] {strides = array<i32>} : memref<800x32xf32, #tpu.memory_space<vmem>>, vector<1x16xf32>,
        %get3A_987 = vector.shape_cast %get3A_986 : vector<1x16xf32> to vector<16xf32>
        %add3A_988 = arith.addf %add3A_970, %get3A_987 : vector<16xf32>
        %swap3A = arith.index_cast %scan3A_86 : i32 to index
        %swap3A_989 = arith.constant 0 : index
        %swap3A_990 = tpu.vector_load %arg9[%swap3A, %swap3A_989] {strides = array<i32>} : memref<16x32xf32, #tpu.memory_space<vmem>>, vector<1x16xf32>,
        %swap3A_991 = vector.shape_cast %swap3A_990 : vector<1x16xf32> to vector<16xf32>
        %swap3A_992 = vector.shape_cast %add3A_979 : vector<16xf32> to vector<1x16xf32>
        tpu.vector_store %arg9[%swap3A, %swap3A_989], %swap3A_992 {strides = array<i32>} : memref<16x32xf32, #tpu.memory_space<vmem>>, vector<1x16xf32>,
        %swap3A_993 = arith.index_cast %scan3A_86 : i32 to index
        %swap3A_994 = arith.constant 16 : index
        %swap3A_995 = tpu.vector_load %arg9[%swap3A_993, %swap3A_994] {strides = array<i32>} : memref<16x32xf32, #tpu.memory_space<vmem>>, vector<1x16xf32>,
        %swap3A_996 = vector.shape_cast %swap3A_995 : vector<1x16xf32> to vector<16xf32>
        %swap3A_997 = vector.shape_cast %add3A_988 : vector<16xf32> to vector<1x16xf32>
        tpu.vector_store %arg9[%swap3A_993, %swap3A_994], %swap3A_997 {strides = array<i32>} : memref<16x32xf32, #tpu.memory_space<vmem>>, vector<1x16xf32>,
      }
      %scan3A_70 = arith.constant 16 : i32
      %mul3A_71 = arith.constant 16 : i32
      %mul3A_72 = arith.muli %add3A_64, %mul3A_71 : i32
      %add3A_73 = arith.addi %mul3A_2, %mul3A_72 : i32
      "tpu.region"() ({
        %run_scoped3A = tpu.sem_alloc : memref<!tpu.dma_semaphore, #tpu.memory_space<semaphore_mem>>
        %dma_start3A_86 = arith.constant 0 : i32
        %dma_start3A_87 = tpu.memref_slice %arg4[%add3A_73, %dma_start3A_86] : memref<16384x32xf32, #tpu.memory_space<hbm>> -> memref<16x32xf32, #tpu.memory_space<hbm>>
        %dma_start3A_88 = arith.constant 0 : i32
        %dma_start3A_89 = tpu.memref_slice %arg4[%add3A_73, %dma_start3A_88] : memref<16384x32xf32, #tpu.memory_space<hbm>> -> memref<16x32xf32, #tpu.memory_space<hbm>>
        tpu.enqueue_dma source(%arg9 : memref<16x32xf32, #tpu.memory_space<vmem>>) target(%dma_start3A_89 : memref<16x32xf32, #tpu.memory_space<hbm>>) target_semaphore(%run_scoped3A : memref<!tpu.dma_semaphore, #tpu.memory_space<semaphore_mem>>)
        %dma_wait3A_90 = arith.constant 0 : i32
        %dma_wait3A_91 = tpu.memref_slice %arg4[%add3A_73, %dma_wait3A_90] : memref<16384x32xf32, #tpu.memory_space<hbm>> -> memref<16x32xf32, #tpu.memory_space<hbm>>
        %dma_wait3A_92 = arith.constant 0 : i32
        %dma_wait3A_93 = tpu.memref_slice %arg4[%add3A_73, %dma_wait3A_92] : memref<16384x32xf32, #tpu.memory_space<hbm>> -> memref<16x32xf32, #tpu.memory_space<hbm>>
        tpu.wait_dma2 semaphore(%run_scoped3A : memref<!tpu.dma_semaphore, #tpu.memory_space<semaphore_mem>>) src(%arg9 : memref<16x32xf32, #tpu.memory_space<vmem>>) dst(%dma_wait3A_93 : memref<16x32xf32, #tpu.memory_space<hbm>>)
        tpu.yield
      }) : () -> ()
      %add3A_74 = arith.constant 3 : i32
      %add3A_75 = arith.addi %mul3A_35, %add3A_74 : i32
      %min3A_76 = arith.constant 31 : i32
      %min3A_77 = arith.minsi %add3A_75, %min3A_76 : i32
      %mul3A_78 = arith.constant 16 : i32
      %mul3A_79 = arith.muli %min3A_77, %mul3A_78 : i32
      %add3A_80 = arith.addi %mul3A_2, %mul3A_79 : i32
      %mul3A_81 = arith.constant 50 : i32
      %mul3A_82 = arith.muli %add3A_80, %mul3A_81 : i32
      "tpu.region"() ({
        %run_scoped3A = tpu.sem_alloc : memref<!tpu.dma_semaphore, #tpu.memory_space<semaphore_mem>>
        %dma_start3A_86 = tpu.memref_slice %arg2[%mul3A_82] : memref<819200xi32, #tpu.memory_space<hbm>> -> memref<800xi32, #tpu.memory_space<hbm>>
        %dma_start3A_87 = tpu.memref_slice %arg2[%mul3A_82] : memref<819200xi32, #tpu.memory_space<hbm>> -> memref<800xi32, #tpu.memory_space<hbm>>
        tpu.enqueue_dma source(%dma_start3A_87 : memref<800xi32, #tpu.memory_space<hbm>>) target(%arg6 : memref<800xi32, #tpu.memory_space<vmem>>) target_semaphore(%run_scoped3A : memref<!tpu.dma_semaphore, #tpu.memory_space<semaphore_mem>>)
        %dma_wait3A_88 = tpu.memref_slice %arg2[%mul3A_82] : memref<819200xi32, #tpu.memory_space<hbm>> -> memref<800xi32, #tpu.memory_space<hbm>>
        %dma_wait3A_89 = tpu.memref_slice %arg2[%mul3A_82] : memref<819200xi32, #tpu.memory_space<hbm>> -> memref<800xi32, #tpu.memory_space<hbm>>
        tpu.wait_dma2 semaphore(%run_scoped3A : memref<!tpu.dma_semaphore, #tpu.memory_space<semaphore_mem>>) src(%dma_wait3A_89 : memref<800xi32, #tpu.memory_space<hbm>>) dst(%arg6 : memref<800xi32, #tpu.memory_space<vmem>>)
        tpu.yield
      }) : () -> ()
      %dma_start3A_83 = arith.constant 0 : i32
      %dma_start3A_84 = arith.constant 0 : i32
      %dma_start3A_85 = tpu.memref_slice %arg3[%dma_start3A_83, %dma_start3A_84] : memref<1000000x32xf32, #tpu.memory_space<hbm>> -> memref<1000000x32xf32, #tpu.memory_space<hbm>>
      tpu.enqueue_indirect_dma source(%dma_start3A_85 : memref<1000000x32xf32, #tpu.memory_space<hbm>>) target(%arg8 : memref<800x32xf32, #tpu.memory_space<vmem>>) offsets(%arg6 : memref<800xi32, #tpu.memory_space<vmem>>) semaphore(%arg11 : memref<!tpu.dma_semaphore, #tpu.memory_space<semaphore_mem>>)
    }
    %scan3A_27 = arith.constant 16 : i32
    %dma_wait3A = arith.constant 0 : i32
    %dma_wait3A_28 = arith.constant 0 : i32
    %dma_wait3A_29 = tpu.memref_slice %arg3[%dma_wait3A, %dma_wait3A_28] : memref<1000000x32xf32, #tpu.memory_space<hbm>> -> memref<1000000x32xf32, #tpu.memory_space<hbm>>
    tpu.wait_indirect_dma semaphore(%arg10 : memref<!tpu.dma_semaphore, #tpu.memory_space<semaphore_mem>>) src(%dma_wait3A_29 : memref<1000000x32xf32, #tpu.memory_space<hbm>>) dst(%arg7 : memref<800x32xf32, #tpu.memory_space<vmem>>)
    %dma_wait3A_30 = arith.constant 0 : i32
    %dma_wait3A_31 = arith.constant 0 : i32
    %dma_wait3A_32 = tpu.memref_slice %arg3[%dma_wait3A_30, %dma_wait3A_31] : memref<1000000x32xf32, #tpu.memory_space<hbm>> -> memref<1000000x32xf32, #tpu.memory_space<hbm>>
    tpu.wait_indirect_dma semaphore(%arg11 : memref<!tpu.dma_semaphore, #tpu.memory_space<semaphore_mem>>) src(%dma_wait3A_32 : memref<1000000x32xf32, #tpu.memory_space<hbm>>) dst(%arg8 : memref<800x32xf32, #tpu.memory_space<vmem>>)
    return
  }
}

#map = affine_map<(d0, d1) -> (0)>
#map1 = affine_map<(d0, d1) -> (0, 0)>
module attributes {stable_mosaic.version = 14 : i64} {
  func.func @k(%arg0: i32, %arg1: i32, %arg2: memref<16384xi32, #tpu.memory_space<hbm>>, %arg3: memref<1000000x32xf32, #tpu.memory_space<hbm>>, %arg4: memref<16384x32xf32, #tpu.memory_space<hbm>>, %arg5: memref<512xi32, #tpu.memory_space<vmem>>, %arg6: memref<512x32xf32, #tpu.memory_space<vmem>>, %arg7: memref<!tpu.dma_semaphore, #tpu.memory_space<semaphore_mem>>) attributes {dimension_semantics = [#tpu.dimension_semantics<core_parallel>, #tpu.dimension_semantics<subcore_parallel>], iteration_bounds = array<i64: 2, 16>, scalar_prefetch = 0 : i64, scratch_operands = 3 : i64, tpu.core_type = #tpu.core_type<sc_vector_subcore>, window_params = [{transform_indices = #map}, {transform_indices = #map1}, {transform_indices = #map1}]} {
    %mul3A = arith.constant 2 : i32
    %mul3A_0 = arith.muli %arg1, %mul3A : i32
    %add3A = arith.addi %mul3A_0, %arg0 : i32
    %mul3A_1 = arith.constant 512 : i32
    %mul3A_2 = arith.muli %add3A, %mul3A_1 : i32
    "tpu.region"() ({
      %run_scoped3A = tpu.sem_alloc : memref<!tpu.dma_semaphore, #tpu.memory_space<semaphore_mem>>
      %dma_start3A_7 = tpu.memref_slice %arg2[%mul3A_2] : memref<16384xi32, #tpu.memory_space<hbm>> -> memref<512xi32, #tpu.memory_space<hbm>>
      %dma_start3A_8 = tpu.memref_slice %arg2[%mul3A_2] : memref<16384xi32, #tpu.memory_space<hbm>> -> memref<512xi32, #tpu.memory_space<hbm>>
      tpu.enqueue_dma source(%dma_start3A_8 : memref<512xi32, #tpu.memory_space<hbm>>) target(%arg5 : memref<512xi32, #tpu.memory_space<vmem>>) target_semaphore(%run_scoped3A : memref<!tpu.dma_semaphore, #tpu.memory_space<semaphore_mem>>)
      %dma_wait3A_9 = tpu.memref_slice %arg2[%mul3A_2] : memref<16384xi32, #tpu.memory_space<hbm>> -> memref<512xi32, #tpu.memory_space<hbm>>
      %dma_wait3A_10 = tpu.memref_slice %arg2[%mul3A_2] : memref<16384xi32, #tpu.memory_space<hbm>> -> memref<512xi32, #tpu.memory_space<hbm>>
      tpu.wait_dma2 semaphore(%run_scoped3A : memref<!tpu.dma_semaphore, #tpu.memory_space<semaphore_mem>>) src(%dma_wait3A_10 : memref<512xi32, #tpu.memory_space<hbm>>) dst(%arg5 : memref<512xi32, #tpu.memory_space<vmem>>)
      tpu.yield
    }) : () -> ()
    %dma_start3A = arith.constant 0 : i32
    %dma_start3A_3 = arith.constant 0 : i32
    %dma_start3A_4 = tpu.memref_slice %arg3[%dma_start3A, %dma_start3A_3] : memref<1000000x32xf32, #tpu.memory_space<hbm>> -> memref<1000000x32xf32, #tpu.memory_space<hbm>>
    tpu.enqueue_indirect_dma source(%dma_start3A_4 : memref<1000000x32xf32, #tpu.memory_space<hbm>>) target(%arg6 : memref<512x32xf32, #tpu.memory_space<vmem>>) offsets(%arg5 : memref<512xi32, #tpu.memory_space<vmem>>) semaphore(%arg7 : memref<!tpu.dma_semaphore, #tpu.memory_space<semaphore_mem>>)
    %dma_wait3A = arith.constant 0 : i32
    %dma_wait3A_5 = arith.constant 0 : i32
    %dma_wait3A_6 = tpu.memref_slice %arg3[%dma_wait3A, %dma_wait3A_5] : memref<1000000x32xf32, #tpu.memory_space<hbm>> -> memref<1000000x32xf32, #tpu.memory_space<hbm>>
    tpu.wait_indirect_dma semaphore(%arg7 : memref<!tpu.dma_semaphore, #tpu.memory_space<semaphore_mem>>) src(%dma_wait3A_6 : memref<1000000x32xf32, #tpu.memory_space<hbm>>) dst(%arg6 : memref<512x32xf32, #tpu.memory_space<vmem>>)
    "tpu.region"() ({
      %run_scoped3A = tpu.sem_alloc : memref<!tpu.dma_semaphore, #tpu.memory_space<semaphore_mem>>
      %dma_start3A_7 = arith.constant 0 : i32
      %dma_start3A_8 = tpu.memref_slice %arg4[%mul3A_2, %dma_start3A_7] : memref<16384x32xf32, #tpu.memory_space<hbm>> -> memref<512x32xf32, #tpu.memory_space<hbm>>
      %dma_start3A_9 = arith.constant 0 : i32
      %dma_start3A_10 = tpu.memref_slice %arg4[%mul3A_2, %dma_start3A_9] : memref<16384x32xf32, #tpu.memory_space<hbm>> -> memref<512x32xf32, #tpu.memory_space<hbm>>
      tpu.enqueue_dma source(%arg6 : memref<512x32xf32, #tpu.memory_space<vmem>>) target(%dma_start3A_10 : memref<512x32xf32, #tpu.memory_space<hbm>>) target_semaphore(%run_scoped3A : memref<!tpu.dma_semaphore, #tpu.memory_space<semaphore_mem>>)
      %dma_wait3A_11 = arith.constant 0 : i32
      %dma_wait3A_12 = tpu.memref_slice %arg4[%mul3A_2, %dma_wait3A_11] : memref<16384x32xf32, #tpu.memory_space<hbm>> -> memref<512x32xf32, #tpu.memory_space<hbm>>
      %dma_wait3A_13 = arith.constant 0 : i32
      %dma_wait3A_14 = tpu.memref_slice %arg4[%mul3A_2, %dma_wait3A_13] : memref<16384x32xf32, #tpu.memory_space<hbm>> -> memref<512x32xf32, #tpu.memory_space<hbm>>
      tpu.wait_dma2 semaphore(%run_scoped3A : memref<!tpu.dma_semaphore, #tpu.memory_space<semaphore_mem>>) src(%arg6 : memref<512x32xf32, #tpu.memory_space<vmem>>) dst(%dma_wait3A_14 : memref<512x32xf32, #tpu.memory_space<hbm>>)
      tpu.yield
    }) : () -> ()
    return
  }
}

#map = affine_map<(d0, d1) -> (0)>
#map1 = affine_map<(d0, d1) -> (0, 0)>
module attributes {stable_mosaic.version = 14 : i64} {
  func.func @k(%arg0: i32, %arg1: i32, %arg2: memref<16384xi32, #tpu.memory_space<hbm>>, %arg3: memref<1000000x32xf32, #tpu.memory_space<hbm>>, %arg4: memref<16384x32xf32, #tpu.memory_space<hbm>>, %arg5: memref<512xi32, #tpu.memory_space<vmem>>, %arg6: memref<512x32xf32, #tpu.memory_space<vmem>>, %arg7: memref<!tpu.dma_semaphore, #tpu.memory_space<semaphore_mem>>) attributes {dimension_semantics = [#tpu.dimension_semantics<core_parallel>, #tpu.dimension_semantics<subcore_parallel>], iteration_bounds = array<i64: 2, 16>, scalar_prefetch = 0 : i64, scratch_operands = 3 : i64, tpu.core_type = #tpu.core_type<sc_vector_subcore>, window_params = [{transform_indices = #map}, {transform_indices = #map1}, {transform_indices = #map1}]} {
    %mul3A = arith.constant 2 : i32
    %mul3A_0 = arith.muli %arg1, %mul3A : i32
    %add3A = arith.addi %mul3A_0, %arg0 : i32
    %mul3A_1 = arith.constant 512 : i32
    %mul3A_2 = arith.muli %add3A, %mul3A_1 : i32
    "tpu.region"() ({
      %run_scoped3A = tpu.sem_alloc : memref<!tpu.dma_semaphore, #tpu.memory_space<semaphore_mem>>
      %dma_start3A_7 = tpu.memref_slice %arg2[%mul3A_2] : memref<16384xi32, #tpu.memory_space<hbm>> -> memref<512xi32, #tpu.memory_space<hbm>>
      %dma_start3A_8 = tpu.memref_slice %arg2[%mul3A_2] : memref<16384xi32, #tpu.memory_space<hbm>> -> memref<512xi32, #tpu.memory_space<hbm>>
      tpu.enqueue_dma source(%dma_start3A_8 : memref<512xi32, #tpu.memory_space<hbm>>) target(%arg5 : memref<512xi32, #tpu.memory_space<vmem>>) target_semaphore(%run_scoped3A : memref<!tpu.dma_semaphore, #tpu.memory_space<semaphore_mem>>)
      %dma_wait3A_9 = tpu.memref_slice %arg2[%mul3A_2] : memref<16384xi32, #tpu.memory_space<hbm>> -> memref<512xi32, #tpu.memory_space<hbm>>
      %dma_wait3A_10 = tpu.memref_slice %arg2[%mul3A_2] : memref<16384xi32, #tpu.memory_space<hbm>> -> memref<512xi32, #tpu.memory_space<hbm>>
      tpu.wait_dma2 semaphore(%run_scoped3A : memref<!tpu.dma_semaphore, #tpu.memory_space<semaphore_mem>>) src(%dma_wait3A_10 : memref<512xi32, #tpu.memory_space<hbm>>) dst(%arg5 : memref<512xi32, #tpu.memory_space<vmem>>)
      tpu.yield
    }) : () -> ()
    %dma_start3A = arith.constant 0 : i32
    %dma_start3A_3 = arith.constant 0 : i32
    %dma_start3A_4 = tpu.memref_slice %arg3[%dma_start3A, %dma_start3A_3] : memref<1000000x32xf32, #tpu.memory_space<hbm>> -> memref<1000000x32xf32, #tpu.memory_space<hbm>>
    tpu.enqueue_indirect_dma source(%dma_start3A_4 : memref<1000000x32xf32, #tpu.memory_space<hbm>>) target(%arg6 : memref<512x32xf32, #tpu.memory_space<vmem>>) offsets(%arg5 : memref<512xi32, #tpu.memory_space<vmem>>) semaphore(%arg7 : memref<!tpu.dma_semaphore, #tpu.memory_space<semaphore_mem>>)
    %dma_wait3A = arith.constant 0 : i32
    %dma_wait3A_5 = arith.constant 0 : i32
    %dma_wait3A_6 = tpu.memref_slice %arg3[%dma_wait3A, %dma_wait3A_5] : memref<1000000x32xf32, #tpu.memory_space<hbm>> -> memref<1000000x32xf32, #tpu.memory_space<hbm>>
    tpu.wait_indirect_dma semaphore(%arg7 : memref<!tpu.dma_semaphore, #tpu.memory_space<semaphore_mem>>) src(%dma_wait3A_6 : memref<1000000x32xf32, #tpu.memory_space<hbm>>) dst(%arg6 : memref<512x32xf32, #tpu.memory_space<vmem>>)
    "tpu.region"() ({
      %run_scoped3A = tpu.sem_alloc : memref<!tpu.dma_semaphore, #tpu.memory_space<semaphore_mem>>
      %dma_start3A_7 = arith.constant 0 : i32
      %dma_start3A_8 = tpu.memref_slice %arg4[%mul3A_2, %dma_start3A_7] : memref<16384x32xf32, #tpu.memory_space<hbm>> -> memref<512x32xf32, #tpu.memory_space<hbm>>
      %dma_start3A_9 = arith.constant 0 : i32
      %dma_start3A_10 = tpu.memref_slice %arg4[%mul3A_2, %dma_start3A_9] : memref<16384x32xf32, #tpu.memory_space<hbm>> -> memref<512x32xf32, #tpu.memory_space<hbm>>
      tpu.enqueue_dma source(%arg6 : memref<512x32xf32, #tpu.memory_space<vmem>>) target(%dma_start3A_10 : memref<512x32xf32, #tpu.memory_space<hbm>>) target_semaphore(%run_scoped3A : memref<!tpu.dma_semaphore, #tpu.memory_space<semaphore_mem>>)
      %dma_wait3A_11 = arith.constant 0 : i32
      %dma_wait3A_12 = tpu.memref_slice %arg4[%mul3A_2, %dma_wait3A_11] : memref<16384x32xf32, #tpu.memory_space<hbm>> -> memref<512x32xf32, #tpu.memory_space<hbm>>
      %dma_wait3A_13 = arith.constant 0 : i32
      %dma_wait3A_14 = tpu.memref_slice %arg4[%mul3A_2, %dma_wait3A_13] : memref<16384x32xf32, #tpu.memory_space<hbm>> -> memref<512x32xf32, #tpu.memory_space<hbm>>
      tpu.wait_dma2 semaphore(%run_scoped3A : memref<!tpu.dma_semaphore, #tpu.memory_space<semaphore_mem>>) src(%arg6 : memref<512x32xf32, #tpu.memory_space<vmem>>) dst(%dma_wait3A_14 : memref<512x32xf32, #tpu.memory_space<hbm>>)
      tpu.yield
    }) : () -> ()
    return
  }
}

module attributes {stable_mosaic.version = 14 : i64} {
  func.func @body(%arg0: i32, %arg1: memref<2048x32xf32, #tpu.memory_space<vmem>>, %arg2: memref<2048x32xf32, #tpu.memory_space<vmem>>, %arg3: memref<2048x32xf32, #tpu.memory_space<vmem>>, %arg4: memref<2048x13xf32, #tpu.memory_space<vmem>>, %arg5: memref<13x32xf32, #tpu.memory_space<vmem>>, %arg6: memref<1x32xf32, #tpu.memory_space<vmem>>, %arg7: memref<32x256xf32, #tpu.memory_space<vmem>>, %arg8: memref<32x256xf32, #tpu.memory_space<vmem>>, %arg9: memref<32x256xf32, #tpu.memory_space<vmem>>, %arg10: memref<32x256xf32, #tpu.memory_space<vmem>>, %arg11: memref<1x256xf32, #tpu.memory_space<vmem>>, %arg12: memref<256x1xf32, #tpu.memory_space<vmem>>, %arg13: memref<1x1xf32, #tpu.memory_space<vmem>>, %arg14: memref<2048x1xf32, #tpu.memory_space<vmem>>) attributes {dimension_semantics = [#tpu.dimension_semantics<arbitrary>], iteration_bounds = array<i64: 8>, scalar_prefetch = 0 : i64, scratch_operands = 0 : i64, tpu.core_type = #tpu.core_type<tc>, window_params = [{transform_indices = @transform_0, window_bounds = array<i64: 2048, 32>}, {transform_indices = @transform_1, window_bounds = array<i64: 2048, 32>}, {transform_indices = @transform_2, window_bounds = array<i64: 2048, 32>}, {transform_indices = @transform_3, window_bounds = array<i64: 2048, 13>}, {pipeline_mode = #tpu.pipeline_mode<synchronous>, transform_indices = @transform_4, window_bounds = array<i64: 13, 32>}, {pipeline_mode = #tpu.pipeline_mode<synchronous>, transform_indices = @transform_5, window_bounds = array<i64: 1, 32>}, {pipeline_mode = #tpu.pipeline_mode<synchronous>, transform_indices = @transform_6, window_bounds = array<i64: 32, 256>}, {pipeline_mode = #tpu.pipeline_mode<synchronous>, transform_indices = @transform_7, window_bounds = array<i64: 32, 256>}, {pipeline_mode = #tpu.pipeline_mode<synchronous>, transform_indices = @transform_8, window_bounds = array<i64: 32, 256>}, {pipeline_mode = #tpu.pipeline_mode<synchronous>, transform_indices = @transform_9, window_bounds = array<i64: 32, 256>}, {pipeline_mode = #tpu.pipeline_mode<synchronous>, transform_indices = @transform_10, window_bounds = array<i64: 1, 256>}, {pipeline_mode = #tpu.pipeline_mode<synchronous>, transform_indices = @transform_11, window_bounds = array<i64: 256, 1>}, {pipeline_mode = #tpu.pipeline_mode<synchronous>, transform_indices = @transform_12, window_bounds = array<i64: 1, 1>}, {transform_indices = @transform_13, window_bounds = array<i64: 2048, 1>}]} {
    %get3A = arith.constant 0 : index
    %get3A_0 = arith.constant 0 : index
    %get3A_1 = vector.load %arg4[%get3A, %get3A_0] : memref<2048x13xf32, #tpu.memory_space<vmem>>, vector<2048x13xf32>
    %get3A_2 = arith.constant 0 : index
    %get3A_3 = arith.constant 0 : index
    %get3A_4 = vector.load %arg5[%get3A_2, %get3A_3] : memref<13x32xf32, #tpu.memory_space<vmem>>, vector<13x32xf32>
    %dot_general3A = arith.constant dense<0.000000e+00> : vector<2048x32xf32>
    %dot_general3A_5 = tpu.matmul %get3A_1, %get3A_4, %dot_general3A {dimension_numbers = #tpu.dot_dimension_numbers<[1], [0], [0], [1], [0, 0, 1, 1], [], []>, transpose_lhs_hint = false} : vector<2048x13xf32>, vector<13x32xf32>, vector<2048x32xf32> -> vector<2048x32xf32>
    %get3A_6 = arith.constant 0 : index
    %get3A_7 = arith.constant 0 : index
    %get3A_8 = vector.load %arg6[%get3A_6, %get3A_7] : memref<1x32xf32, #tpu.memory_space<vmem>>, vector<1x32xf32>
    %add3A = vector.broadcast %get3A_8 : vector<1x32xf32> to vector<2048x32xf32>
    %add3A_9 = arith.addf %dot_general3A_5, %add3A : vector<2048x32xf32>
    %get3A_10 = arith.constant 0 : index
    %get3A_11 = arith.constant 0 : index
    %get3A_12 = vector.load %arg1[%get3A_10, %get3A_11] : memref<2048x32xf32, #tpu.memory_space<vmem>>, vector<2048x32xf32>
    %get3A_13 = arith.constant 0 : index
    %get3A_14 = arith.constant 0 : index
    %get3A_15 = vector.load %arg7[%get3A_13, %get3A_14] : memref<32x256xf32, #tpu.memory_space<vmem>>, vector<32x256xf32>
    %dot_general3A_16 = arith.constant dense<0.000000e+00> : vector<2048x256xf32>
    %dot_general3A_17 = tpu.matmul %get3A_12, %get3A_15, %dot_general3A_16 {dimension_numbers = #tpu.dot_dimension_numbers<[1], [0], [0], [1], [0, 0, 1, 1], [], []>, transpose_lhs_hint = false} : vector<2048x32xf32>, vector<32x256xf32>, vector<2048x256xf32> -> vector<2048x256xf32>
    %get3A_18 = arith.constant 0 : index
    %get3A_19 = arith.constant 0 : index
    %get3A_20 = vector.load %arg2[%get3A_18, %get3A_19] : memref<2048x32xf32, #tpu.memory_space<vmem>>, vector<2048x32xf32>
    %get3A_21 = arith.constant 0 : index
    %get3A_22 = arith.constant 0 : index
    %get3A_23 = vector.load %arg8[%get3A_21, %get3A_22] : memref<32x256xf32, #tpu.memory_space<vmem>>, vector<32x256xf32>
    %dot_general3A_24 = arith.constant dense<0.000000e+00> : vector<2048x256xf32>
    %dot_general3A_25 = tpu.matmul %get3A_20, %get3A_23, %dot_general3A_24 {dimension_numbers = #tpu.dot_dimension_numbers<[1], [0], [0], [1], [0, 0, 1, 1], [], []>, transpose_lhs_hint = false} : vector<2048x32xf32>, vector<32x256xf32>, vector<2048x256xf32> -> vector<2048x256xf32>
    %add3A_26 = arith.addf %dot_general3A_17, %dot_general3A_25 : vector<2048x256xf32>
    %get3A_27 = arith.constant 0 : index
    %get3A_28 = arith.constant 0 : index
    %get3A_29 = vector.load %arg3[%get3A_27, %get3A_28] : memref<2048x32xf32, #tpu.memory_space<vmem>>, vector<2048x32xf32>
    %get3A_30 = arith.constant 0 : index
    %get3A_31 = arith.constant 0 : index
    %get3A_32 = vector.load %arg9[%get3A_30, %get3A_31] : memref<32x256xf32, #tpu.memory_space<vmem>>, vector<32x256xf32>
    %dot_general3A_33 = arith.constant dense<0.000000e+00> : vector<2048x256xf32>
    %dot_general3A_34 = tpu.matmul %get3A_29, %get3A_32, %dot_general3A_33 {dimension_numbers = #tpu.dot_dimension_numbers<[1], [0], [0], [1], [0, 0, 1, 1], [], []>, transpose_lhs_hint = false} : vector<2048x32xf32>, vector<32x256xf32>, vector<2048x256xf32> -> vector<2048x256xf32>
    %add3A_35 = arith.addf %add3A_26, %dot_general3A_34 : vector<2048x256xf32>
    %get3A_36 = arith.constant 0 : index
    %get3A_37 = arith.constant 0 : index
    %get3A_38 = vector.load %arg10[%get3A_36, %get3A_37] : memref<32x256xf32, #tpu.memory_space<vmem>>, vector<32x256xf32>
    %dot_general3A_39 = arith.constant dense<0.000000e+00> : vector<2048x256xf32>
    %dot_general3A_40 = tpu.matmul %add3A_9, %get3A_38, %dot_general3A_39 {dimension_numbers = #tpu.dot_dimension_numbers<[1], [0], [0], [1], [0, 0, 1, 1], [], []>, transpose_lhs_hint = false} : vector<2048x32xf32>, vector<32x256xf32>, vector<2048x256xf32> -> vector<2048x256xf32>
    %add3A_41 = arith.addf %add3A_35, %dot_general3A_40 : vector<2048x256xf32>
    %get3A_42 = arith.constant 0 : index
    %get3A_43 = arith.constant 0 : index
    %get3A_44 = vector.load %arg11[%get3A_42, %get3A_43] : memref<1x256xf32, #tpu.memory_space<vmem>>, vector<1x256xf32>
    %add3A_45 = vector.broadcast %get3A_44 : vector<1x256xf32> to vector<2048x256xf32>
    %add3A_46 = arith.addf %add3A_41, %add3A_45 : vector<2048x256xf32>
    %max3A = arith.constant 0.000000e+00 : f32
    %max3A_47 = vector.broadcast %max3A : f32 to vector<2048x256xf32>
    %max3A_48 = arith.maximumf %add3A_46, %max3A_47 : vector<2048x256xf32>
    %get3A_49 = arith.constant 0 : index
    %get3A_50 = arith.constant 0 : index
    %get3A_51 = vector.load %arg12[%get3A_49, %get3A_50] : memref<256x1xf32, #tpu.memory_space<vmem>>, vector<256x1xf32>
    %dot_general3A_52 = arith.constant dense<0.000000e+00> : vector<2048x1xf32>
    %dot_general3A_53 = tpu.matmul %max3A_48, %get3A_51, %dot_general3A_52 {dimension_numbers = #tpu.dot_dimension_numbers<[1], [0], [0], [1], [0, 0, 1, 1], [], []>, transpose_lhs_hint = false} : vector<2048x256xf32>, vector<256x1xf32>, vector<2048x1xf32> -> vector<2048x1xf32>
    %get3A_54 = arith.constant 0 : index
    %get3A_55 = arith.constant 0 : index
    %get3A_56 = vector.load %arg13[%get3A_54, %get3A_55] : memref<1x1xf32, #tpu.memory_space<vmem>>, vector<1x1xf32>
    %add3A_57 = vector.broadcast %get3A_56 : vector<1x1xf32> to vector<2048x1xf32>
    %add3A_58 = arith.addf %dot_general3A_53, %add3A_57 : vector<2048x1xf32>
    %swap3A = arith.constant 0 : index
    %swap3A_59 = arith.constant 0 : index
    %swap3A_60 = vector.load %arg14[%swap3A, %swap3A_59] : memref<2048x1xf32, #tpu.memory_space<vmem>>, vector<2048x1xf32>
    tpu.vector_store %arg14[%swap3A, %swap3A_59], %add3A_58 {strides = array<i32>} : memref<2048x1xf32, #tpu.memory_space<vmem>>, vector<2048x1xf32>,
    return
  }
  func.func @transform_0(%arg0: i32) -> (i32, i32) {
    %c0_i32 = arith.constant 0 : i32
    %c0_i32_0 = arith.constant 0 : i32
    return %arg0, %c0_i32 : i32, i32
  }
  func.func @transform_1(%arg0: i32) -> (i32, i32) {
    %c0_i32 = arith.constant 0 : i32
    %c0_i32_0 = arith.constant 0 : i32
    return %arg0, %c0_i32 : i32, i32
  }
  func.func @transform_2(%arg0: i32) -> (i32, i32) {
    %c0_i32 = arith.constant 0 : i32
    %c0_i32_0 = arith.constant 0 : i32
    return %arg0, %c0_i32 : i32, i32
  }
  func.func @transform_3(%arg0: i32) -> (i32, i32) {
    %c0_i32 = arith.constant 0 : i32
    %c0_i32_0 = arith.constant 0 : i32
    return %arg0, %c0_i32 : i32, i32
  }
  func.func @transform_4(%arg0: i32) -> (i32, i32) {
    %c0_i32 = arith.constant 0 : i32
    %c0_i32_0 = arith.constant 0 : i32
    %c0_i32_1 = arith.constant 0 : i32
    return %c0_i32, %c0_i32_0 : i32, i32
  }
  func.func @transform_5(%arg0: i32) -> (i32, i32) {
    %c0_i32 = arith.constant 0 : i32
    %c0_i32_0 = arith.constant 0 : i32
    %c0_i32_1 = arith.constant 0 : i32
    return %c0_i32, %c0_i32_0 : i32, i32
  }
  func.func @transform_6(%arg0: i32) -> (i32, i32) {
    %c0_i32 = arith.constant 0 : i32
    %c0_i32_0 = arith.constant 0 : i32
    %c0_i32_1 = arith.constant 0 : i32
    return %c0_i32, %c0_i32_0 : i32, i32
  }
  func.func @transform_7(%arg0: i32) -> (i32, i32) {
    %c0_i32 = arith.constant 0 : i32
    %c0_i32_0 = arith.constant 0 : i32
    %c0_i32_1 = arith.constant 0 : i32
    return %c0_i32, %c0_i32_0 : i32, i32
  }
  func.func @transform_8(%arg0: i32) -> (i32, i32) {
    %c0_i32 = arith.constant 0 : i32
    %c0_i32_0 = arith.constant 0 : i32
    %c0_i32_1 = arith.constant 0 : i32
    return %c0_i32, %c0_i32_0 : i32, i32
  }
  func.func @transform_9(%arg0: i32) -> (i32, i32) {
    %c0_i32 = arith.constant 0 : i32
    %c0_i32_0 = arith.constant 0 : i32
    %c0_i32_1 = arith.constant 0 : i32
    return %c0_i32, %c0_i32_0 : i32, i32
  }
  func.func @transform_10(%arg0: i32) -> (i32, i32) {
    %c0_i32 = arith.constant 0 : i32
    %c0_i32_0 = arith.constant 0 : i32
    %c0_i32_1 = arith.constant 0 : i32
    return %c0_i32, %c0_i32_0 : i32, i32
  }
  func.func @transform_11(%arg0: i32) -> (i32, i32) {
    %c0_i32 = arith.constant 0 : i32
    %c0_i32_0 = arith.constant 0 : i32
    %c0_i32_1 = arith.constant 0 : i32
    return %c0_i32, %c0_i32_0 : i32, i32
  }
  func.func @transform_12(%arg0: i32) -> (i32, i32) {
    %c0_i32 = arith.constant 0 : i32
    %c0_i32_0 = arith.constant 0 : i32
    %c0_i32_1 = arith.constant 0 : i32
    return %c0_i32, %c0_i32_0 : i32, i32
  }
  func.func @transform_13(%arg0: i32) -> (i32, i32) {
    %c0_i32 = arith.constant 0 : i32
    %c0_i32_0 = arith.constant 0 : i32
    return %arg0, %c0_i32 : i32, i32
  }
}

</mosaic_0001>

<sc_bundles>
// kernel: kernel.12.cloned.1.call-start
scs
__scs_entry_jumppad:
0x0: {  	(pc) =	sbr.rel $0x88, $3  }
0x1: {  	(tag) =	ssettag $0x0;
	lr =	simm.s32 $0x1  }
0x2: {  	[smem:$0x3F94] =	sst lr;
	_ =	strace $0xD0000000  }
0x3: {  	_ = 	snop  }
0x4: {  	_ = 	snop  }
0x5: {  	_ = 	snop  }
0x6: {  	_ = 	snop  }
0x7: {  	_ = 	snop  }
__scs_overlays_trampoline_lowered:
0x8: {  	[smem:$0x3FA3] =	sst s0  }
0x9: {  	[smem:$0x3FA4] =	sst s1  }
0xa: {  	[smem:$0x3FA5] =	sst s2  }
0xb: {  	[smem:$0x3FA6] =	sst s3  }
0xc: {  	[smem:$0x3FA7] =	sst s4  }
0xd: {  	[smem:$0x3FA8] =	sst s5  }
0xe: {  	[smem:$0x3FA9] =	sst s6  }
0xf: {  	[smem:$0x3FAA] =	sst s7  }
0x10: {  	[smem:$0x3FAB] =	sst s8  }
0x11: {  	[smem:$0x3FAC] =	sst s9;
	s0 =	simm.s32 @!p0 $0x0  }
0x12: {  	s1 =	sld [smem:$0x3F92];
	s0 =	simm.s32 @p0 $0x1  }
0x13: {  	[smem:$0x3FAD] =	sst s0;
	s0 =	simm.s32 @!p1 $0x0  }
0x14: {  	s2 =	sld [smem:$0x3F91];
	s0 =	simm.s32 @p1 $0x1  }
0x15: {  	[smem:$0x3FAE] =	sst s0;
	s0 =	simm.s32 @!p2 $0x0  }
0x16: {  	s3 =	sld [smem:$0x3FDB];
	s0 =	simm.s32 @p2 $0x1  }
0x17: {  	s4 =	simm.s32 $0x1BF5;
	[smem:$0x3FB0] =	sst s0  }
0x18: {  	s0 =	sld [smem:$0x3F93];
	_ =	swait.ge [sflag:s4], $0x0  }
0x19: {  	s7 =	sld [smem:$0x3F94]  }
0x1a: {  	s8 =	sadd.s32 $0xFFFFE003, lr  }
0x1b: {  	s9 =	sadd.s32 $0xFFFFFEF7, lr;
	s5 =	simm.s32 $0xFFFFFFFF;
	p2 =	slt.u32 s8, $0xFFFFF086  }
0x1c: {  	p1 =	slt.u32 s9, $0xF7A;
	s5 =	simm.s32 @!p2 $0x0  }
0x1d: {  	s5 =	simm.s32 @p1 $0x1;
	p0 =	seq.s32 s7, s2  }
0x1e: {  	s7 =	smul.u32 @!p0 $0xF7A, s2;
	p2 =	seq.s32 @!p0 s5, $0x0  }
0x1f: {  	s9 =	smul.u32 $0xF7A, s1;
	s8 =	simm.s32 @!p0 $0x1BF5;
	p2 =	por !p2, p0  }
0x20: {  	[sflag:s8] =	ssyncset.s32 @!p0 $0xFFFFF086;
	s6 =	sadd.s32 @!p0 s3, s7;
	s7 =	simm.s32 @!p0 $0x108  }
0x21: {  	s3 =	sadd.s32 s3, s9;
	s6 =	sadd.s32 @!p0 $0x88, s6;
	s7 =	simm.s32 @p2 $0x1082  }
0x22: {  	[simem:s7], [sflag:s8] =	dma.local @!p0 [hbm:s6], $0xF7A  }
0x23: {  	s9 =	sor.u32 $0xD0000000, s2;
	s6 =	simm.s32 $0x108;
	_ =	swait.ge @!p0 [sflag:s8], $0x0  }
0x24: {  	s3 =	sadd.s32 $0x88, s3;
	s6 =	simm.s32 @!p1 $0x1082;
	[sflag:s4] =	ssyncset.s32 $0xFFFFF086  }
0x25: {  	[simem:s6], [sflag:s4] =	dma.local [hbm:s3], $0xF7A  }
0x26: {  	[smem:$0x3F94] =	sst s1;
	(tag) =	ssettag s2;
	_ =	strace s9  }
0x27: {  	s1 =	sld [smem:$0x3FA4]  }
0x28: {  	s2 =	sld [smem:$0x3FA5]  }
0x29: {  	s4 =	sld [smem:$0x3FA7]  }
0x2a: {  	p0 =	seq.s32 s5, $0x0;
	s5 =	sld [smem:$0x3FA8]  }
0x2b: {  	s6 =	sld [smem:$0x3FA9]  }
0x2c: {  	s7 =	sld [smem:$0x3FAA]  }
0x2d: {  	s3 =	simm.s32 $0x108;
	s8 =	sld [smem:$0x3FAB]  }
0x2e: {  	s3 =	simm.s32 @!p0 $0x1082;
	s9 =	sld [smem:$0x3FAC]  }
0x2f: {  	lr =	sadd.s32 s0, s3;
	s0 =	sld [smem:$0x3FA3]  }
0x30: {  	s3 =	sld [smem:$0x3FA6]  }
0x31: {  	[smem:$0x3FAF] =	sst s10  }
0x32: {  	s10 =	sld [smem:$0x3FAD];
	_ =	sdelay $0x3  }
0x33: {  	p0 =	seq.s32 s10, $0x1;
	s10 =	sld [smem:$0x3FAF];
	_ =	sdelay $0x3  }
0x34: {  	[smem:$0x3FAF] =	sst s10  }
0x35: {  	s10 =	sld [smem:$0x3FAE];
	_ =	sdelay $0x3  }
0x36: {  	p1 =	seq.s32 s10, $0x1;
	s10 =	sld [smem:$0x3FAF];
	_ =	sdelay $0x3  }
0x37: {  	[smem:$0x3FAF] =	sst s10  }
0x38: {  	s10 =	sld [smem:$0x3FB0]  }
0x39: {  	_ = 	snop;
	(pc) =	sbr.ind lr, $3  }
0x3a: {  	_ = 	snop  }
0x3b: {  	_ = 	snop  }
0x3c: {  	p2 =	seq.s32 s10, $0x1;
	s10 =	sld [smem:$0x3FAF]  }
0x3d: {  	_ =	shalt  }
0x3e: {  	_ =	shalt  }
0x3f: {  	_ =	shalt  }
0x40: {  	_ =	shalt  }
0x41: {  	_ =	shalt  }
0x42: {  	_ =	shalt  }
0x43: {  	_ =	shalt  }
0x44: {  	_ =	shalt  }
0x45: {  	_ =	shalt  }
0x46: {  	_ =	shalt  }
0x47: {  	_ =	shalt  }
0x48: {  	_ =	shalt  }
0x49: {  	_ =	shalt  }
0x4a: {  	_ =	shalt  }
0x4b: {  	_ =	shalt  }
0x4c: {  	_ =	shalt  }
0x4d: {  	_ =	shalt  }
0x4e: {  	_ =	shalt  }
0x4f: {  	_ =	shalt  }
0x50: {  	_ =	shalt  }
0x51: {  	_ =	shalt  }
0x52: {  	_ =	shalt  }
0x53: {  	_ =	shalt  }
0x54: {  	_ =	shalt  }
0x55: {  	_ =	shalt  }
0x56: {  	_ =	shalt  }
0x57: {  	_ =	shalt  }
0x58: {  	_ =	shalt  }
0x59: {  	_ =	shalt  }
0x5a: {  	_ =	shalt  }
0x5b: {  	_ =	shalt  }
0x5c: {  	_ =	shalt  }
0x5d: {  	_ =	shalt  }
0x5e: {  	_ =	shalt  }
0x5f: {  	_ =	shalt  }
0x60: {  	_ =	shalt  }
0x61: {  	_ =	shalt  }
0x62: {  	_ =	shalt  }
0x63: {  	_ =	shalt  }
0x64: {  	_ =	shalt  }
0x65: {  	_ =	shalt  }
0x66: {  	_ =	shalt  }
0x67: {  	_ =	shalt  }
0x68: {  	_ =	shalt  }
0x69: {  	_ =	shalt  }
0x6a: {  	_ =	shalt  }
0x6b: {  	_ =	shalt  }
0x6c: {  	_ =	shalt  }
0x6d: {  	_ =	shalt  }
0x6e: {  	_ =	shalt  }
0x6f: {  	_ =	shalt  }
0x70: {  	_ =	shalt  }
0x71: {  	_ =	shalt  }
0x72: {  	_ =	shalt  }
0x73: {  	_ =	shalt  }
0x74: {  	_ =	shalt  }
0x75: {  	_ =	shalt  }
0x76: {  	_ =	shalt  }
0x77: {  	_ =	shalt  }
0x78: {  	_ =	shalt  }
0x79: {  	_ =	shalt  }
0x7a: {  	_ =	shalt  }
0x7b: {  	_ =	shalt  }
0x7c: {  	_ =	shalt  }
0x7d: {  	_ =	shalt  }
0x7e: {  	_ =	shalt  }
0x7f: {  	_ =	shalt  }
0x80: {  	_ =	shalt  }
0x81: {  	_ =	shalt  }
0x82: {  	_ =	shalt  }
0x83: {  	_ =	shalt  }
0x84: {  	_ =	shalt  }
0x85: {  	_ =	shalt  }
0x86: {  	_ =	shalt  }
0x87: {  	_ =	shalt  }
.Lfunc_end0:
.L_simem_size_0:
called_computation.2_lowered:
.L_overlay_start_0:
0x88: {  	s2 =	sld [smem:$0x3FD9]  }
0x89: {  	s3 =	sld [smem:$0x3FFE];
	_ =	sdelay $0x1  }
0x8a: {  	s1 =	srdreg.scid  }
0x8b: {  	s0 =	sand.u32 $0x1, s1  }
0x8c: {  	s16 =	sshll.u32 s0, $0xA;
	s2 =	sadd.s32 s3, s2  }
0x8d: {  	s2 =	sadd.s32 s2, s16  }
0x8e: {  	[smem:$0x3FBB] =	sst s2  }
0x8f: {  	_ = 	snop  }
0x90: {  	(tm) =	ssettm $0x1  }
0x91: {  	s17 =	sld [smem:$0x3FFB];
	_ =	sdelay $0x3  }
0x92: {  	_ =	strace s17  }
0x93: {  	s2 =	sld [smem:$0x3FFC];
	_ =	sdelay $0x3  }
0x94: {  	_ =	strace s2  }
0x95: {  	s2 =	sld [smem:$0x3FFD];
	_ =	sdelay $0x3  }
0x96: {  	_ =	strace s2  }
0x97: {  	_ =	strace $0x8FFFFFFF  }
0x98: {  	s18 =	sld [smem:$0x3FDB];
	_ =	sdelay $0x1  }
0x99: {  	s19 =	simm.s32 $_scs_section_size  }
0x9a: {  	s4 =	simm.s32 $_size__tile_overlayer_lowered;
	s5 =	simm.s32 $_tile_overlayer_lowered  }
0x9b: {  	s22 =	simm.s32 $0x1BFF;
	s21 =	sshll.u32 s5, $0x1;
	s2 =	sadd.s32 s19, s18  }
0x9c: {  	s6 =	simm.s32 $0x0;
	s20 =	sshll.u32 s4, $0x1;
	s4 =	sadd.s32 s21, s2  }
0x9d: {  	[timem:s6], [sflag:s22] =	dma.local [hbm:s4], s20  }
0x9e: {  	_ =	swait.ge [sflag:s22], s20  }
0x9f: {  	s3 =	ssub.s32 $0x0, s20;
	[sflag:s22] =	ssyncset.done $0x0  }
0xa0: {  	[sflag:s22] =	ssyncadd.s32 s3;
	_ =	sdelay $0x1  }
0xa1: {  	s23 =	simm.s32 $0x1B8B  }
0xa2: {  	_ =	swait.ge [sflag:s23], $0x1  }
0xa3: {  	[sflag:s23] =	ssyncset.done $0x0  }
0xa4: {  	s25 =	simm.s32 $0x1B8E;
	s24 =	sld [smem:$0x3FFE];
	[sflag:s23] =	ssyncadd.s32 $0xFFFFFFFF  }
0xa5: {  	s26 =	simm.s32 $execute0_lowered;
	[smem:$0x3FD2] =	sst s25  }
0xa6: {  	s4 =	sshll.u32 s26, $0x1;
	_ =	strace $0x80000046;
	[dreg:$0x1] =	wrdreg $0xFFFFFFFF  }
0xa7: {  	s28 =	simm.s32 $_size_execute0_lowered;
	s2 =	sadd.s32 s2, s4;
	[dreg:$0x0] =	wrdreg $0x0  }
0xa8: {  	s4 =	sshll.u32 s28, $0x1;
	[dreg:$0x2] =	wrdreg s2  }
0xa9: {  	[dreg:$0x3] =	wrdreg s4  }
0xaa: {  	[dreg:$0x4] =	wrdreg $0xC0  }
0xab: {  	_ =	task [dreg:s6], $0x5FFFF  }
0xac: {  	[dreg:$0x1] =	wrdreg $0xFFFFFFFF  }
0xad: {  	[dreg:$0x0] =	wrdreg $0x60  }
0xae: {  	[dreg:$0x2] =	wrdreg s24  }
0xaf: {  	[dreg:$0x3] =	wrdreg $0xB  }
0xb0: {  	_ =	task.clear_ibuf [dreg:s6], $0x4FFFF;
	_ =	strace $0x90000046  }
0xb1: {  	s29 =	simm.s32 $0xB;
	_ =	strace $0x80000048  }
0xb2: {  	_ =	swait.ge [sflag:s29], $0x1  }
0xb3: {  	[sflag:s29] =	ssyncadd.s32 $0xFFFFFFFF  }
0xb4: {  	_ =	strace $0x90000048  }
0xb5: {  	_ =	sfence  }
0xb6: {  	s30 =	sld [smem:$0x0];
	_ =	sdelay $0x2  }
0xb7: {  	s31 =	sshll.u32 s1, $0xD;
	s1 =	sshrl.u32 s1, $0x2  }
0xb8: {  	s3 =	sand.u32 $0x4000, s31;
	s1 =	sadd.s32 s1, s30  }
0xb9: {  	s0 =	sor.u32 s3, s0;
	s1 =	sshll.u32 s1, $0x11  }
0xba: {  	s0 =	sor.u32 s1, s0  }
0xbb: {  	s0 =	sadd.s32 $0x8F2B, s0  }
0xbc: {  	[sflag:s0] =	ssyncadd.remote.s32 $0x1  }
0xbd: {  	_ =	sfence.sel $0xFFFF  }
0xbe: {  	[dreg:$0x0] =	wrdreg $0xFFFFFFFF;
	(pc) =	sbr.abs _section_cstart, $3  }
0xbf: {  	[dreg:$0x1] =	wrdreg $0xFFFFFFFF  }
0xc0: {  	_ =	task.clear_ibuf [dreg:s6], $0x2FFFF;
	_ =	strace $0x9FFFFFFF  }
0xc1: {  	(tm) =	ssettm $0x7FFFFFFF  }
tec
execute0_lowered:
.L_overlay_start_1:
0x0: {  	(tag) =	ssettag $0x1  }
0x1: {  	s5 =	rddreg [dreg:$0x0]  }
0x2: {  	s0 =	rddreg [dreg:$0x1];
	s2 =	simm.s32 $0x0;
	s3 =	srdreg.scid  }
0x3: {  	s1 =	stileid.u32;
	s12 =	simm.s32 $0x3;
	s13 =	simm.s32 $0x320  }
0x4: {  	s14 =	simm.s32 $0x640;
	s15 =	simm.s32 $0x6A40;
	s16 =	simm.s32 $0x1  }
0x5: {  	s17 =	simm.s32 $0xCE40;
	s18 =	simm.s32 $0x2;
	s19 =	simm.s32 $0x0  }
0x6: {  	[smem:$0x7FF] =	sst s2;
	s4 =	sand.u32 $0x1, s3;
	s30 =	sshll.u32 s1, $0x1  }
0x7: {  	s3 =	sadd.s32 $0x1C00, s5;
	_ =	strace $0x80000047;
	s6 =	sor.u32 s4, s30  }
0x8: {  	s7 =	ssub.s32 $0x2, s4;
	s4 =	sadd.s32 $0xF44000, s5;
	s8 =	smul.u32 $0xC80, s6  }
0x9: {  	s9 =	sshll.u32 s6, $0xB;
	s10 =	sshrl.u32 s7, $0x1;
	s31 =	sshll.u32 s6, $0x9  }
0xa: {  	s11 =	sadd.s32 s9, s5;
	s10 =	ssub.s32 s7, s10;
	s9 =	sor.u32 $0x30, s31  }
0xb: {  	s5 =	sadd.s32 s3, s8;
	s7 =	sadd.s32 $0x1AC00, s11;
	s8 =	sor.u32 $0x20, s31  }
0xc: {  	s10 =	smax.u32 s10, $0x1;
	s11 =	sadd.s32 $0x1AC40, s11;
	s6 =	sadd.s32 $0x64, s5  }
.LBB2_1:
0xd: {  	[tilespmem:s2], [sflag:$0x3] =	stream.linear.gather [hbm4b:s5+s2], $0x320, $0x38;
	[tilespmem:$0xD040] =	vst v63  }
0xe: {  	_ =	swait.ge [sflag:s12], $0x320  }
0xf: {  	[sflag:s12] =	ssyncset.done $0x0  }
0x10: {  	[sflag:s12] =	ssyncadd.s32 $0xFFFFFCE0  }
0x11: {  	[tilespmem:s14], [sflag:$0x1] =	stream.indirect.gather [hbm4b:s4+s13], $0x20, s2, s13, $0xb8;
	[tilespmem:$0xD040] =	vst v63  }
0x12: {  	_ = 	snop  }
0x13: {  	[tilespmem:s13], [sflag:$0x3] =	stream.linear.gather [hbm4b:s6+s2], $0x320, $0x38;
	[tilespmem:$0xD040] =	vst v63  }
0x14: {  	_ =	swait.ge [sflag:s12], $0x320  }
0x15: {  	[sflag:s12] =	ssyncset.done $0x0  }
0x16: {  	s20 =	simm.s32 $0x0;
	[sflag:s12] =	ssyncadd.s32 $0xFFFFFCE0  }
0x17: {  	[tilespmem:s15], [sflag:$0x2] =	stream.indirect.gather [hbm4b:s4+s13], $0x20, s13, s13, $0xb8;
	[tilespmem:$0xD040] =	vst v63  }
.LBB2_2:
0x18: {  	_ =	swait.ge [sflag:s16], $0x6400  }
0x19: {  	[sflag:s16] =	ssyncset.done $0x0  }
0x1a: {  	s21 =	simm.s32 $0x960;
	[sflag:s16] =	ssyncadd.s32 $0xFFFF9C00  }
0x1b: {  	v0 =	vld [tilespmem:s21+$0xFFFFFCE0]  }
0x1c: {  	v1 =	vld [tilespmem:s21+$0xFFFFFCF0]  }
0x1d: {  	v2 =	vld [tilespmem:s21+$0xFFFFFD00]  }
0x1e: {  	v3 =	vld [tilespmem:s21+$0xFFFFFD10]  }
0x1f: {  	v4 =	vld [tilespmem:s21+$0xFFFFFD20]  }
0x20: {  	v5 =	vld [tilespmem:s21+$0xFFFFFD30];
	v0 =	vadd.f32 $0.0e+00, v0  }
0x21: {  	v6 =	vld [tilespmem:s21+$0xFFFFFD40]  }
0x22: {  	v7 =	vld [tilespmem:s21+$0xFFFFFD60];
	v1 =	vadd.f32 $0.0e+00, v1;
	v0 =	vadd.f32 v2, v0  }
0x23: {  	v2 =	vld [tilespmem:s21+$0xFFFFFD50]  }
0x24: {  	v59 =	vld [tilespmem:s21+$0xFFFFFD80];
	v1 =	vadd.f32 v3, v1;
	v0 =	vadd.f32 v4, v0  }
0x25: {  	v3 =	vld [tilespmem:s21+$0xFFFFFD70]  }
0x26: {  	v60 =	vld [tilespmem:s21+$0xFFFFFD90];
	v1 =	vadd.f32 v5, v1;
	v0 =	vadd.f32 v6, v0  }
0x27: {  	v61 =	vld [tilespmem:s21+$0xFFFFFDA0]  }
0x28: {  	v62 =	vld [tilespmem:s21+$0xFFFFFDC0];
	v1 =	vadd.f32 v2, v1;
	v0 =	vadd.f32 v7, v0  }
0x29: {  	v2 =	vld [tilespmem:s21+$0xFFFFFDB0]  }
0x2a: {  	v63 =	vld [tilespmem:s21+$0xFFFFFDE0];
	v1 =	vadd.f32 v3, v1;
	v0 =	vadd.f32 v59, v0  }
0x2b: {  	v3 =	vld [tilespmem:s21+$0xFFFFFDD0]  }
0x2c: {  	v9 =	vld [tilespmem:s21+$0xFFFFFDF0];
	v1 =	vadd.f32 v60, v1;
	v0 =	vadd.f32 v61, v0  }
0x2d: {  	v10 =	vld [tilespmem:s21+$0xFFFFFE00]  }
0x2e: {  	v11 =	vld [tilespmem:s21+$0xFFFFFE20];
	v1 =	vadd.f32 v2, v1;
	v0 =	vadd.f32 v62, v0  }
0x2f: {  	v2 =	vld [tilespmem:s21+$0xFFFFFE10]  }
0x30: {  	v12 =	vld [tilespmem:s21+$0xFFFFFE40];
	v1 =	vadd.f32 v3, v1;
	v0 =	vadd.f32 v63, v0  }
0x31: {  	v3 =	vld [tilespmem:s21+$0xFFFFFE30]  }
0x32: {  	v13 =	vld [tilespmem:s21+$0xFFFFFE50];
	v1 =	vadd.f32 v9, v1;
	v0 =	vadd.f32 v10, v0  }
0x33: {  	v14 =	vld [tilespmem:s21+$0xFFFFFE60]  }
0x34: {  	v15 =	vld [tilespmem:s21+$0xFFFFFE80];
	v1 =	vadd.f32 v2, v1;
	v0 =	vadd.f32 v11, v0  }
0x35: {  	v2 =	vld [tilespmem:s21+$0xFFFFFE70]  }
0x36: {  	v16 =	vld [tilespmem:s21+$0xFFFFFEA0];
	v1 =	vadd.f32 v3, v1;
	v0 =	vadd.f32 v12, v0  }
0x37: {  	v3 =	vld [tilespmem:s21+$0xFFFFFE90]  }
0x38: {  	v17 =	vld [tilespmem:s21+$0xFFFFFEB0];
	v1 =	vadd.f32 v13, v1;
	v0 =	vadd.f32 v14, v0  }
0x39: {  	v18 =	vld [tilespmem:s21+$0xFFFFFEC0]  }
0x3a: {  	v19 =	vld [tilespmem:s21+$0xFFFFFEE0];
	v1 =	vadd.f32 v2, v1;
	v0 =	vadd.f32 v15, v0  }
0x3b: {  	v2 =	vld [tilespmem:s21+$0xFFFFFED0]  }
0x3c: {  	v20 =	vld [tilespmem:s21+$0xFFFFFF00];
	v1 =	vadd.f32 v3, v1;
	v0 =	vadd.f32 v16, v0  }
0x3d: {  	v3 =	vld [tilespmem:s21+$0xFFFFFEF0]  }
0x3e: {  	v21 =	vld [tilespmem:s21+$0xFFFFFF10];
	v1 =	vadd.f32 v17, v1;
	v0 =	vadd.f32 v18, v0  }
0x3f: {  	v22 =	vld [tilespmem:s21+$0xFFFFFF20]  }
0x40: {  	v23 =	vld [tilespmem:s21+$0xFFFFFF40];
	v1 =	vadd.f32 v2, v1;
	v0 =	vadd.f32 v19, v0  }
0x41: {  	v2 =	vld [tilespmem:s21+$0xFFFFFF30]  }
0x42: {  	v24 =	vld [tilespmem:s21+$0xFFFFFF60];
	v1 =	vadd.f32 v3, v1;
	v0 =	vadd.f32 v20, v0  }
0x43: {  	v3 =	vld [tilespmem:s21+$0xFFFFFF50]  }
0x44: {  	v25 =	vld [tilespmem:s21+$0xFFFFFF70];
	v1 =	vadd.f32 v21, v1;
	v0 =	vadd.f32 v22, v0  }
0x45: {  	v26 =	vld [tilespmem:s21+$0xFFFFFF80]  }
0x46: {  	v27 =	vld [tilespmem:s21+$0xFFFFFFA0];
	v1 =	vadd.f32 v2, v1;
	v0 =	vadd.f32 v23, v0  }
0x47: {  	v2 =	vld [tilespmem:s21+$0xFFFFFF90]  }
0x48: {  	v28 =	vld [tilespmem:s21+$0xFFFFFFC0];
	v1 =	vadd.f32 v3, v1;
	v0 =	vadd.f32 v24, v0  }
0x49: {  	v3 =	vld [tilespmem:s21+$0xFFFFFFB0]  }
0x4a: {  	v29 =	vld [tilespmem:s21+$0xFFFFFFD0];
	v1 =	vadd.f32 v25, v1;
	v0 =	vadd.f32 v26, v0  }
0x4b: {  	v30 =	vld [tilespmem:s21+$0xFFFFFFE0]  }
0x4c: {  	v31 =	vld [tilespmem:s21+$0x0];
	v1 =	vadd.f32 v2, v1;
	v0 =	vadd.f32 v27, v0  }
0x4d: {  	v2 =	vld [tilespmem:s21+$0xFFFFFFF0]  }
0x4e: {  	v32 =	vld [tilespmem:s21+$0x20];
	v1 =	vadd.f32 v3, v1;
	v0 =	vadd.f32 v28, v0  }
0x4f: {  	v3 =	vld [tilespmem:s21+$0x10]  }
0x50: {  	v33 =	vld [tilespmem:s21+$0x30];
	v1 =	vadd.f32 v29, v1;
	v0 =	vadd.f32 v30, v0  }
0x51: {  	v34 =	vld [tilespmem:s21+$0x40]  }
0x52: {  	v35 =	vld [tilespmem:s21+$0x60];
	v1 =	vadd.f32 v2, v1;
	v0 =	vadd.f32 v31, v0  }
0x53: {  	v2 =	vld [tilespmem:s21+$0x50]  }
0x54: {  	v36 =	vld [tilespmem:s21+$0x80];
	v1 =	vadd.f32 v3, v1;
	v0 =	vadd.f32 v32, v0  }
0x55: {  	v3 =	vld [tilespmem:s21+$0x70]  }
0x56: {  	v37 =	vld [tilespmem:s21+$0x90];
	v1 =	vadd.f32 v33, v1;
	v0 =	vadd.f32 v34, v0  }
0x57: {  	v38 =	vld [tilespmem:s21+$0xA0]  }
0x58: {  	v39 =	vld [tilespmem:s21+$0xC0];
	v1 =	vadd.f32 v2, v1;
	v0 =	vadd.f32 v35, v0  }
0x59: {  	v2 =	vld [tilespmem:s21+$0xB0]  }
0x5a: {  	v40 =	vld [tilespmem:s21+$0xE0];
	v1 =	vadd.f32 v3, v1;
	v0 =	vadd.f32 v36, v0  }
0x5b: {  	v3 =	vld [tilespmem:s21+$0xD0]  }
0x5c: {  	v41 =	vld [tilespmem:s21+$0xF0];
	v1 =	vadd.f32 v37, v1;
	v0 =	vadd.f32 v38, v0  }
0x5d: {  	v42 =	vld [tilespmem:s21+$0x100]  }
0x5e: {  	v43 =	vld [tilespmem:s21+$0x120];
	v1 =	vadd.f32 v2, v1;
	v0 =	vadd.f32 v39, v0  }
0x5f: {  	v2 =	vld [tilespmem:s21+$0x110]  }
0x60: {  	v44 =	vld [tilespmem:s21+$0x140];
	v1 =	vadd.f32 v3, v1;
	v0 =	vadd.f32 v40, v0  }
0x61: {  	v3 =	vld [tilespmem:s21+$0x130]  }
0x62: {  	v45 =	vld [tilespmem:s21+$0x150];
	v1 =	vadd.f32 v41, v1;
	v0 =	vadd.f32 v42, v0  }
0x63: {  	v46 =	vld [tilespmem:s21+$0x160]  }
0x64: {  	v47 =	vld [tilespmem:s21+$0x180];
	v1 =	vadd.f32 v2, v1;
	v0 =	vadd.f32 v43, v0  }
0x65: {  	v2 =	vld [tilespmem:s21+$0x170]  }
0x66: {  	v48 =	vld [tilespmem:s21+$0x1A0];
	v1 =	vadd.f32 v3, v1;
	v0 =	vadd.f32 v44, v0  }
0x67: {  	v3 =	vld [tilespmem:s21+$0x190]  }
0x68: {  	v49 =	vld [tilespmem:s21+$0x1B0];
	v1 =	vadd.f32 v45, v1;
	v0 =	vadd.f32 v46, v0  }
0x69: {  	v50 =	vld [tilespmem:s21+$0x1C0]  }
0x6a: {  	v51 =	vld [tilespmem:s21+$0x1E0];
	v1 =	vadd.f32 v2, v1;
	v0 =	vadd.f32 v47, v0  }
0x6b: {  	v2 =	vld [tilespmem:s21+$0x1D0]  }
0x6c: {  	v52 =	vld [tilespmem:s21+$0x200];
	v1 =	vadd.f32 v3, v1;
	v0 =	vadd.f32 v48, v0  }
0x6d: {  	v3 =	vld [tilespmem:s21+$0x1F0]  }
0x6e: {  	v53 =	vld [tilespmem:s21+$0x210];
	v1 =	vadd.f32 v49, v1;
	v0 =	vadd.f32 v50, v0  }
0x6f: {  	v54 =	vld [tilespmem:s21+$0x220]  }
0x70: {  	v55 =	vld [tilespmem:s21+$0x240];
	v1 =	vadd.f32 v2, v1;
	v0 =	vadd.f32 v51, v0  }
0x71: {  	v2 =	vld [tilespmem:s21+$0x230]  }
0x72: {  	v56 =	vld [tilespmem:s21+$0x260];
	v1 =	vadd.f32 v3, v1;
	v0 =	vadd.f32 v52, v0  }
0x73: {  	v3 =	vld [tilespmem:s21+$0x250]  }
0x74: {  	v57 =	vld [tilespmem:s21+$0x270];
	v1 =	vadd.f32 v53, v1;
	v0 =	vadd.f32 v54, v0  }
0x75: {  	v58 =	vld [tilespmem:s21+$0x280]  }
0x76: {  	v59 =	vld [tilespmem:s21+$0x2A0];
	v1 =	vadd.f32 v2, v1;
	v0 =	vadd.f32 v55, v0  }
0x77: {  	v2 =	vld [tilespmem:s21+$0x290]  }
0x78: {  	v60 =	vld [tilespmem:s21+$0x2C0];
	v1 =	vadd.f32 v3, v1;
	v0 =	vadd.f32 v56, v0  }
0x79: {  	v3 =	vld [tilespmem:s21+$0x2B0]  }
0x7a: {  	v61 =	vld [tilespmem:s21+$0x2D0];
	v1 =	vadd.f32 v57, v1;
	v0 =	vadd.f32 v58, v0  }
0x7b: {  	v62 =	vld [tilespmem:s21+$0x2E0]  }
0x7c: {  	v63 =	vld [tilespmem:s21+$0x300];
	v1 =	vadd.f32 v2, v1;
	v0 =	vadd.f32 v59, v0  }
0x7d: {  	v2 =	vld [tilespmem:s21+$0x2F0]  }
0x7e: {  	v1 =	vadd.f32 v3, v1;
	v0 =	vadd.f32 v60, v0  }
0x7f: {  	v3 =	vld [tilespmem:s21+$0x310]  }
0x80: {  	v1 =	vadd.f32 v61, v1;
	v0 =	vadd.f32 v62, v0;
	_ =	sdelay $0x1  }
0x81: {  	v1 =	vadd.f32 v2, v1;
	v2 =	vadd.f32 v63, v0  }
0x82: {  	s23 =	simm.s32 $0x0  }
0x83: {  	s22 =	simm.s32 $0x80;
	v0 =	vadd.f32 v3, v1;
	[tilespmem:s23+$0xCE40] =	vst v2  }
.LBB2_3:
0x84: {  	p0 =	sne.s32 s22, $0x780  }
0x85: {  	[tilespmem:s23+$0xCE50] =	vst v0;
	s21 =	sadd.s32 $0x640, s21;
	s23 =	smov.u32 s22;
	s22 =	sadd.s32 $0x80, s22  }
0x86: {  	v0 =	vld [tilespmem:s21+$0xFFFFFCE0]  }
0x87: {  	v1 =	vld [tilespmem:s21+$0xFFFFFCF0]  }
0x88: {  	v2 =	vld [tilespmem:s21+$0xFFFFFD00]  }
0x89: {  	v3 =	vld [tilespmem:s21+$0xFFFFFD10]  }
0x8a: {  	v4 =	vld [tilespmem:s21+$0xFFFFFD20]  }
0x8b: {  	v0 =	vadd.f32 $0.0e+00, v0;
	v5 =	vld [tilespmem:s21+$0xFFFFFD30]  }
0x8c: {  	v1 =	vadd.f32 $0.0e+00, v1;
	v6 =	vld [tilespmem:s21+$0xFFFFFD40]  }
0x8d: {  	v0 =	vadd.f32 v2, v0;
	v2 =	vld [tilespmem:s21+$0xFFFFFD50]  }
0x8e: {  	v1 =	vadd.f32 v3, v1;
	v3 =	vld [tilespmem:s21+$0xFFFFFD60]  }
0x8f: {  	v0 =	vadd.f32 v4, v0;
	v4 =	vld [tilespmem:s21+$0xFFFFFD70]  }
0x90: {  	v1 =	vadd.f32 v5, v1;
	v5 =	vld [tilespmem:s21+$0xFFFFFD80]  }
0x91: {  	v0 =	vadd.f32 v6, v0;
	v6 =	vld [tilespmem:s21+$0xFFFFFD90]  }
0x92: {  	v1 =	vadd.f32 v2, v1;
	v2 =	vld [tilespmem:s21+$0xFFFFFDA0]  }
0x93: {  	v0 =	vadd.f32 v3, v0;
	v3 =	vld [tilespmem:s21+$0xFFFFFDB0]  }
0x94: {  	v1 =	vadd.f32 v4, v1;
	v4 =	vld [tilespmem:s21+$0xFFFFFDC0]  }
0x95: {  	v0 =	vadd.f32 v5, v0;
	v5 =	vld [tilespmem:s21+$0xFFFFFDD0]  }
0x96: {  	v1 =	vadd.f32 v6, v1;
	v6 =	vld [tilespmem:s21+$0xFFFFFDE0]  }
0x97: {  	v0 =	vadd.f32 v2, v0;
	v2 =	vld [tilespmem:s21+$0xFFFFFDF0]  }
0x98: {  	v1 =	vadd.f32 v3, v1;
	v3 =	vld [tilespmem:s21+$0xFFFFFE00]  }
0x99: {  	v0 =	vadd.f32 v4, v0;
	v4 =	vld [tilespmem:s21+$0xFFFFFE10]  }
0x9a: {  	v1 =	vadd.f32 v5, v1;
	v5 =	vld [tilespmem:s21+$0xFFFFFE20]  }
0x9b: {  	v0 =	vadd.f32 v6, v0;
	v6 =	vld [tilespmem:s21+$0xFFFFFE30]  }
0x9c: {  	v1 =	vadd.f32 v2, v1;
	v2 =	vld [tilespmem:s21+$0xFFFFFE40]  }
0x9d: {  	v0 =	vadd.f32 v3, v0;
	v3 =	vld [tilespmem:s21+$0xFFFFFE50]  }
0x9e: {  	v1 =	vadd.f32 v4, v1;
	v4 =	vld [tilespmem:s21+$0xFFFFFE60]  }
0x9f: {  	v0 =	vadd.f32 v5, v0;
	v5 =	vld [tilespmem:s21+$0xFFFFFE70]  }
0xa0: {  	v1 =	vadd.f32 v6, v1;
	v6 =	vld [tilespmem:s21+$0xFFFFFE80]  }
0xa1: {  	v0 =	vadd.f32 v2, v0;
	v2 =	vld [tilespmem:s21+$0xFFFFFE90]  }
0xa2: {  	v1 =	vadd.f32 v3, v1;
	v3 =	vld [tilespmem:s21+$0xFFFFFEA0]  }
0xa3: {  	v0 =	vadd.f32 v4, v0;
	v4 =	vld [tilespmem:s21+$0xFFFFFEB0]  }
0xa4: {  	v1 =	vadd.f32 v5, v1;
	v5 =	vld [tilespmem:s21+$0xFFFFFEC0]  }
0xa5: {  	v0 =	vadd.f32 v6, v0;
	v6 =	vld [tilespmem:s21+$0xFFFFFED0]  }
0xa6: {  	v1 =	vadd.f32 v2, v1;
	v2 =	vld [tilespmem:s21+$0xFFFFFEE0]  }
0xa7: {  	v0 =	vadd.f32 v3, v0;
	v3 =	vld [tilespmem:s21+$0xFFFFFEF0]  }
0xa8: {  	v1 =	vadd.f32 v4, v1;
	v4 =	vld [tilespmem:s21+$0xFFFFFF00]  }
0xa9: {  	v0 =	vadd.f32 v5, v0;
	v5 =	vld [tilespmem:s21+$0xFFFFFF10]  }
0xaa: {  	v1 =	vadd.f32 v6, v1;
	v6 =	vld [tilespmem:s21+$0xFFFFFF20]  }
0xab: {  	v0 =	vadd.f32 v2, v0;
	v2 =	vld [tilespmem:s21+$0xFFFFFF30]  }
0xac: {  	v1 =	vadd.f32 v3, v1;
	v3 =	vld [tilespmem:s21+$0xFFFFFF40]  }
0xad: {  	v0 =	vadd.f32 v4, v0;
	v4 =	vld [tilespmem:s21+$0xFFFFFF50]  }
0xae: {  	v1 =	vadd.f32 v5, v1;
	v5 =	vld [tilespmem:s21+$0xFFFFFF60]  }
0xaf: {  	v0 =	vadd.f32 v6, v0;
	v6 =	vld [tilespmem:s21+$0xFFFFFF70]  }
0xb0: {  	v1 =	vadd.f32 v2, v1;
	v2 =	vld [tilespmem:s21+$0xFFFFFF80]  }
0xb1: {  	v0 =	vadd.f32 v3, v0;
	v3 =	vld [tilespmem:s21+$0xFFFFFF90]  }
0xb2: {  	v1 =	vadd.f32 v4, v1;
	v4 =	vld [tilespmem:s21+$0xFFFFFFA0]  }
0xb3: {  	v0 =	vadd.f32 v5, v0;
	v5 =	vld [tilespmem:s21+$0xFFFFFFB0]  }
0xb4: {  	v1 =	vadd.f32 v6, v1;
	v6 =	vld [tilespmem:s21+$0xFFFFFFC0]  }
0xb5: {  	v0 =	vadd.f32 v2, v0;
	v2 =	vld [tilespmem:s21+$0xFFFFFFD0]  }
0xb6: {  	v1 =	vadd.f32 v3, v1;
	v3 =	vld [tilespmem:s21+$0xFFFFFFE0]  }
0xb7: {  	v0 =	vadd.f32 v4, v0;
	v4 =	vld [tilespmem:s21+$0xFFFFFFF0]  }
0xb8: {  	v1 =	vadd.f32 v5, v1;
	v5 =	vld [tilespmem:s21+$0x0]  }
0xb9: {  	v0 =	vadd.f32 v6, v0;
	v6 =	vld [tilespmem:s21+$0x10]  }
0xba: {  	v1 =	vadd.f32 v2, v1;
	v2 =	vld [tilespmem:s21+$0x20]  }
0xbb: {  	v0 =	vadd.f32 v3, v0;
	v3 =	vld [tilespmem:s21+$0x30]  }
0xbc: {  	v1 =	vadd.f32 v4, v1;
	v4 =	vld [tilespmem:s21+$0x40]  }
0xbd: {  	v0 =	vadd.f32 v5, v0;
	v5 =	vld [tilespmem:s21+$0x50]  }
0xbe: {  	v1 =	vadd.f32 v6, v1;
	v6 =	vld [tilespmem:s21+$0x60]  }
0xbf: {  	v0 =	vadd.f32 v2, v0;
	v2 =	vld [tilespmem:s21+$0x70]  }
0xc0: {  	v1 =	vadd.f32 v3, v1;
	v3 =	vld [tilespmem:s21+$0x80]  }
0xc1: {  	v0 =	vadd.f32 v4, v0;
	v4 =	vld [tilespmem:s21+$0x90]  }
0xc2: {  	v1 =	vadd.f32 v5, v1;
	v5 =	vld [tilespmem:s21+$0xA0]  }
0xc3: {  	v0 =	vadd.f32 v6, v0;
	v6 =	vld [tilespmem:s21+$0xB0]  }
0xc4: {  	v1 =	vadd.f32 v2, v1;
	v2 =	vld [tilespmem:s21+$0xC0]  }
0xc5: {  	v0 =	vadd.f32 v3, v0;
	v3 =	vld [tilespmem:s21+$0xD0]  }
0xc6: {  	v1 =	vadd.f32 v4, v1;
	v4 =	vld [tilespmem:s21+$0xE0]  }
0xc7: {  	v0 =	vadd.f32 v5, v0;
	v5 =	vld [tilespmem:s21+$0xF0]  }
0xc8: {  	v1 =	vadd.f32 v6, v1;
	v6 =	vld [tilespmem:s21+$0x100]  }
0xc9: {  	v0 =	vadd.f32 v2, v0;
	v2 =	vld [tilespmem:s21+$0x110]  }
0xca: {  	v1 =	vadd.f32 v3, v1;
	v3 =	vld [tilespmem:s21+$0x120]  }
0xcb: {  	v0 =	vadd.f32 v4, v0;
	v4 =	vld [tilespmem:s21+$0x130]  }
0xcc: {  	v1 =	vadd.f32 v5, v1;
	v5 =	vld [tilespmem:s21+$0x140]  }
0xcd: {  	v0 =	vadd.f32 v6, v0;
	v6 =	vld [tilespmem:s21+$0x150]  }
0xce: {  	v1 =	vadd.f32 v2, v1;
	v2 =	vld [tilespmem:s21+$0x160]  }
0xcf: {  	v0 =	vadd.f32 v3, v0;
	v3 =	vld [tilespmem:s21+$0x170]  }
0xd0: {  	v1 =	vadd.f32 v4, v1;
	v4 =	vld [tilespmem:s21+$0x180]  }
0xd1: {  	v0 =	vadd.f32 v5, v0;
	v5 =	vld [tilespmem:s21+$0x190]  }
0xd2: {  	v1 =	vadd.f32 v6, v1;
	v6 =	vld [tilespmem:s21+$0x1A0]  }
0xd3: {  	v0 =	vadd.f32 v2, v0;
	v2 =	vld [tilespmem:s21+$0x1B0]  }
0xd4: {  	v1 =	vadd.f32 v3, v1;
	v3 =	vld [tilespmem:s21+$0x1C0]  }
0xd5: {  	v0 =	vadd.f32 v4, v0;
	v4 =	vld [tilespmem:s21+$0x1D0]  }
0xd6: {  	v1 =	vadd.f32 v5, v1;
	v5 =	vld [tilespmem:s21+$0x1E0]  }
0xd7: {  	v0 =	vadd.f32 v6, v0;
	v6 =	vld [tilespmem:s21+$0x1F0]  }
0xd8: {  	v1 =	vadd.f32 v2, v1;
	v2 =	vld [tilespmem:s21+$0x200]  }
0xd9: {  	v0 =	vadd.f32 v3, v0;
	v3 =	vld [tilespmem:s21+$0x210]  }
0xda: {  	v1 =	vadd.f32 v4, v1;
	v4 =	vld [tilespmem:s21+$0x220]  }
0xdb: {  	v0 =	vadd.f32 v5, v0;
	v5 =	vld [tilespmem:s21+$0x230]  }
0xdc: {  	v1 =	vadd.f32 v6, v1;
	v6 =	vld [tilespmem:s21+$0x240]  }
0xdd: {  	v0 =	vadd.f32 v2, v0;
	v2 =	vld [tilespmem:s21+$0x250]  }
0xde: {  	v1 =	vadd.f32 v3, v1;
	v3 =	vld [tilespmem:s21+$0x260]  }
0xdf: {  	v0 =	vadd.f32 v4, v0;
	v4 =	vld [tilespmem:s21+$0x270]  }
0xe0: {  	v1 =	vadd.f32 v5, v1;
	v5 =	vld [tilespmem:s21+$0x280]  }
0xe1: {  	v0 =	vadd.f32 v6, v0;
	v6 =	vld [tilespmem:s21+$0x290]  }
0xe2: {  	v1 =	vadd.f32 v2, v1;
	v2 =	vld [tilespmem:s21+$0x2A0]  }
0xe3: {  	v0 =	vadd.f32 v3, v0;
	v3 =	vld [tilespmem:s21+$0x2B0]  }
0xe4: {  	v1 =	vadd.f32 v4, v1;
	v4 =	vld [tilespmem:s21+$0x2C0]  }
0xe5: {  	v0 =	vadd.f32 v5, v0;
	v5 =	vld [tilespmem:s21+$0x2D0]  }
0xe6: {  	v1 =	vadd.f32 v6, v1;
	v6 =	vld [tilespmem:s21+$0x2E0]  }
0xe7: {  	v0 =	vadd.f32 v2, v0;
	v2 =	vld [tilespmem:s21+$0x2F0]  }
0xe8: {  	v1 =	vadd.f32 v3, v1;
	v3 =	vld [tilespmem:s21+$0x300]  }
0xe9: {  	v0 =	vadd.f32 v4, v0;
	v4 =	vld [tilespmem:s21+$0x310]  }
0xea: {  	v1 =	vadd.f32 v5, v1  }
.Ltmp0:
0xeb: {  	v0 =	vadd.f32 v6, v0;
	(pc) =	sbr.rel @p0 .LBB2_3-.Ltmp0, $4  }
0xec: {  	v1 =	vadd.f32 v2, v1  }
0xed: {  	v2 =	vadd.f32 v3, v0  }
0xee: {  	s23 =	sshra.s32 s23, $0x2;
	v0 =	vadd.f32 v4, v1  }
0xef: {  	[tilespmem:s23+$0xCE40] =	vst v2  }
0xf0: {  	s22 =	sshll.u32 s20, $0x7;
	s21 =	sshll.u32 s20, $0x1  }
0xf1: {  	[tilespmem:s23+$0xCE50] =	vst v0;
	s24 =	simm.s32 $0x0;
	s30 =	sadd.s32 s22, s7;
	s31 =	smin.u32 s21, $0x1D  }
0xf2: {  	[hbm4b:s30+s24] =	stream.linear.scatter [tilespmem:s17], [sflag:$0x3], $0x200, $0x38;
	[tilespmem:$0xD040] =	vst v63  }
0xf3: {  	s23 =	sshll.u32 s31, $0x4  }
0xf4: {  	s23 =	sadd.s32 s23, s8  }
0xf5: {  	s23 =	smul.u32 $0x32, s23  }
0xf6: {  	_ =	swait.ge [sflag:s12], $0x200  }
0xf7: {  	[sflag:s12] =	ssyncset.done $0x0;
	s23 =	sshrl.u32 s23, $0x3  }
0xf8: {  	[sflag:s12] =	ssyncadd.s32 $0xFFFFFE00;
	s23 =	sadd.s32 s3, s23  }
0xf9: {  	[tilespmem:s24], [sflag:$0x3] =	stream.linear.gather [hbm4b:s23+s24], $0x320, $0x38;
	[tilespmem:$0xD040] =	vst v63  }
0xfa: {  	_ =	swait.ge [sflag:s12], $0x320  }
0xfb: {  	[sflag:s12] =	ssyncset.done $0x0  }
0xfc: {  	[sflag:s12] =	ssyncadd.s32 $0xFFFFFCE0  }
0xfd: {  	[tilespmem:s14], [sflag:$0x1] =	stream.indirect.gather [hbm4b:s4+s13], $0x20, s24, s13, $0xb8;
	[tilespmem:$0xD040] =	vst v63  }
0xfe: {  	_ =	swait.ge [sflag:s18], $0x6400  }
0xff: {  	[sflag:s18] =	ssyncset.done $0x0  }
0x100: {  	s23 =	simm.s32 $0x6D60;
	[sflag:s18] =	ssyncadd.s32 $0xFFFF9C00  }
0x101: {  	v0 =	vld [tilespmem:s23+$0xFFFFFCE0]  }
0x102: {  	v1 =	vld [tilespmem:s23+$0xFFFFFCF0]  }
0x103: {  	v2 =	vld [tilespmem:s23+$0xFFFFFD00]  }
0x104: {  	v3 =	vld [tilespmem:s23+$0xFFFFFD10]  }
0x105: {  	v4 =	vld [tilespmem:s23+$0xFFFFFD20]  }
0x106: {  	v5 =	vld [tilespmem:s23+$0xFFFFFD30];
	v0 =	vadd.f32 $0.0e+00, v0  }
0x107: {  	v6 =	vld [tilespmem:s23+$0xFFFFFD40]  }
0x108: {  	v7 =	vld [tilespmem:s23+$0xFFFFFD60];
	v1 =	vadd.f32 $0.0e+00, v1;
	v0 =	vadd.f32 v2, v0  }
0x109: {  	v2 =	vld [tilespmem:s23+$0xFFFFFD50]  }
0x10a: {  	v59 =	vld [tilespmem:s23+$0xFFFFFD80];
	v1 =	vadd.f32 v3, v1;
	v0 =	vadd.f32 v4, v0  }
0x10b: {  	v3 =	vld [tilespmem:s23+$0xFFFFFD70]  }
0x10c: {  	v60 =	vld [tilespmem:s23+$0xFFFFFD90];
	v1 =	vadd.f32 v5, v1;
	v0 =	vadd.f32 v6, v0  }
0x10d: {  	v61 =	vld [tilespmem:s23+$0xFFFFFDA0]  }
0x10e: {  	v62 =	vld [tilespmem:s23+$0xFFFFFDC0];
	v1 =	vadd.f32 v2, v1;
	v0 =	vadd.f32 v7, v0  }
0x10f: {  	v2 =	vld [tilespmem:s23+$0xFFFFFDB0]  }
0x110: {  	v63 =	vld [tilespmem:s23+$0xFFFFFDE0];
	v1 =	vadd.f32 v3, v1;
	v0 =	vadd.f32 v59, v0  }
0x111: {  	v3 =	vld [tilespmem:s23+$0xFFFFFDD0]  }
0x112: {  	v9 =	vld [tilespmem:s23+$0xFFFFFDF0];
	v1 =	vadd.f32 v60, v1;
	v0 =	vadd.f32 v61, v0  }
0x113: {  	v10 =	vld [tilespmem:s23+$0xFFFFFE00]  }
0x114: {  	v11 =	vld [tilespmem:s23+$0xFFFFFE20];
	v1 =	vadd.f32 v2, v1;
	v0 =	vadd.f32 v62, v0  }
0x115: {  	v2 =	vld [tilespmem:s23+$0xFFFFFE10]  }
0x116: {  	v12 =	vld [tilespmem:s23+$0xFFFFFE40];
	v1 =	vadd.f32 v3, v1;
	v0 =	vadd.f32 v63, v0  }
0x117: {  	v3 =	vld [tilespmem:s23+$0xFFFFFE30]  }
0x118: {  	v13 =	vld [tilespmem:s23+$0xFFFFFE50];
	v1 =	vadd.f32 v9, v1;
	v0 =	vadd.f32 v10, v0  }
0x119: {  	v14 =	vld [tilespmem:s23+$0xFFFFFE60]  }
0x11a: {  	v15 =	vld [tilespmem:s23+$0xFFFFFE80];
	v1 =	vadd.f32 v2, v1;
	v0 =	vadd.f32 v11, v0  }
0x11b: {  	v2 =	vld [tilespmem:s23+$0xFFFFFE70]  }
0x11c: {  	v16 =	vld [tilespmem:s23+$0xFFFFFEA0];
	v1 =	vadd.f32 v3, v1;
	v0 =	vadd.f32 v12, v0  }
0x11d: {  	v3 =	vld [tilespmem:s23+$0xFFFFFE90]  }
0x11e: {  	v17 =	vld [tilespmem:s23+$0xFFFFFEB0];
	v1 =	vadd.f32 v13, v1;
	v0 =	vadd.f32 v14, v0  }
0x11f: {  	v18 =	vld [tilespmem:s23+$0xFFFFFEC0]  }
0x120: {  	v19 =	vld [tilespmem:s23+$0xFFFFFEE0];
	v1 =	vadd.f32 v2, v1;
	v0 =	vadd.f32 v15, v0  }
0x121: {  	v2 =	vld [tilespmem:s23+$0xFFFFFED0]  }
0x122: {  	v20 =	vld [tilespmem:s23+$0xFFFFFF00];
	v1 =	vadd.f32 v3, v1;
	v0 =	vadd.f32 v16, v0  }
0x123: {  	v3 =	vld [tilespmem:s23+$0xFFFFFEF0]  }
0x124: {  	v21 =	vld [tilespmem:s23+$0xFFFFFF10];
	v1 =	vadd.f32 v17, v1;
	v0 =	vadd.f32 v18, v0  }
0x125: {  	v22 =	vld [tilespmem:s23+$0xFFFFFF20]  }
0x126: {  	v23 =	vld [tilespmem:s23+$0xFFFFFF40];
	v1 =	vadd.f32 v2, v1;
	v0 =	vadd.f32 v19, v0  }
0x127: {  	v2 =	vld [tilespmem:s23+$0xFFFFFF30]  }
0x128: {  	v24 =	vld [tilespmem:s23+$0xFFFFFF60];
	v1 =	vadd.f32 v3, v1;
	v0 =	vadd.f32 v20, v0  }
0x129: {  	v3 =	vld [tilespmem:s23+$0xFFFFFF50]  }
0x12a: {  	v25 =	vld [tilespmem:s23+$0xFFFFFF70];
	v1 =	vadd.f32 v21, v1;
	v0 =	vadd.f32 v22, v0  }
0x12b: {  	v26 =	vld [tilespmem:s23+$0xFFFFFF80]  }
0x12c: {  	v27 =	vld [tilespmem:s23+$0xFFFFFFA0];
	v1 =	vadd.f32 v2, v1;
	v0 =	vadd.f32 v23, v0  }
0x12d: {  	v2 =	vld [tilespmem:s23+$0xFFFFFF90]  }
0x12e: {  	v28 =	vld [tilespmem:s23+$0xFFFFFFC0];
	v1 =	vadd.f32 v3, v1;
	v0 =	vadd.f32 v24, v0  }
0x12f: {  	v3 =	vld [tilespmem:s23+$0xFFFFFFB0]  }
0x130: {  	v29 =	vld [tilespmem:s23+$0xFFFFFFD0];
	v1 =	vadd.f32 v25, v1;
	v0 =	vadd.f32 v26, v0  }
0x131: {  	v30 =	vld [tilespmem:s23+$0xFFFFFFE0]  }
0x132: {  	v31 =	vld [tilespmem:s23+$0x0];
	v1 =	vadd.f32 v2, v1;
	v0 =	vadd.f32 v27, v0  }
0x133: {  	v2 =	vld [tilespmem:s23+$0xFFFFFFF0]  }
0x134: {  	v32 =	vld [tilespmem:s23+$0x20];
	v1 =	vadd.f32 v3, v1;
	v0 =	vadd.f32 v28, v0  }
0x135: {  	v3 =	vld [tilespmem:s23+$0x10]  }
0x136: {  	v33 =	vld [tilespmem:s23+$0x30];
	v1 =	vadd.f32 v29, v1;
	v0 =	vadd.f32 v30, v0  }
0x137: {  	v34 =	vld [tilespmem:s23+$0x40]  }
0x138: {  	v35 =	vld [tilespmem:s23+$0x60];
	v1 =	vadd.f32 v2, v1;
	v0 =	vadd.f32 v31, v0  }
0x139: {  	v2 =	vld [tilespmem:s23+$0x50]  }
0x13a: {  	v36 =	vld [tilespmem:s23+$0x80];
	v1 =	vadd.f32 v3, v1;
	v0 =	vadd.f32 v32, v0  }
0x13b: {  	v3 =	vld [tilespmem:s23+$0x70]  }
0x13c: {  	v37 =	vld [tilespmem:s23+$0x90];
	v1 =	vadd.f32 v33, v1;
	v0 =	vadd.f32 v34, v0  }
0x13d: {  	v38 =	vld [tilespmem:s23+$0xA0]  }
0x13e: {  	v39 =	vld [tilespmem:s23+$0xC0];
	v1 =	vadd.f32 v2, v1;
	v0 =	vadd.f32 v35, v0  }
0x13f: {  	v2 =	vld [tilespmem:s23+$0xB0]  }
0x140: {  	v40 =	vld [tilespmem:s23+$0xE0];
	v1 =	vadd.f32 v3, v1;
	v0 =	vadd.f32 v36, v0  }
0x141: {  	v3 =	vld [tilespmem:s23+$0xD0]  }
0x142: {  	v41 =	vld [tilespmem:s23+$0xF0];
	v1 =	vadd.f32 v37, v1;
	v0 =	vadd.f32 v38, v0  }
0x143: {  	v42 =	vld [tilespmem:s23+$0x100]  }
0x144: {  	v43 =	vld [tilespmem:s23+$0x120];
	v1 =	vadd.f32 v2, v1;
	v0 =	vadd.f32 v39, v0  }
0x145: {  	v2 =	vld [tilespmem:s23+$0x110]  }
0x146: {  	v44 =	vld [tilespmem:s23+$0x140];
	v1 =	vadd.f32 v3, v1;
	v0 =	vadd.f32 v40, v0  }
0x147: {  	v3 =	vld [tilespmem:s23+$0x130]  }
0x148: {  	v45 =	vld [tilespmem:s23+$0x150];
	v1 =	vadd.f32 v41, v1;
	v0 =	vadd.f32 v42, v0  }
0x149: {  	v46 =	vld [tilespmem:s23+$0x160]  }
0x14a: {  	v47 =	vld [tilespmem:s23+$0x180];
	v1 =	vadd.f32 v2, v1;
	v0 =	vadd.f32 v43, v0  }
0x14b: {  	v2 =	vld [tilespmem:s23+$0x170]  }
0x14c: {  	v48 =	vld [tilespmem:s23+$0x1A0];
	v1 =	vadd.f32 v3, v1;
	v0 =	vadd.f32 v44, v0  }
0x14d: {  	v3 =	vld [tilespmem:s23+$0x190]  }
0x14e: {  	v49 =	vld [tilespmem:s23+$0x1B0];
	v1 =	vadd.f32 v45, v1;
	v0 =	vadd.f32 v46, v0  }
0x14f: {  	v50 =	vld [tilespmem:s23+$0x1C0]  }
0x150: {  	v51 =	vld [tilespmem:s23+$0x1E0];
	v1 =	vadd.f32 v2, v1;
	v0 =	vadd.f32 v47, v0  }
0x151: {  	v2 =	vld [tilespmem:s23+$0x1D0]  }
0x152: {  	v52 =	vld [tilespmem:s23+$0x200];
	v1 =	vadd.f32 v3, v1;
	v0 =	vadd.f32 v48, v0  }
0x153: {  	v3 =	vld [tilespmem:s23+$0x1F0]  }
0x154: {  	v53 =	vld [tilespmem:s23+$0x210];
	v1 =	vadd.f32 v49, v1;
	v0 =	vadd.f32 v50, v0  }
0x155: {  	v54 =	vld [tilespmem:s23+$0x220]  }
0x156: {  	v55 =	vld [tilespmem:s23+$0x240];
	v1 =	vadd.f32 v2, v1;
	v0 =	vadd.f32 v51, v0  }
0x157: {  	v2 =	vld [tilespmem:s23+$0x230]  }
0x158: {  	v56 =	vld [tilespmem:s23+$0x260];
	v1 =	vadd.f32 v3, v1;
	v0 =	vadd.f32 v52, v0  }
0x159: {  	v3 =	vld [tilespmem:s23+$0x250]  }
0x15a: {  	v57 =	vld [tilespmem:s23+$0x270];
	v1 =	vadd.f32 v53, v1;
	v0 =	vadd.f32 v54, v0  }
0x15b: {  	v58 =	vld [tilespmem:s23+$0x280]  }
0x15c: {  	v59 =	vld [tilespmem:s23+$0x2A0];
	v1 =	vadd.f32 v2, v1;
	v0 =	vadd.f32 v55, v0  }
0x15d: {  	v2 =	vld [tilespmem:s23+$0x290]  }
0x15e: {  	v60 =	vld [tilespmem:s23+$0x2C0];
	v1 =	vadd.f32 v3, v1;
	v0 =	vadd.f32 v56, v0  }
0x15f: {  	v3 =	vld [tilespmem:s23+$0x2B0]  }
0x160: {  	v61 =	vld [tilespmem:s23+$0x2D0];
	v1 =	vadd.f32 v57, v1;
	v0 =	vadd.f32 v58, v0  }
0x161: {  	v62 =	vld [tilespmem:s23+$0x2E0]  }
0x162: {  	v63 =	vld [tilespmem:s23+$0x300];
	v1 =	vadd.f32 v2, v1;
	v0 =	vadd.f32 v59, v0  }
0x163: {  	v2 =	vld [tilespmem:s23+$0x2F0]  }
0x164: {  	v1 =	vadd.f32 v3, v1;
	v0 =	vadd.f32 v60, v0  }
0x165: {  	v3 =	vld [tilespmem:s23+$0x310]  }
0x166: {  	v1 =	vadd.f32 v61, v1;
	v0 =	vadd.f32 v62, v0;
	_ =	sdelay $0x1  }
0x167: {  	v1 =	vadd.f32 v2, v1;
	v2 =	vadd.f32 v63, v0  }
0x168: {  	s25 =	simm.s32 $0x0  }
0x169: {  	s24 =	simm.s32 $0x80;
	v0 =	vadd.f32 v3, v1;
	[tilespmem:s25+$0xCE40] =	vst v2  }
.LBB2_5:
0x16a: {  	p0 =	sne.s32 s24, $0x780  }
0x16b: {  	[tilespmem:s25+$0xCE50] =	vst v0;
	s23 =	sadd.s32 $0x640, s23;
	s25 =	smov.u32 s24;
	s24 =	sadd.s32 $0x80, s24  }
0x16c: {  	v0 =	vld [tilespmem:s23+$0xFFFFFCE0]  }
0x16d: {  	v1 =	vld [tilespmem:s23+$0xFFFFFCF0]  }
0x16e: {  	v2 =	vld [tilespmem:s23+$0xFFFFFD00]  }
0x16f: {  	v3 =	vld [tilespmem:s23+$0xFFFFFD10]  }
0x170: {  	v4 =	vld [tilespmem:s23+$0xFFFFFD20]  }
0x171: {  	v0 =	vadd.f32 $0.0e+00, v0;
	v5 =	vld [tilespmem:s23+$0xFFFFFD30]  }
0x172: {  	v1 =	vadd.f32 $0.0e+00, v1;
	v6 =	vld [tilespmem:s23+$0xFFFFFD40]  }
0x173: {  	v0 =	vadd.f32 v2, v0;
	v2 =	vld [tilespmem:s23+$0xFFFFFD50]  }
0x174: {  	v1 =	vadd.f32 v3, v1;
	v3 =	vld [tilespmem:s23+$0xFFFFFD60]  }
0x175: {  	v0 =	vadd.f32 v4, v0;
	v4 =	vld [tilespmem:s23+$0xFFFFFD70]  }
0x176: {  	v1 =	vadd.f32 v5, v1;
	v5 =	vld [tilespmem:s23+$0xFFFFFD80]  }
0x177: {  	v0 =	vadd.f32 v6, v0;
	v6 =	vld [tilespmem:s23+$0xFFFFFD90]  }
0x178: {  	v1 =	vadd.f32 v2, v1;
	v2 =	vld [tilespmem:s23+$0xFFFFFDA0]  }
0x179: {  	v0 =	vadd.f32 v3, v0;
	v3 =	vld [tilespmem:s23+$0xFFFFFDB0]  }
0x17a: {  	v1 =	vadd.f32 v4, v1;
	v4 =	vld [tilespmem:s23+$0xFFFFFDC0]  }
0x17b: {  	v0 =	vadd.f32 v5, v0;
	v5 =	vld [tilespmem:s23+$0xFFFFFDD0]  }
0x17c: {  	v1 =	vadd.f32 v6, v1;
	v6 =	vld [tilespmem:s23+$0xFFFFFDE0]  }
0x17d: {  	v0 =	vadd.f32 v2, v0;
	v2 =	vld [tilespmem:s23+$0xFFFFFDF0]  }
0x17e: {  	v1 =	vadd.f32 v3, v1;
	v3 =	vld [tilespmem:s23+$0xFFFFFE00]  }
0x17f: {  	v0 =	vadd.f32 v4, v0;
	v4 =	vld [tilespmem:s23+$0xFFFFFE10]  }
0x180: {  	v1 =	vadd.f32 v5, v1;
	v5 =	vld [tilespmem:s23+$0xFFFFFE20]  }
0x181: {  	v0 =	vadd.f32 v6, v0;
	v6 =	vld [tilespmem:s23+$0xFFFFFE30]  }
0x182: {  	v1 =	vadd.f32 v2, v1;
	v2 =	vld [tilespmem:s23+$0xFFFFFE40]  }
0x183: {  	v0 =	vadd.f32 v3, v0;
	v3 =	vld [tilespmem:s23+$0xFFFFFE50]  }
0x184: {  	v1 =	vadd.f32 v4, v1;
	v4 =	vld [tilespmem:s23+$0xFFFFFE60]  }
0x185: {  	v0 =	vadd.f32 v5, v0;
	v5 =	vld [tilespmem:s23+$0xFFFFFE70]  }
0x186: {  	v1 =	vadd.f32 v6, v1;
	v6 =	vld [tilespmem:s23+$0xFFFFFE80]  }
0x187: {  	v0 =	vadd.f32 v2, v0;
	v2 =	vld [tilespmem:s23+$0xFFFFFE90]  }
0x188: {  	v1 =	vadd.f32 v3, v1;
	v3 =	vld [tilespmem:s23+$0xFFFFFEA0]  }
0x189: {  	v0 =	vadd.f32 v4, v0;
	v4 =	vld [tilespmem:s23+$0xFFFFFEB0]  }
0x18a: {  	v1 =	vadd.f32 v5, v1;
	v5 =	vld [tilespmem:s23+$0xFFFFFEC0]  }
0x18b: {  	v0 =	vadd.f32 v6, v0;
	v6 =	vld [tilespmem:s23+$0xFFFFFED0]  }
0x18c: {  	v1 =	vadd.f32 v2, v1;
	v2 =	vld [tilespmem:s23+$0xFFFFFEE0]  }
0x18d: {  	v0 =	vadd.f32 v3, v0;
	v3 =	vld [tilespmem:s23+$0xFFFFFEF0]  }
0x18e: {  	v1 =	vadd.f32 v4, v1;
	v4 =	vld [tilespmem:s23+$0xFFFFFF00]  }
0x18f: {  	v0 =	vadd.f32 v5, v0;
	v5 =	vld [tilespmem:s23+$0xFFFFFF10]  }
0x190: {  	v1 =	vadd.f32 v6, v1;
	v6 =	vld [tilespmem:s23+$0xFFFFFF20]  }
0x191: {  	v0 =	vadd.f32 v2, v0;
	v2 =	vld [tilespmem:s23+$0xFFFFFF30]  }
0x192: {  	v1 =	vadd.f32 v3, v1;
	v3 =	vld [tilespmem:s23+$0xFFFFFF40]  }
0x193: {  	v0 =	vadd.f32 v4, v0;
	v4 =	vld [tilespmem:s23+$0xFFFFFF50]  }
0x194: {  	v1 =	vadd.f32 v5, v1;
	v5 =	vld [tilespmem:s23+$0xFFFFFF60]  }
0x195: {  	v0 =	vadd.f32 v6, v0;
	v6 =	vld [tilespmem:s23+$0xFFFFFF70]  }
0x196: {  	v1 =	vadd.f32 v2, v1;
	v2 =	vld [tilespmem:s23+$0xFFFFFF80]  }
0x197: {  	v0 =	vadd.f32 v3, v0;
	v3 =	vld [tilespmem:s23+$0xFFFFFF90]  }
0x198: {  	v1 =	vadd.f32 v4, v1;
	v4 =	vld [tilespmem:s23+$0xFFFFFFA0]  }
0x199: {  	v0 =	vadd.f32 v5, v0;
	v5 =	vld [tilespmem:s23+$0xFFFFFFB0]  }
0x19a: {  	v1 =	vadd.f32 v6, v1;
	v6 =	vld [tilespmem:s23+$0xFFFFFFC0]  }
0x19b: {  	v0 =	vadd.f32 v2, v0;
	v2 =	vld [tilespmem:s23+$0xFFFFFFD0]  }
0x19c: {  	v1 =	vadd.f32 v3, v1;
	v3 =	vld [tilespmem:s23+$0xFFFFFFE0]  }
0x19d: {  	v0 =	vadd.f32 v4, v0;
	v4 =	vld [tilespmem:s23+$0xFFFFFFF0]  }
0x19e: {  	v1 =	vadd.f32 v5, v1;
	v5 =	vld [tilespmem:s23+$0x0]  }
0x19f: {  	v0 =	vadd.f32 v6, v0;
	v6 =	vld [tilespmem:s23+$0x10]  }
0x1a0: {  	v1 =	vadd.f32 v2, v1;
	v2 =	vld [tilespmem:s23+$0x20]  }
0x1a1: {  	v0 =	vadd.f32 v3, v0;
	v3 =	vld [tilespmem:s23+$0x30]  }
0x1a2: {  	v1 =	vadd.f32 v4, v1;
	v4 =	vld [tilespmem:s23+$0x40]  }
0x1a3: {  	v0 =	vadd.f32 v5, v0;
	v5 =	vld [tilespmem:s23+$0x50]  }
0x1a4: {  	v1 =	vadd.f32 v6, v1;
	v6 =	vld [tilespmem:s23+$0x60]  }
0x1a5: {  	v0 =	vadd.f32 v2, v0;
	v2 =	vld [tilespmem:s23+$0x70]  }
0x1a6: {  	v1 =	vadd.f32 v3, v1;
	v3 =	vld [tilespmem:s23+$0x80]  }
0x1a7: {  	v0 =	vadd.f32 v4, v0;
	v4 =	vld [tilespmem:s23+$0x90]  }
0x1a8: {  	v1 =	vadd.f32 v5, v1;
	v5 =	vld [tilespmem:s23+$0xA0]  }
0x1a9: {  	v0 =	vadd.f32 v6, v0;
	v6 =	vld [tilespmem:s23+$0xB0]  }
0x1aa: {  	v1 =	vadd.f32 v2, v1;
	v2 =	vld [tilespmem:s23+$0xC0]  }
0x1ab: {  	v0 =	vadd.f32 v3, v0;
	v3 =	vld [tilespmem:s23+$0xD0]  }
0x1ac: {  	v1 =	vadd.f32 v4, v1;
	v4 =	vld [tilespmem:s23+$0xE0]  }
0x1ad: {  	v0 =	vadd.f32 v5, v0;
	v5 =	vld [tilespmem:s23+$0xF0]  }
0x1ae: {  	v1 =	vadd.f32 v6, v1;
	v6 =	vld [tilespmem:s23+$0x100]  }
0x1af: {  	v0 =	vadd.f32 v2, v0;
	v2 =	vld [tilespmem:s23+$0x110]  }
0x1b0: {  	v1 =	vadd.f32 v3, v1;
	v3 =	vld [tilespmem:s23+$0x120]  }
0x1b1: {  	v0 =	vadd.f32 v4, v0;
	v4 =	vld [tilespmem:s23+$0x130]  }
0x1b2: {  	v1 =	vadd.f32 v5, v1;
	v5 =	vld [tilespmem:s23+$0x140]  }
0x1b3: {  	v0 =	vadd.f32 v6, v0;
	v6 =	vld [tilespmem:s23+$0x150]  }
0x1b4: {  	v1 =	vadd.f32 v2, v1;
	v2 =	vld [tilespmem:s23+$0x160]  }
0x1b5: {  	v0 =	vadd.f32 v3, v0;
	v3 =	vld [tilespmem:s23+$0x170]  }
0x1b6: {  	v1 =	vadd.f32 v4, v1;
	v4 =	vld [tilespmem:s23+$0x180]  }
0x1b7: {  	v0 =	vadd.f32 v5, v0;
	v5 =	vld [tilespmem:s23+$0x190]  }
0x1b8: {  	v1 =	vadd.f32 v6, v1;
	v6 =	vld [tilespmem:s23+$0x1A0]  }
0x1b9: {  	v0 =	vadd.f32 v2, v0;
	v2 =	vld [tilespmem:s23+$0x1B0]  }
0x1ba: {  	v1 =	vadd.f32 v3, v1;
	v3 =	vld [tilespmem:s23+$0x1C0]  }
0x1bb: {  	v0 =	vadd.f32 v4, v0;
	v4 =	vld [tilespmem:s23+$0x1D0]  }
0x1bc: {  	v1 =	vadd.f32 v5, v1;
	v5 =	vld [tilespmem:s23+$0x1E0]  }
0x1bd: {  	v0 =	vadd.f32 v6, v0;
	v6 =	vld [tilespmem:s23+$0x1F0]  }
0x1be: {  	v1 =	vadd.f32 v2, v1;
	v2 =	vld [tilespmem:s23+$0x200]  }
0x1bf: {  	v0 =	vadd.f32 v3, v0;
	v3 =	vld [tilespmem:s23+$0x210]  }
0x1c0: {  	v1 =	vadd.f32 v4, v1;
	v4 =	vld [tilespmem:s23+$0x220]  }
0x1c1: {  	v0 =	vadd.f32 v5, v0;
	v5 =	vld [tilespmem:s23+$0x230]  }
0x1c2: {  	v1 =	vadd.f32 v6, v1;
	v6 =	vld [tilespmem:s23+$0x240]  }
0x1c3: {  	v0 =	vadd.f32 v2, v0;
	v2 =	vld [tilespmem:s23+$0x250]  }
0x1c4: {  	v1 =	vadd.f32 v3, v1;
	v3 =	vld [tilespmem:s23+$0x260]  }
0x1c5: {  	v0 =	vadd.f32 v4, v0;
	v4 =	vld [tilespmem:s23+$0x270]  }
0x1c6: {  	v1 =	vadd.f32 v5, v1;
	v5 =	vld [tilespmem:s23+$0x280]  }
0x1c7: {  	v0 =	vadd.f32 v6, v0;
	v6 =	vld [tilespmem:s23+$0x290]  }
0x1c8: {  	v1 =	vadd.f32 v2, v1;
	v2 =	vld [tilespmem:s23+$0x2A0]  }
0x1c9: {  	v0 =	vadd.f32 v3, v0;
	v3 =	vld [tilespmem:s23+$0x2B0]  }
0x1ca: {  	v1 =	vadd.f32 v4, v1;
	v4 =	vld [tilespmem:s23+$0x2C0]  }
0x1cb: {  	v0 =	vadd.f32 v5, v0;
	v5 =	vld [tilespmem:s23+$0x2D0]  }
0x1cc: {  	v1 =	vadd.f32 v6, v1;
	v6 =	vld [tilespmem:s23+$0x2E0]  }
0x1cd: {  	v0 =	vadd.f32 v2, v0;
	v2 =	vld [tilespmem:s23+$0x2F0]  }
0x1ce: {  	v1 =	vadd.f32 v3, v1;
	v3 =	vld [tilespmem:s23+$0x300]  }
0x1cf: {  	v0 =	vadd.f32 v4, v0;
	v4 =	vld [tilespmem:s23+$0x310]  }
0x1d0: {  	v1 =	vadd.f32 v5, v1  }
.Ltmp1:
0x1d1: {  	v0 =	vadd.f32 v6, v0;
	(pc) =	sbr.rel @p0 .LBB2_5-.Ltmp1, $4  }
0x1d2: {  	v1 =	vadd.f32 v2, v1  }
0x1d3: {  	v2 =	vadd.f32 v3, v0  }
0x1d4: {  	s25 =	sshra.s32 s25, $0x2;
	v0 =	vadd.f32 v4, v1  }
0x1d5: {  	[tilespmem:s25+$0xCE40] =	vst v2  }
0x1d6: {  	[tilespmem:s25+$0xCE50] =	vst v0;
	s22 =	sadd.s32 s11, s22;
	s21 =	smin.u32 s21, $0x1C  }
0x1d7: {  	[hbm4b:s22+s2] =	stream.linear.scatter [tilespmem:s17], [sflag:$0x3], $0x200, $0x38;
	[tilespmem:$0xD040] =	vst v63  }
0x1d8: {  	s21 =	sshll.u32 s21, $0x4  }
0x1d9: {  	s21 =	sadd.s32 s21, s9  }
0x1da: {  	s21 =	smul.u32 $0x32, s21  }
0x1db: {  	_ =	swait.ge [sflag:s12], $0x200  }
0x1dc: {  	s20 =	sadd.s32 $0x1, s20;
	[sflag:s12] =	ssyncset.done $0x0;
	s21 =	sshrl.u32 s21, $0x3  }
0x1dd: {  	p0 =	sne.s32 s20, $0x10;
	[sflag:s12] =	ssyncadd.s32 $0xFFFFFE00;
	s21 =	sadd.s32 s3, s21  }
0x1de: {  	[tilespmem:s13], [sflag:$0x3] =	stream.linear.gather [hbm4b:s21+s2], $0x320, $0x38;
	[tilespmem:$0xD040] =	vst v63  }
.Ltmp2:
0x1df: {  	_ = 	snop;
	(pc) =	sbr.rel @p0 .LBB2_2-.Ltmp2, $4  }
0x1e0: {  	_ =	swait.ge [sflag:s12], $0x320  }
0x1e1: {  	[sflag:s12] =	ssyncset.done $0x0  }
0x1e2: {  	[sflag:s12] =	ssyncadd.s32 $0xFFFFFCE0  }
0x1e3: {  	[tilespmem:s15], [sflag:$0x2] =	stream.indirect.gather [hbm4b:s4+s13], $0x20, s13, s13, $0xb8;
	[tilespmem:$0xD040] =	vst v63  }
0x1e4: {  	s19 =	sadd.s32 $0x1, s19  }
0x1e5: {  	_ =	swait.ge [sflag:s16], $0x6400;
	p0 =	sne.s32 s19, s10  }
.Ltmp3:
0x1e6: {  	[sflag:s16] =	ssyncset.done $0x0;
	(pc) =	sbr.rel @p0 .LBB2_1-.Ltmp3, $4  }
0x1e7: {  	[sflag:s16] =	ssyncadd.s32 $0xFFFF9C00  }
0x1e8: {  	_ =	swait.ge [sflag:s18], $0x6400  }
0x1e9: {  	[sflag:s18] =	ssyncset.done $0x0  }
0x1ea: {  	[sflag:s18] =	ssyncadd.s32 $0xFFFF9C00  }
0x1eb: {  	_ =	sfence.sel $0x180000  }
0x1ec: {  	[bflag:$0x0] =	sbarrier.arrive $0xFFFF  }
0x1ed: {  	p0 =	sne.s32 s1, $0x0;
	_ =	strace $0x90000047  }
0x1ee: {  	s0 =	sadd.s32 @!p0 $0x100000, s0;
	[bflag:$0x2] =	sbarrier.arrive $0xFFFF  }
0x1ef: {  	[sflag:s0] =	ssyncadd.tile.s32 @!p0 $0x1;
	_ =	shalt  }
.Lfunc_end2:
_tile_overlayer_lowered:
.L_overlay_start_2:
0x1f0: {  	(tag) =	ssettag $0x2  }
0x1f1: {  	s0 =	rddreg [dreg:$0x0];
	s2 =	stileid.u32  }
0x1f2: {  	s1 =	rddreg [dreg:$0x1];
	p0 =	sne.s32 s2, $0x0  }
0x1f3: {  	s3 =	rddreg [dreg:$0x2];
	[bflag:$0x3] =	sbarrier.arrive $0xFFFF;
	s2 =	simm.s32 @!p0 $0x1C03  }
0x1f4: {  	[timem:s3], [sflag:s2] =	dma.local @!p0 [hbm:s0], s1  }
0x1f5: {  	s0 =	simm.s32 @!p0 $0x3  }
0x1f6: {  	_ =	swait.ge @!p0 [sflag:s0], s1  }
0x1f7: {  	s1 =	ssub.s32 @!p0 $0x0, s1;
	[sflag:s0] =	ssyncset.done @!p0 $0x0  }
0x1f8: {  	[sflag:s0] =	ssyncadd.s32 @!p0 s1  }
0x1f9: {  	[bflag:$0x3] =	sbarrier.arrive $0xFFFF  }
0x1fa: {  	_ =	shalt  }

// kernel: kernel.6.cloned.1.call-start
scs
__scs_entry_jumppad:
0x0: {  	(pc) =	sbr.rel $0x88, $3  }
0x1: {  	(tag) =	ssettag $0x0;
	lr =	simm.s32 $0x1  }
0x2: {  	[smem:$0x3F94] =	sst lr;
	_ =	strace $0xD0000000  }
0x3: {  	_ = 	snop  }
0x4: {  	_ = 	snop  }
0x5: {  	_ = 	snop  }
0x6: {  	_ = 	snop  }
0x7: {  	_ = 	snop  }
__scs_overlays_trampoline_lowered:
0x8: {  	[smem:$0x3FA3] =	sst s0  }
0x9: {  	[smem:$0x3FA4] =	sst s1  }
0xa: {  	[smem:$0x3FA5] =	sst s2  }
0xb: {  	[smem:$0x3FA6] =	sst s3  }
0xc: {  	[smem:$0x3FA7] =	sst s4  }
0xd: {  	[smem:$0x3FA8] =	sst s5  }
0xe: {  	[smem:$0x3FA9] =	sst s6  }
0xf: {  	[smem:$0x3FAA] =	sst s7  }
0x10: {  	[smem:$0x3FAB] =	sst s8  }
0x11: {  	[smem:$0x3FAC] =	sst s9;
	s0 =	simm.s32 @!p0 $0x0  }
0x12: {  	s1 =	sld [smem:$0x3F92];
	s0 =	simm.s32 @p0 $0x1  }
0x13: {  	[smem:$0x3FAD] =	sst s0;
	s0 =	simm.s32 @!p1 $0x0  }
0x14: {  	s2 =	sld [smem:$0x3F91];
	s0 =	simm.s32 @p1 $0x1  }
0x15: {  	[smem:$0x3FAE] =	sst s0;
	s0 =	simm.s32 @!p2 $0x0  }
0x16: {  	s3 =	sld [smem:$0x3FDB];
	s0 =	simm.s32 @p2 $0x1  }
0x17: {  	s4 =	simm.s32 $0x1BF5;
	[smem:$0x3FB0] =	sst s0  }
0x18: {  	s0 =	sld [smem:$0x3F93];
	_ =	swait.ge [sflag:s4], $0x0  }
0x19: {  	s7 =	sld [smem:$0x3F94]  }
0x1a: {  	s8 =	sadd.s32 $0xFFFFE003, lr  }
0x1b: {  	s9 =	sadd.s32 $0xFFFFFEF7, lr;
	s5 =	simm.s32 $0xFFFFFFFF;
	p2 =	slt.u32 s8, $0xFFFFF086  }
0x1c: {  	p1 =	slt.u32 s9, $0xF7A;
	s5 =	simm.s32 @!p2 $0x0  }
0x1d: {  	s5 =	simm.s32 @p1 $0x1;
	p0 =	seq.s32 s7, s2  }
0x1e: {  	s7 =	smul.u32 @!p0 $0xF7A, s2;
	p2 =	seq.s32 @!p0 s5, $0x0  }
0x1f: {  	s9 =	smul.u32 $0xF7A, s1;
	s8 =	simm.s32 @!p0 $0x1BF5;
	p2 =	por !p2, p0  }
0x20: {  	[sflag:s8] =	ssyncset.s32 @!p0 $0xFFFFF086;
	s6 =	sadd.s32 @!p0 s3, s7;
	s7 =	simm.s32 @!p0 $0x108  }
0x21: {  	s3 =	sadd.s32 s3, s9;
	s6 =	sadd.s32 @!p0 $0x88, s6;
	s7 =	simm.s32 @p2 $0x1082  }
0x22: {  	[simem:s7], [sflag:s8] =	dma.local @!p0 [hbm:s6], $0xF7A  }
0x23: {  	s9 =	sor.u32 $0xD0000000, s2;
	s6 =	simm.s32 $0x108;
	_ =	swait.ge @!p0 [sflag:s8], $0x0  }
0x24: {  	s3 =	sadd.s32 $0x88, s3;
	s6 =	simm.s32 @!p1 $0x1082;
	[sflag:s4] =	ssyncset.s32 $0xFFFFF086  }
0x25: {  	[simem:s6], [sflag:s4] =	dma.local [hbm:s3], $0xF7A  }
0x26: {  	[smem:$0x3F94] =	sst s1;
	(tag) =	ssettag s2;
	_ =	strace s9  }
0x27: {  	s1 =	sld [smem:$0x3FA4]  }
0x28: {  	s2 =	sld [smem:$0x3FA5]  }
0x29: {  	s4 =	sld [smem:$0x3FA7]  }
0x2a: {  	p0 =	seq.s32 s5, $0x0;
	s5 =	sld [smem:$0x3FA8]  }
0x2b: {  	s6 =	sld [smem:$0x3FA9]  }
0x2c: {  	s7 =	sld [smem:$0x3FAA]  }
0x2d: {  	s3 =	simm.s32 $0x108;
	s8 =	sld [smem:$0x3FAB]  }
0x2e: {  	s3 =	simm.s32 @!p0 $0x1082;
	s9 =	sld [smem:$0x3FAC]  }
0x2f: {  	lr =	sadd.s32 s0, s3;
	s0 =	sld [smem:$0x3FA3]  }
0x30: {  	s3 =	sld [smem:$0x3FA6]  }
0x31: {  	[smem:$0x3FAF] =	sst s10  }
0x32: {  	s10 =	sld [smem:$0x3FAD];
	_ =	sdelay $0x3  }
0x33: {  	p0 =	seq.s32 s10, $0x1;
	s10 =	sld [smem:$0x3FAF];
	_ =	sdelay $0x3  }
0x34: {  	[smem:$0x3FAF] =	sst s10  }
0x35: {  	s10 =	sld [smem:$0x3FAE];
	_ =	sdelay $0x3  }
0x36: {  	p1 =	seq.s32 s10, $0x1;
	s10 =	sld [smem:$0x3FAF];
	_ =	sdelay $0x3  }
0x37: {  	[smem:$0x3FAF] =	sst s10  }
0x38: {  	s10 =	sld [smem:$0x3FB0]  }
0x39: {  	_ = 	snop;
	(pc) =	sbr.ind lr, $3  }
0x3a: {  	_ = 	snop  }
0x3b: {  	_ = 	snop  }
0x3c: {  	p2 =	seq.s32 s10, $0x1;
	s10 =	sld [smem:$0x3FAF]  }
0x3d: {  	_ =	shalt  }
0x3e: {  	_ =	shalt  }
0x3f: {  	_ =	shalt  }
0x40: {  	_ =	shalt  }
0x41: {  	_ =	shalt  }
0x42: {  	_ =	shalt  }
0x43: {  	_ =	shalt  }
0x44: {  	_ =	shalt  }
0x45: {  	_ =	shalt  }
0x46: {  	_ =	shalt  }
0x47: {  	_ =	shalt  }
0x48: {  	_ =	shalt  }
0x49: {  	_ =	shalt  }
0x4a: {  	_ =	shalt  }
0x4b: {  	_ =	shalt  }
0x4c: {  	_ =	shalt  }
0x4d: {  	_ =	shalt  }
0x4e: {  	_ =	shalt  }
0x4f: {  	_ =	shalt  }
0x50: {  	_ =	shalt  }
0x51: {  	_ =	shalt  }
0x52: {  	_ =	shalt  }
0x53: {  	_ =	shalt  }
0x54: {  	_ =	shalt  }
0x55: {  	_ =	shalt  }
0x56: {  	_ =	shalt  }
0x57: {  	_ =	shalt  }
0x58: {  	_ =	shalt  }
0x59: {  	_ =	shalt  }
0x5a: {  	_ =	shalt  }
0x5b: {  	_ =	shalt  }
0x5c: {  	_ =	shalt  }
0x5d: {  	_ =	shalt  }
0x5e: {  	_ =	shalt  }
0x5f: {  	_ =	shalt  }
0x60: {  	_ =	shalt  }
0x61: {  	_ =	shalt  }
0x62: {  	_ =	shalt  }
0x63: {  	_ =	shalt  }
0x64: {  	_ =	shalt  }
0x65: {  	_ =	shalt  }
0x66: {  	_ =	shalt  }
0x67: {  	_ =	shalt  }
0x68: {  	_ =	shalt  }
0x69: {  	_ =	shalt  }
0x6a: {  	_ =	shalt  }
0x6b: {  	_ =	shalt  }
0x6c: {  	_ =	shalt  }
0x6d: {  	_ =	shalt  }
0x6e: {  	_ =	shalt  }
0x6f: {  	_ =	shalt  }
0x70: {  	_ =	shalt  }
0x71: {  	_ =	shalt  }
0x72: {  	_ =	shalt  }
0x73: {  	_ =	shalt  }
0x74: {  	_ =	shalt  }
0x75: {  	_ =	shalt  }
0x76: {  	_ =	shalt  }
0x77: {  	_ =	shalt  }
0x78: {  	_ =	shalt  }
0x79: {  	_ =	shalt  }
0x7a: {  	_ =	shalt  }
0x7b: {  	_ =	shalt  }
0x7c: {  	_ =	shalt  }
0x7d: {  	_ =	shalt  }
0x7e: {  	_ =	shalt  }
0x7f: {  	_ =	shalt  }
0x80: {  	_ =	shalt  }
0x81: {  	_ =	shalt  }
0x82: {  	_ =	shalt  }
0x83: {  	_ =	shalt  }
0x84: {  	_ =	shalt  }
0x85: {  	_ =	shalt  }
0x86: {  	_ =	shalt  }
0x87: {  	_ =	shalt  }
.Lfunc_end0:
.L_simem_size_0:
called_computation_lowered:
.L_overlay_start_0:
0x88: {  	s2 =	sld [smem:$0x3FD9]  }
0x89: {  	s3 =	sld [smem:$0x3FFE];
	_ =	sdelay $0x1  }
0x8a: {  	s1 =	srdreg.scid  }
0x8b: {  	s0 =	sand.u32 $0x1, s1  }
0x8c: {  	s17 =	sshll.u32 s0, $0xA;
	s2 =	sadd.s32 s3, s2  }
0x8d: {  	s2 =	sadd.s32 s2, s17  }
0x8e: {  	[smem:$0x3FBB] =	sst s2  }
0x8f: {  	_ = 	snop  }
0x90: {  	s18 =	sld [smem:$0x3FC9];
	(tm) =	ssettm $0x1  }
0x91: {  	s19 =	sld [smem:$0x3FFB];
	_ =	sdelay $0x3  }
0x92: {  	_ =	strace s19  }
0x93: {  	s2 =	sld [smem:$0x3FFC];
	_ =	sdelay $0x3  }
0x94: {  	_ =	strace s2  }
0x95: {  	s2 =	sld [smem:$0x3FFD];
	_ =	sdelay $0x3  }
0x96: {  	_ =	strace s2  }
0x97: {  	_ =	strace $0x8FFFFFFF  }
0x98: {  	s20 =	sld [smem:$0x3FDB];
	_ =	sdelay $0x1  }
0x99: {  	s4 =	simm.s32 $_scs_section_size  }
0x9a: {  	s5 =	simm.s32 $_size__tile_overlayer_lowered;
	s6 =	simm.s32 $_tile_overlayer_lowered  }
0x9b: {  	s7 =	simm.s32 $0x1BFF;
	s21 =	sshll.u32 s6, $0x1;
	s4 =	sadd.s32 s4, s20  }
0x9c: {  	s22 =	simm.s32 $0x0;
	s5 =	sshll.u32 s5, $0x1;
	s6 =	sadd.s32 s21, s4  }
0x9d: {  	[timem:s22], [sflag:s7] =	dma.local [hbm:s6], s5  }
0x9e: {  	_ =	swait.ge [sflag:s7], s5  }
0x9f: {  	s5 =	ssub.s32 $0x0, s5;
	[sflag:s7] =	ssyncset.done $0x0  }
0xa0: {  	[sflag:s7] =	ssyncadd.s32 s5;
	_ =	sdelay $0x1  }
0xa1: {  	s23 =	simm.s32 $0x1B8B  }
0xa2: {  	_ =	swait.ge [sflag:s23], $0x1  }
0xa3: {  	[sflag:s23] =	ssyncset.done $0x0  }
0xa4: {  	[sflag:s23] =	ssyncadd.s32 $0xFFFFFFFF  }
0xa5: {  	s5 =	sld [smem:$0x0]  }
0xa6: {  	s6 =	sand.u32 $0xFFFFFFFE, s1  }
0xa7: {  	p0 =	sne.s32 s1, s6  }
0xa8: {  	s6 =	sshll.u32 @p0 s6, $0xE  }
0xa9: {  	s6 =	sadd.s32 @p0 $0x11B8D, s6;
	s7 =	sshll.u32 @p0 s5, $0x11  }
0xaa: {  	s6 =	sor.u32 @p0 s7, s6  }
0xab: {  	[sflag:s6] =	ssyncadd.remote.s32 @p0 $0x1;
	_ =	sdelay $0x1  }
0xac: {  	s6 =	simm.s32 @p0 $0x1B8D  }
0xad: {  	_ =	swait.eq @p0 [sflag:s6], $0x1  }
0xae: {  	[sflag:s6] =	ssyncadd.s32 @p0 $0xFFFFFFFF  }
0xaf: {  	s7 =	sshll.u32 @!p0 s1, $0xE  }
0xb0: {  	s7 =	sor.u32 @!p0 $0x4000, s7;
	s6 =	simm.s32 @!p0 $0x1B8D  }
0xb1: {  	s5 =	sshll.u32 @!p0 s5, $0x11;
	s7 =	sadd.s32 @!p0 $0x11B8D, s7;
	_ =	swait.eq @!p0 [sflag:s6], $0x1  }
0xb2: {  	s5 =	sor.u32 @!p0 s5, s7;
	[sflag:s6] =	ssyncadd.s32 @!p0 $0xFFFFFFFF  }
0xb3: {  	s25 =	simm.s32 $0x1B8E;
	s24 =	sld [smem:$0x3FFE];
	[sflag:s5] =	ssyncadd.remote.s32 @!p0 $0x1  }
0xb4: {  	s26 =	simm.s32 $execute0_lowered;
	[smem:$0x3FD2] =	sst s25  }
0xb5: {  	s6 =	sshll.u32 s26, $0x1;
	_ =	strace $0x8000004C;
	[dreg:$0x1] =	wrdreg $0xFFFFFFFF  }
0xb6: {  	s28 =	simm.s32 $_size_execute0_lowered;
	s4 =	sadd.s32 s4, s6;
	[dreg:$0x0] =	wrdreg $0x0  }
0xb7: {  	s6 =	sshll.u32 s28, $0x1;
	[dreg:$0x2] =	wrdreg s4  }
0xb8: {  	[dreg:$0x3] =	wrdreg s6  }
0xb9: {  	[dreg:$0x4] =	wrdreg $0xC0  }
0xba: {  	_ =	task [dreg:s22], $0x5FFFF  }
0xbb: {  	[dreg:$0x1] =	wrdreg $0xFFFFFFFF  }
0xbc: {  	[dreg:$0x0] =	wrdreg $0x60  }
0xbd: {  	[dreg:$0x2] =	wrdreg s18  }
0xbe: {  	[dreg:$0x3] =	wrdreg s24  }
0xbf: {  	[dreg:$0x4] =	wrdreg $0x9  }
0xc0: {  	_ =	task.clear_ibuf [dreg:s22], $0x5FFFF;
	_ =	strace $0x9000004C  }
0xc1: {  	s29 =	simm.s32 $0x9;
	_ =	strace $0x8000004E  }
0xc2: {  	_ =	swait.ge [sflag:s29], $0x1  }
0xc3: {  	[sflag:s29] =	ssyncadd.s32 $0xFFFFFFFF  }
0xc4: {  	_ =	strace $0x9000004E  }
0xc5: {  	_ =	sfence  }
0xc6: {  	s30 =	sld [smem:$0x0];
	_ =	sdelay $0x2  }
0xc7: {  	s31 =	sshll.u32 s1, $0xD;
	s1 =	sshrl.u32 s1, $0x2  }
0xc8: {  	s4 =	sand.u32 $0x4000, s31;
	s1 =	sadd.s32 s1, s30  }
0xc9: {  	s0 =	sor.u32 s4, s0;
	s1 =	sshll.u32 s1, $0x11  }
0xca: {  	s0 =	sor.u32 s1, s0  }
0xcb: {  	s0 =	sadd.s32 $0x8F2B, s0  }
0xcc: {  	[sflag:s0] =	ssyncadd.remote.s32 $0x1  }
0xcd: {  	_ =	sfence.sel $0xFFFF  }
0xce: {  	[dreg:$0x0] =	wrdreg $0xFFFFFFFF;
	(pc) =	sbr.abs _section_cstart, $3  }
0xcf: {  	[dreg:$0x1] =	wrdreg $0xFFFFFFFF  }
0xd0: {  	_ =	task.clear_ibuf [dreg:s22], $0x2FFFF;
	_ =	strace $0x9FFFFFFF  }
0xd1: {  	(tm) =	ssettm $0x7FFFFFFF  }
tec
execute0_lowered:
.L_overlay_start_1:
0x0: {  	(tag) =	ssettag $0x1  }
0x1: {  	s1 =	srdreg.scid  }
0x2: {  	s3 =	rddreg [dreg:$0x0];
	s0 =	stileid.u32  }
0x3: {  	s8 =	rddreg [dreg:$0x1];
	s2 =	simm.s32 $0x0;
	s6 =	sand.u32 $0x1, s1  }
0x4: {  	s4 =	sshll.u32 s0, $0xA;
	s1 =	rddreg [dreg:$0x2];
	s5 =	sshll.u32 s6, $0x9  }
0x5: {  	s7 =	simm.s32 $0x1;
	[smem:$0x7FF] =	sst s2;
	s9 =	sor.u32 s5, s4  }
0x6: {  	_ =	strace $0x8000004D;
	s10 =	ssub.s32 $0x2, s6;
	s4 =	sshrl.u32 s9, $0x3  }
0x7: {  	s6 =	simm.s32 $0x200;
	s4 =	sadd.s32 s3, s4;
	s3 =	simm.s32 $0x2  }
0x8: {  	[tilespmem:s2], [sflag:$0x2] =	stream.linear.gather [hbm4b:s4+s2], $0x200, $0x38;
	[tilespmem:$0x4200] =	vst v63  }
0x9: {  	s5 =	sadd.s32 $0x40B600, s8;
	s11 =	sshrl.u32 s10, $0x1;
	_ =	swait.ge [sflag:s3], $0x200  }
0xa: {  	s9 =	sshll.u32 s9, $0x2;
	s31 =	ssub.s32 s10, s11;
	[sflag:s3] =	ssyncset.done $0x0  }
0xb: {  	s8 =	sadd.s32 s9, s8;
	s9 =	smax.u32 s31, $0x1;
	[sflag:s3] =	ssyncadd.s32 $0xFFFFFE00  }
0xc: {  	[tilespmem:s6], [sflag:$0x1] =	stream.indirect.gather [hbm4b:s5+s6], $0x20, s2, s6, $0xb8;
	[tilespmem:$0x4200] =	vst v63  }
0xd: {  	p0 =	sne.s32 s9, $0x1;
	_ =	swait.ge [sflag:s7], $0x4000  }
.Ltmp0:
0xe: {  	[sflag:s7] =	ssyncset.done $0x0;
	(pc) =	sbr.rel @!p0 .LBB2_2-.Ltmp0, $4  }
0xf: {  	s8 =	sadd.s32 $0x7DC000, s8;
	[sflag:s7] =	ssyncadd.s32 $0xFFFFC000  }
0x10: {  	[hbm4b:s8+s2] =	stream.linear.scatter [tilespmem:s6], [sflag:$0x2], $0x4000, $0x38;
	[tilespmem:$0x4200] =	vst v63  }
0x11: {  	_ =	swait.ge [sflag:s3], $0x4000  }
0x12: {  	s9 =	sadd.s32 $0xFFFFFFFF, s9;
	[sflag:s3] =	ssyncset.done $0x0  }
.LBB2_1:
0x13: {  	p0 =	sne.s32 s9, $0x1;
	s9 =	sadd.s32 $0xFFFFFFFF, s9;
	[sflag:s3] =	ssyncadd.s32 $0xFFFFC000  }
0x14: {  	[tilespmem:s2], [sflag:$0x2] =	stream.linear.gather [hbm4b:s4+s2], $0x200, $0x38;
	[tilespmem:$0x4200] =	vst v63  }
0x15: {  	_ =	swait.ge [sflag:s3], $0x200  }
0x16: {  	[sflag:s3] =	ssyncset.done $0x0  }
0x17: {  	[sflag:s3] =	ssyncadd.s32 $0xFFFFFE00  }
0x18: {  	[tilespmem:s6], [sflag:$0x1] =	stream.indirect.gather [hbm4b:s5+s6], $0x20, s2, s6, $0xb8;
	[tilespmem:$0x4200] =	vst v63  }
0x19: {  	_ =	swait.ge [sflag:s7], $0x4000  }
.Ltmp1:
0x1a: {  	[sflag:s7] =	ssyncset.done $0x0;
	(pc) =	sbr.rel @p0 .LBB2_1-.Ltmp1, $4  }
0x1b: {  	[sflag:s7] =	ssyncadd.s32 $0xFFFFC000  }
0x1c: {  	[hbm4b:s8+s2] =	stream.linear.scatter [tilespmem:s6], [sflag:$0x2], $0x4000, $0x38;
	[tilespmem:$0x4200] =	vst v63  }
0x1d: {  	_ =	swait.ge [sflag:s3], $0x4000  }
0x1e: {  	[sflag:s3] =	ssyncset.done $0x0  }
.LBB2_2:
0x1f: {  	[sflag:s3] =	ssyncadd.s32 $0xFFFFC000  }
0x20: {  	_ =	sfence.sel $0x180000  }
0x21: {  	[bflag:$0x0] =	sbarrier.arrive $0xFFFF  }
0x22: {  	p0 =	sne.s32 s0, $0x0;
	_ =	strace $0x9000004D  }
0x23: {  	s0 =	sadd.s32 @!p0 $0x100000, s1;
	[bflag:$0x2] =	sbarrier.arrive $0xFFFF  }
0x24: {  	[sflag:s0] =	ssyncadd.tile.s32 @!p0 $0x1;
	_ =	shalt  }
.Lfunc_end2:
_tile_overlayer_lowered:
.L_overlay_start_2:
0x25: {  	(tag) =	ssettag $0x2  }
0x26: {  	s0 =	rddreg [dreg:$0x0];
	s2 =	stileid.u32  }
0x27: {  	s1 =	rddreg [dreg:$0x1];
	p0 =	sne.s32 s2, $0x0  }
0x28: {  	s3 =	rddreg [dreg:$0x2];
	[bflag:$0x3] =	sbarrier.arrive $0xFFFF;
	s2 =	simm.s32 @!p0 $0x1C02  }
0x29: {  	[timem:s3], [sflag:s2] =	dma.local @!p0 [hbm:s0], s1  }
0x2a: {  	s0 =	simm.s32 @!p0 $0x2  }
0x2b: {  	_ =	swait.ge @!p0 [sflag:s0], s1  }
0x2c: {  	s1 =	ssub.s32 @!p0 $0x0, s1;
	[sflag:s0] =	ssyncset.done @!p0 $0x0  }
0x2d: {  	[sflag:s0] =	ssyncadd.s32 @!p0 s1  }
0x2e: {  	[bflag:$0x3] =	sbarrier.arrive $0xFFFF  }
0x2f: {  	_ =	shalt  }

// kernel: kernel.9.cloned.1.call-start
scs
__scs_entry_jumppad:
0x0: {  	(pc) =	sbr.rel $0x88, $3  }
0x1: {  	(tag) =	ssettag $0x0;
	lr =	simm.s32 $0x1  }
0x2: {  	[smem:$0x3F94] =	sst lr;
	_ =	strace $0xD0000000  }
0x3: {  	_ = 	snop  }
0x4: {  	_ = 	snop  }
0x5: {  	_ = 	snop  }
0x6: {  	_ = 	snop  }
0x7: {  	_ = 	snop  }
__scs_overlays_trampoline_lowered:
0x8: {  	[smem:$0x3FA3] =	sst s0  }
0x9: {  	[smem:$0x3FA4] =	sst s1  }
0xa: {  	[smem:$0x3FA5] =	sst s2  }
0xb: {  	[smem:$0x3FA6] =	sst s3  }
0xc: {  	[smem:$0x3FA7] =	sst s4  }
0xd: {  	[smem:$0x3FA8] =	sst s5  }
0xe: {  	[smem:$0x3FA9] =	sst s6  }
0xf: {  	[smem:$0x3FAA] =	sst s7  }
0x10: {  	[smem:$0x3FAB] =	sst s8  }
0x11: {  	[smem:$0x3FAC] =	sst s9;
	s0 =	simm.s32 @!p0 $0x0  }
0x12: {  	s1 =	sld [smem:$0x3F92];
	s0 =	simm.s32 @p0 $0x1  }
0x13: {  	[smem:$0x3FAD] =	sst s0;
	s0 =	simm.s32 @!p1 $0x0  }
0x14: {  	s2 =	sld [smem:$0x3F91];
	s0 =	simm.s32 @p1 $0x1  }
0x15: {  	[smem:$0x3FAE] =	sst s0;
	s0 =	simm.s32 @!p2 $0x0  }
0x16: {  	s3 =	sld [smem:$0x3FDB];
	s0 =	simm.s32 @p2 $0x1  }
0x17: {  	s4 =	simm.s32 $0x1BF5;
	[smem:$0x3FB0] =	sst s0  }
0x18: {  	s0 =	sld [smem:$0x3F93];
	_ =	swait.ge [sflag:s4], $0x0  }
0x19: {  	s7 =	sld [smem:$0x3F94]  }
0x1a: {  	s8 =	sadd.s32 $0xFFFFE003, lr  }
0x1b: {  	s9 =	sadd.s32 $0xFFFFFEF7, lr;
	s5 =	simm.s32 $0xFFFFFFFF;
	p2 =	slt.u32 s8, $0xFFFFF086  }
0x1c: {  	p1 =	slt.u32 s9, $0xF7A;
	s5 =	simm.s32 @!p2 $0x0  }
0x1d: {  	s5 =	simm.s32 @p1 $0x1;
	p0 =	seq.s32 s7, s2  }
0x1e: {  	s7 =	smul.u32 @!p0 $0xF7A, s2;
	p2 =	seq.s32 @!p0 s5, $0x0  }
0x1f: {  	s9 =	smul.u32 $0xF7A, s1;
	s8 =	simm.s32 @!p0 $0x1BF5;
	p2 =	por !p2, p0  }
0x20: {  	[sflag:s8] =	ssyncset.s32 @!p0 $0xFFFFF086;
	s6 =	sadd.s32 @!p0 s3, s7;
	s7 =	simm.s32 @!p0 $0x108  }
0x21: {  	s3 =	sadd.s32 s3, s9;
	s6 =	sadd.s32 @!p0 $0x88, s6;
	s7 =	simm.s32 @p2 $0x1082  }
0x22: {  	[simem:s7], [sflag:s8] =	dma.local @!p0 [hbm:s6], $0xF7A  }
0x23: {  	s9 =	sor.u32 $0xD0000000, s2;
	s6 =	simm.s32 $0x108;
	_ =	swait.ge @!p0 [sflag:s8], $0x0  }
0x24: {  	s3 =	sadd.s32 $0x88, s3;
	s6 =	simm.s32 @!p1 $0x1082;
	[sflag:s4] =	ssyncset.s32 $0xFFFFF086  }
0x25: {  	[simem:s6], [sflag:s4] =	dma.local [hbm:s3], $0xF7A  }
0x26: {  	[smem:$0x3F94] =	sst s1;
	(tag) =	ssettag s2;
	_ =	strace s9  }
0x27: {  	s1 =	sld [smem:$0x3FA4]  }
0x28: {  	s2 =	sld [smem:$0x3FA5]  }
0x29: {  	s4 =	sld [smem:$0x3FA7]  }
0x2a: {  	p0 =	seq.s32 s5, $0x0;
	s5 =	sld [smem:$0x3FA8]  }
0x2b: {  	s6 =	sld [smem:$0x3FA9]  }
0x2c: {  	s7 =	sld [smem:$0x3FAA]  }
0x2d: {  	s3 =	simm.s32 $0x108;
	s8 =	sld [smem:$0x3FAB]  }
0x2e: {  	s3 =	simm.s32 @!p0 $0x1082;
	s9 =	sld [smem:$0x3FAC]  }
0x2f: {  	lr =	sadd.s32 s0, s3;
	s0 =	sld [smem:$0x3FA3]  }
0x30: {  	s3 =	sld [smem:$0x3FA6]  }
0x31: {  	[smem:$0x3FAF] =	sst s10  }
0x32: {  	s10 =	sld [smem:$0x3FAD];
	_ =	sdelay $0x3  }
0x33: {  	p0 =	seq.s32 s10, $0x1;
	s10 =	sld [smem:$0x3FAF];
	_ =	sdelay $0x3  }
0x34: {  	[smem:$0x3FAF] =	sst s10  }
0x35: {  	s10 =	sld [smem:$0x3FAE];
	_ =	sdelay $0x3  }
0x36: {  	p1 =	seq.s32 s10, $0x1;
	s10 =	sld [smem:$0x3FAF];
	_ =	sdelay $0x3  }
0x37: {  	[smem:$0x3FAF] =	sst s10  }
0x38: {  	s10 =	sld [smem:$0x3FB0]  }
0x39: {  	_ = 	snop;
	(pc) =	sbr.ind lr, $3  }
0x3a: {  	_ = 	snop  }
0x3b: {  	_ = 	snop  }
0x3c: {  	p2 =	seq.s32 s10, $0x1;
	s10 =	sld [smem:$0x3FAF]  }
0x3d: {  	_ =	shalt  }
0x3e: {  	_ =	shalt  }
0x3f: {  	_ =	shalt  }
0x40: {  	_ =	shalt  }
0x41: {  	_ =	shalt  }
0x42: {  	_ =	shalt  }
0x43: {  	_ =	shalt  }
0x44: {  	_ =	shalt  }
0x45: {  	_ =	shalt  }
0x46: {  	_ =	shalt  }
0x47: {  	_ =	shalt  }
0x48: {  	_ =	shalt  }
0x49: {  	_ =	shalt  }
0x4a: {  	_ =	shalt  }
0x4b: {  	_ =	shalt  }
0x4c: {  	_ =	shalt  }
0x4d: {  	_ =	shalt  }
0x4e: {  	_ =	shalt  }
0x4f: {  	_ =	shalt  }
0x50: {  	_ =	shalt  }
0x51: {  	_ =	shalt  }
0x52: {  	_ =	shalt  }
0x53: {  	_ =	shalt  }
0x54: {  	_ =	shalt  }
0x55: {  	_ =	shalt  }
0x56: {  	_ =	shalt  }
0x57: {  	_ =	shalt  }
0x58: {  	_ =	shalt  }
0x59: {  	_ =	shalt  }
0x5a: {  	_ =	shalt  }
0x5b: {  	_ =	shalt  }
0x5c: {  	_ =	shalt  }
0x5d: {  	_ =	shalt  }
0x5e: {  	_ =	shalt  }
0x5f: {  	_ =	shalt  }
0x60: {  	_ =	shalt  }
0x61: {  	_ =	shalt  }
0x62: {  	_ =	shalt  }
0x63: {  	_ =	shalt  }
0x64: {  	_ =	shalt  }
0x65: {  	_ =	shalt  }
0x66: {  	_ =	shalt  }
0x67: {  	_ =	shalt  }
0x68: {  	_ =	shalt  }
0x69: {  	_ =	shalt  }
0x6a: {  	_ =	shalt  }
0x6b: {  	_ =	shalt  }
0x6c: {  	_ =	shalt  }
0x6d: {  	_ =	shalt  }
0x6e: {  	_ =	shalt  }
0x6f: {  	_ =	shalt  }
0x70: {  	_ =	shalt  }
0x71: {  	_ =	shalt  }
0x72: {  	_ =	shalt  }
0x73: {  	_ =	shalt  }
0x74: {  	_ =	shalt  }
0x75: {  	_ =	shalt  }
0x76: {  	_ =	shalt  }
0x77: {  	_ =	shalt  }
0x78: {  	_ =	shalt  }
0x79: {  	_ =	shalt  }
0x7a: {  	_ =	shalt  }
0x7b: {  	_ =	shalt  }
0x7c: {  	_ =	shalt  }
0x7d: {  	_ =	shalt  }
0x7e: {  	_ =	shalt  }
0x7f: {  	_ =	shalt  }
0x80: {  	_ =	shalt  }
0x81: {  	_ =	shalt  }
0x82: {  	_ =	shalt  }
0x83: {  	_ =	shalt  }
0x84: {  	_ =	shalt  }
0x85: {  	_ =	shalt  }
0x86: {  	_ =	shalt  }
0x87: {  	_ =	shalt  }
.Lfunc_end0:
.L_simem_size_0:
called_computation.1_lowered:
.L_overlay_start_0:
0x88: {  	s2 =	sld [smem:$0x3FD9]  }
0x89: {  	s3 =	sld [smem:$0x3FFE];
	_ =	sdelay $0x1  }
0x8a: {  	s1 =	srdreg.scid  }
0x8b: {  	s0 =	sand.u32 $0x1, s1  }
0x8c: {  	s17 =	sshll.u32 s0, $0xA;
	s2 =	sadd.s32 s3, s2  }
0x8d: {  	s2 =	sadd.s32 s2, s17  }
0x8e: {  	[smem:$0x3FBB] =	sst s2  }
0x8f: {  	_ = 	snop  }
0x90: {  	s18 =	sld [smem:$0x3FC8];
	(tm) =	ssettm $0x1  }
0x91: {  	s19 =	sld [smem:$0x3FFB];
	_ =	sdelay $0x3  }
0x92: {  	_ =	strace s19  }
0x93: {  	s2 =	sld [smem:$0x3FFC];
	_ =	sdelay $0x3  }
0x94: {  	_ =	strace s2  }
0x95: {  	s2 =	sld [smem:$0x3FFD];
	_ =	sdelay $0x3  }
0x96: {  	_ =	strace s2  }
0x97: {  	_ =	strace $0x8FFFFFFF  }
0x98: {  	s20 =	sld [smem:$0x3FDB];
	_ =	sdelay $0x1  }
0x99: {  	s4 =	simm.s32 $_scs_section_size  }
0x9a: {  	s5 =	simm.s32 $_size__tile_overlayer_lowered;
	s6 =	simm.s32 $_tile_overlayer_lowered  }
0x9b: {  	s7 =	simm.s32 $0x1BFF;
	s21 =	sshll.u32 s6, $0x1;
	s4 =	sadd.s32 s4, s20  }
0x9c: {  	s22 =	simm.s32 $0x0;
	s5 =	sshll.u32 s5, $0x1;
	s6 =	sadd.s32 s21, s4  }
0x9d: {  	[timem:s22], [sflag:s7] =	dma.local [hbm:s6], s5  }
0x9e: {  	_ =	swait.ge [sflag:s7], s5  }
0x9f: {  	s5 =	ssub.s32 $0x0, s5;
	[sflag:s7] =	ssyncset.done $0x0  }
0xa0: {  	[sflag:s7] =	ssyncadd.s32 s5;
	_ =	sdelay $0x1  }
0xa1: {  	s23 =	simm.s32 $0x1B8B  }
0xa2: {  	_ =	swait.ge [sflag:s23], $0x1  }
0xa3: {  	[sflag:s23] =	ssyncset.done $0x0  }
0xa4: {  	[sflag:s23] =	ssyncadd.s32 $0xFFFFFFFF  }
0xa5: {  	s5 =	sld [smem:$0x0]  }
0xa6: {  	s6 =	sand.u32 $0xFFFFFFFE, s1  }
0xa7: {  	p0 =	sne.s32 s1, s6  }
0xa8: {  	s6 =	sshll.u32 @p0 s6, $0xE  }
0xa9: {  	s6 =	sadd.s32 @p0 $0x11B8D, s6;
	s7 =	sshll.u32 @p0 s5, $0x11  }
0xaa: {  	s6 =	sor.u32 @p0 s7, s6  }
0xab: {  	[sflag:s6] =	ssyncadd.remote.s32 @p0 $0x1;
	_ =	sdelay $0x1  }
0xac: {  	s6 =	simm.s32 @p0 $0x1B8D  }
0xad: {  	_ =	swait.eq @p0 [sflag:s6], $0x1  }
0xae: {  	[sflag:s6] =	ssyncadd.s32 @p0 $0xFFFFFFFF  }
0xaf: {  	s7 =	sshll.u32 @!p0 s1, $0xE  }
0xb0: {  	s7 =	sor.u32 @!p0 $0x4000, s7;
	s6 =	simm.s32 @!p0 $0x1B8D  }
0xb1: {  	s5 =	sshll.u32 @!p0 s5, $0x11;
	s7 =	sadd.s32 @!p0 $0x11B8D, s7;
	_ =	swait.eq @!p0 [sflag:s6], $0x1  }
0xb2: {  	s5 =	sor.u32 @!p0 s5, s7;
	[sflag:s6] =	ssyncadd.s32 @!p0 $0xFFFFFFFF  }
0xb3: {  	s25 =	simm.s32 $0x1B8E;
	s24 =	sld [smem:$0x3FFE];
	[sflag:s5] =	ssyncadd.remote.s32 @!p0 $0x1  }
0xb4: {  	s26 =	simm.s32 $execute0_lowered;
	[smem:$0x3FD2] =	sst s25  }
0xb5: {  	s6 =	sshll.u32 s26, $0x1;
	_ =	strace $0x80000049;
	[dreg:$0x1] =	wrdreg $0xFFFFFFFF  }
0xb6: {  	s28 =	simm.s32 $_size_execute0_lowered;
	s4 =	sadd.s32 s4, s6;
	[dreg:$0x0] =	wrdreg $0x0  }
0xb7: {  	s6 =	sshll.u32 s28, $0x1;
	[dreg:$0x2] =	wrdreg s4  }
0xb8: {  	[dreg:$0x3] =	wrdreg s6  }
0xb9: {  	[dreg:$0x4] =	wrdreg $0xC0  }
0xba: {  	_ =	task [dreg:s22], $0x5FFFF  }
0xbb: {  	[dreg:$0x1] =	wrdreg $0xFFFFFFFF  }
0xbc: {  	[dreg:$0x0] =	wrdreg $0x60  }
0xbd: {  	[dreg:$0x2] =	wrdreg s18  }
0xbe: {  	[dreg:$0x3] =	wrdreg s24  }
0xbf: {  	[dreg:$0x4] =	wrdreg $0xA  }
0xc0: {  	_ =	task.clear_ibuf [dreg:s22], $0x5FFFF;
	_ =	strace $0x90000049  }
0xc1: {  	s29 =	simm.s32 $0xA;
	_ =	strace $0x8000004B  }
0xc2: {  	_ =	swait.ge [sflag:s29], $0x1  }
0xc3: {  	[sflag:s29] =	ssyncadd.s32 $0xFFFFFFFF  }
0xc4: {  	_ =	strace $0x9000004B  }
0xc5: {  	_ =	sfence  }
0xc6: {  	s30 =	sld [smem:$0x0];
	_ =	sdelay $0x2  }
0xc7: {  	s31 =	sshll.u32 s1, $0xD;
	s1 =	sshrl.u32 s1, $0x2  }
0xc8: {  	s4 =	sand.u32 $0x4000, s31;
	s1 =	sadd.s32 s1, s30  }
0xc9: {  	s0 =	sor.u32 s4, s0;
	s1 =	sshll.u32 s1, $0x11  }
0xca: {  	s0 =	sor.u32 s1, s0  }
0xcb: {  	s0 =	sadd.s32 $0x8F2B, s0  }
0xcc: {  	[sflag:s0] =	ssyncadd.remote.s32 $0x1  }
0xcd: {  	_ =	sfence.sel $0xFFFF  }
0xce: {  	[dreg:$0x0] =	wrdreg $0xFFFFFFFF;
	(pc) =	sbr.abs _section_cstart, $3  }
0xcf: {  	[dreg:$0x1] =	wrdreg $0xFFFFFFFF  }
0xd0: {  	_ =	task.clear_ibuf [dreg:s22], $0x2FFFF;
	_ =	strace $0x9FFFFFFF  }
0xd1: {  	(tm) =	ssettm $0x7FFFFFFF  }
tec
execute0_lowered:
.L_overlay_start_1:
0x0: {  	(tag) =	ssettag $0x1  }
0x1: {  	s1 =	srdreg.scid  }
0x2: {  	s3 =	rddreg [dreg:$0x0];
	s0 =	stileid.u32  }
0x3: {  	s8 =	rddreg [dreg:$0x1];
	s2 =	simm.s32 $0x0;
	s6 =	sand.u32 $0x1, s1  }
0x4: {  	s4 =	sshll.u32 s0, $0xA;
	s1 =	rddreg [dreg:$0x2];
	s5 =	sshll.u32 s6, $0x9  }
0x5: {  	s7 =	simm.s32 $0x1;
	[smem:$0x7FF] =	sst s2;
	s9 =	sor.u32 s5, s4  }
0x6: {  	_ =	strace $0x8000004A;
	s10 =	ssub.s32 $0x2, s6;
	s4 =	sshrl.u32 s9, $0x3  }
0x7: {  	s6 =	simm.s32 $0x200;
	s4 =	sadd.s32 s3, s4;
	s3 =	simm.s32 $0x2  }
0x8: {  	[tilespmem:s2], [sflag:$0x2] =	stream.linear.gather [hbm4b:s4+s2], $0x200, $0x38;
	[tilespmem:$0x4200] =	vst v63  }
0x9: {  	s5 =	sadd.s32 $0x2AC00, s8;
	s11 =	sshrl.u32 s10, $0x1;
	_ =	swait.ge [sflag:s3], $0x200  }
0xa: {  	s9 =	sshll.u32 s9, $0x2;
	s31 =	ssub.s32 s10, s11;
	[sflag:s3] =	ssyncset.done $0x0  }
0xb: {  	s8 =	sadd.s32 s9, s8;
	s9 =	smax.u32 s31, $0x1;
	[sflag:s3] =	ssyncadd.s32 $0xFFFFFE00  }
0xc: {  	[tilespmem:s6], [sflag:$0x1] =	stream.indirect.gather [hbm4b:s5+s6], $0x20, s2, s6, $0xb8;
	[tilespmem:$0x4200] =	vst v63  }
0xd: {  	p0 =	sne.s32 s9, $0x1;
	_ =	swait.ge [sflag:s7], $0x4000  }
.Ltmp0:
0xe: {  	[sflag:s7] =	ssyncset.done $0x0;
	(pc) =	sbr.rel @!p0 .LBB2_2-.Ltmp0, $4  }
0xf: {  	s8 =	sadd.s32 $0x3FB600, s8;
	[sflag:s7] =	ssyncadd.s32 $0xFFFFC000  }
0x10: {  	[hbm4b:s8+s2] =	stream.linear.scatter [tilespmem:s6], [sflag:$0x2], $0x4000, $0x38;
	[tilespmem:$0x4200] =	vst v63  }
0x11: {  	_ =	swait.ge [sflag:s3], $0x4000  }
0x12: {  	s9 =	sadd.s32 $0xFFFFFFFF, s9;
	[sflag:s3] =	ssyncset.done $0x0  }
.LBB2_1:
0x13: {  	p0 =	sne.s32 s9, $0x1;
	s9 =	sadd.s32 $0xFFFFFFFF, s9;
	[sflag:s3] =	ssyncadd.s32 $0xFFFFC000  }
0x14: {  	[tilespmem:s2], [sflag:$0x2] =	stream.linear.gather [hbm4b:s4+s2], $0x200, $0x38;
	[tilespmem:$0x4200] =	vst v63  }
0x15: {  	_ =	swait.ge [sflag:s3], $0x200  }
0x16: {  	[sflag:s3] =	ssyncset.done $0x0  }
0x17: {  	[sflag:s3] =	ssyncadd.s32 $0xFFFFFE00  }
0x18: {  	[tilespmem:s6], [sflag:$0x1] =	stream.indirect.gather [hbm4b:s5+s6], $0x20, s2, s6, $0xb8;
	[tilespmem:$0x4200] =	vst v63  }
0x19: {  	_ =	swait.ge [sflag:s7], $0x4000  }
.Ltmp1:
0x1a: {  	[sflag:s7] =	ssyncset.done $0x0;
	(pc) =	sbr.rel @p0 .LBB2_1-.Ltmp1, $4  }
0x1b: {  	[sflag:s7] =	ssyncadd.s32 $0xFFFFC000  }
0x1c: {  	[hbm4b:s8+s2] =	stream.linear.scatter [tilespmem:s6], [sflag:$0x2], $0x4000, $0x38;
	[tilespmem:$0x4200] =	vst v63  }
0x1d: {  	_ =	swait.ge [sflag:s3], $0x4000  }
0x1e: {  	[sflag:s3] =	ssyncset.done $0x0  }
.LBB2_2:
0x1f: {  	[sflag:s3] =	ssyncadd.s32 $0xFFFFC000  }
0x20: {  	_ =	sfence.sel $0x180000  }
0x21: {  	[bflag:$0x0] =	sbarrier.arrive $0xFFFF  }
0x22: {  	p0 =	sne.s32 s0, $0x0;
	_ =	strace $0x9000004A  }
0x23: {  	s0 =	sadd.s32 @!p0 $0x100000, s1;
	[bflag:$0x2] =	sbarrier.arrive $0xFFFF  }
0x24: {  	[sflag:s0] =	ssyncadd.tile.s32 @!p0 $0x1;
	_ =	shalt  }
.Lfunc_end2:
_tile_overlayer_lowered:
.L_overlay_start_2:
0x25: {  	(tag) =	ssettag $0x2  }
0x26: {  	s0 =	rddreg [dreg:$0x0];
	s2 =	stileid.u32  }
0x27: {  	s1 =	rddreg [dreg:$0x1];
	p0 =	sne.s32 s2, $0x0  }
0x28: {  	s3 =	rddreg [dreg:$0x2];
	[bflag:$0x3] =	sbarrier.arrive $0xFFFF;
	s2 =	simm.s32 @!p0 $0x1C02  }
0x29: {  	[timem:s3], [sflag:s2] =	dma.local @!p0 [hbm:s0], s1  }
0x2a: {  	s0 =	simm.s32 @!p0 $0x2  }
0x2b: {  	_ =	swait.ge @!p0 [sflag:s0], s1  }
0x2c: {  	s1 =	ssub.s32 @!p0 $0x0, s1;
	[sflag:s0] =	ssyncset.done @!p0 $0x0  }
0x2d: {  	[sflag:s0] =	ssyncadd.s32 @!p0 s1  }
0x2e: {  	[bflag:$0x3] =	sbarrier.arrive $0xFFFF  }
0x2f: {  	_ =	shalt  }

</sc_bundles>
